<compile_context>
chip_gen: v7x
topology: tpu7x:2x2x1
jax: 0.10.2.dev20260603
libtpu: 0.0.44.dev20260713+nightly
codegen_flags: <defaults>
</compile_context>

<pallas_src>
import functools

import jax
import jax.numpy as jnp
from jax import lax
from jax.experimental import pallas as pl
from jax.experimental.pallas import tpu as pltpu
from jax.experimental.pallas import tpu_sc as plsc

N = 10000
E = 320000
D_IN = 128
H = 256
HH = 128
H2 = 512
OUT_D = 128
NG = 512

NT = 16
K = 128
C = 160
G = 32
NGRP = C // G
EPT = K * C
EPAD = NT * EPT
RPT = 632
NACC = NT * RPT

RB = 1000
GRID = N // RB

_f32 = jnp.float32



def _sc_agg_body(r0, r1, srcs, dsts, zrows, out0, out1,
                 src_v, dst_v, rows_a, rows_b, acc, sem_a, sem_b):
    c = lax.axis_index("c")
    s = lax.axis_index("s")
    row0 = s * RPT

    pltpu.sync_copy(zrows, acc.at[pl.ds(row0, RPT)])
    plsc.subcore_barrier()

    def run(r_hbm):
        def gather(j, buf, sem):
            return pltpu.async_copy(r_hbm.at[src_v.at[j]], buf, sem)

        def wait(buf, sem):
            pltpu.make_async_copy(r_hbm.at[src_v.at[0]], buf, sem).wait()

        def scat(j, buf):
            pltpu.sync_copy(buf, acc.at[dst_v.at[j]], add=True)

        def grp(g, carry):
            pltpu.sync_copy(srcs.at[s].at[pl.ds(g * G, G)], src_v)
            pltpu.sync_copy(dsts.at[s].at[pl.ds(g * G, G)], dst_v)
            gather(0, rows_a, sem_a)

            def pair(p, carry2):
                j = 2 * p
                gather(j + 1, rows_b, sem_b)
                wait(rows_a, sem_a)
                scat(j, rows_a)
                gather(j + 2, rows_a, sem_a)
                wait(rows_b, sem_b)
                scat(j + 1, rows_b)
                return carry2
            lax.fori_loop(0, G // 2 - 1, pair, 0)

            gather(G - 1, rows_b, sem_b)
            wait(rows_a, sem_a)
            scat(G - 2, rows_a)
            wait(rows_b, sem_b)
            scat(G - 1, rows_b)
            return carry
        lax.fori_loop(0, NGRP, grp, 0)

    @pl.when(c == 0)
    def _():
        run(r0)

    @pl.when(c == 1)
    def _():
        run(r1)

    plsc.subcore_barrier()

    @pl.when(c == 0)
    def _():
        pltpu.sync_copy(acc.at[pl.ds(row0, RPT)], out0.at[pl.ds(row0, RPT)])

    @pl.when(c == 1)
    def _():
        pltpu.sync_copy(acc.at[pl.ds(row0, RPT)], out1.at[pl.ds(row0, RPT)])


@functools.cache
def _sc_agg():
    return pl.kernel(
        _sc_agg_body,
        out_type=(jax.ShapeDtypeStruct((NACC, HH), _f32),
                  jax.ShapeDtypeStruct((NACC, HH), _f32)),
        mesh=plsc.VectorSubcoreMesh(core_axis_name="c", subcore_axis_name="s",
                                    num_cores=2, num_subcores=NT),
        scratch_types=[
            pltpu.VMEM((G, K), jnp.int32),
            pltpu.VMEM((G, K), jnp.int32),
            pltpu.VMEM((K, HH), _f32),
            pltpu.VMEM((K, HH), _f32),
            pltpu.VMEM_SHARED((NACC, HH), _f32),
            pltpu.SemaphoreType.DMA,
            pltpu.SemaphoreType.DMA,
        ],
    )


def _agg_halves(r0, r1, srcs, dsts, zrows):
    return _sc_agg()(r0, r1, srcs, dsts, zrows)



def _mm_in_body(x_ref, w_ref, b_ref, h_ref, r0_ref, r1_ref):
    h = jnp.dot(x_ref[...], w_ref[...], preferred_element_type=_f32) + b_ref[...]
    h_ref[...] = h
    r = jnp.maximum(h, 0.0)
    r0_ref[...] = r[:, :HH]
    r1_ref[...] = r[:, HH:]


_mm_in = pl.pallas_call(
    _mm_in_body,
    grid=(GRID,),
    in_specs=[
        pl.BlockSpec((RB, D_IN), lambda i: (i, 0)),
        pl.BlockSpec((D_IN, H), lambda i: (0, 0)),
        pl.BlockSpec((1, H), lambda i: (0, 0)),
    ],
    out_specs=[
        pl.BlockSpec((RB, H), lambda i: (i, 0)),
        pl.BlockSpec((RB, HH), lambda i: (i, 0)),
        pl.BlockSpec((RB, HH), lambda i: (i, 0)),
    ],
    out_shape=[
        jax.ShapeDtypeStruct((N, H), _f32),
        jax.ShapeDtypeStruct((N, HH), _f32),
        jax.ShapeDtypeStruct((N, HH), _f32),
    ],
)


def _stats_update(st_ref, z):
    ps = jnp.sum(z, axis=0, keepdims=True)
    pq = jnp.sum(z * z, axis=0, keepdims=True)
    blk = jnp.concatenate([ps, pq], axis=0)

    @pl.when(pl.program_id(0) == 0)
    def _():
        st_ref[...] = blk

    @pl.when(pl.program_id(0) != 0)
    def _():
        st_ref[...] += blk


def _layer_a_body(h_ref, a0_ref, a1_ref, ep_ref, w_ref, b_ref, z1_ref, st_ref):
    agg = jnp.concatenate([a0_ref[...], a1_ref[...]], axis=1)
    z = h_ref[...] * ep_ref[0, 0] + agg
    z1 = jnp.dot(z, w_ref[...], preferred_element_type=_f32) + b_ref[...]
    z1_ref[...] = z1
    _stats_update(st_ref, z1)


_layer_a = pl.pallas_call(
    _layer_a_body,
    grid=(GRID,),
    in_specs=[
        pl.BlockSpec((RB, H), lambda i: (i, 0)),
        pl.BlockSpec((RB, HH), lambda i: (i, 0)),
        pl.BlockSpec((RB, HH), lambda i: (i, 0)),
        pl.BlockSpec((1, 1), lambda i: (0, 0)),
        pl.BlockSpec((H, H2), lambda i: (0, 0)),
        pl.BlockSpec((1, H2), lambda i: (0, 0)),
    ],
    out_specs=[
        pl.BlockSpec((RB, H2), lambda i: (i, 0)),
        pl.BlockSpec((2, H2), lambda i: (0, 0)),
    ],
    out_shape=[
        jax.ShapeDtypeStruct((N, H2), _f32),
        jax.ShapeDtypeStruct((2, H2), _f32),
    ],
)


def _layer_b_body(z1_ref, sc_ref, sh_ref, w_ref, b_ref, z2_ref, st_ref):
    y = jnp.maximum(z1_ref[...] * sc_ref[...] + sh_ref[...], 0.0)
    z2 = jnp.dot(y, w_ref[...], preferred_element_type=_f32) + b_ref[...]
    z2_ref[...] = z2
    _stats_update(st_ref, z2)


_layer_b = pl.pallas_call(
    _layer_b_body,
    grid=(GRID,),
    in_specs=[
        pl.BlockSpec((RB, H2), lambda i: (i, 0)),
        pl.BlockSpec((1, H2), lambda i: (0, 0)),
        pl.BlockSpec((1, H2), lambda i: (0, 0)),
        pl.BlockSpec((H2, H), lambda i: (0, 0)),
        pl.BlockSpec((1, H), lambda i: (0, 0)),
    ],
    out_specs=[
        pl.BlockSpec((RB, H), lambda i: (i, 0)),
        pl.BlockSpec((2, H), lambda i: (0, 0)),
    ],
    out_shape=[
        jax.ShapeDtypeStruct((N, H), _f32),
        jax.ShapeDtypeStruct((2, H), _f32),
    ],
)


def _layer_c_body(z2_ref, sc_ref, sh_ref, h_ref, r0_ref, r1_ref):
    t = z2_ref[...] * sc_ref[...] + sh_ref[...]
    h = jnp.where(t > 0.0, t, jnp.exp(jnp.minimum(t, 0.0)) - 1.0)
    h_ref[...] = h
    r = jnp.maximum(h, 0.0)
    r0_ref[...] = r[:, :HH]
    r1_ref[...] = r[:, HH:]


_layer_c = pl.pallas_call(
    _layer_c_body,
    grid=(GRID,),
    in_specs=[
        pl.BlockSpec((RB, H), lambda i: (i, 0)),
        pl.BlockSpec((1, H), lambda i: (0, 0)),
        pl.BlockSpec((1, H), lambda i: (0, 0)),
    ],
    out_specs=[
        pl.BlockSpec((RB, H), lambda i: (i, 0)),
        pl.BlockSpec((RB, HH), lambda i: (i, 0)),
        pl.BlockSpec((RB, HH), lambda i: (i, 0)),
    ],
    out_shape=[
        jax.ShapeDtypeStruct((N, H), _f32),
        jax.ShapeDtypeStruct((N, HH), _f32),
        jax.ShapeDtypeStruct((N, HH), _f32),
    ],
)


def _pool_body(h_ref, batch_ref, wo_ref, bo_ref, out_ref, acc_ref):
    i = pl.program_id(0)
    b = batch_ref[0]
    g = lax.broadcasted_iota(jnp.int32, (NG, RB), 0)
    sel = (g == b).astype(_f32)
    part = jnp.dot(sel, h_ref[...], preferred_element_type=_f32,
                   precision=lax.Precision.HIGHEST)

    @pl.when(i == 0)
    def _():
        acc_ref[...] = part

    @pl.when(i != 0)
    def _():
        acc_ref[...] += part

    @pl.when(i == GRID - 1)
    def _():
        out_ref[...] = (jnp.dot(acc_ref[...], wo_ref[...],
                                preferred_element_type=_f32) + bo_ref[...])


_pool = pl.pallas_call(
    _pool_body,
    grid=(GRID,),
    in_specs=[
        pl.BlockSpec((RB, H), lambda i: (i, 0)),
        pl.BlockSpec((1, 1, RB), lambda i: (i, 0, 0)),
        pl.BlockSpec((H, OUT_D), lambda i: (0, 0)),
        pl.BlockSpec((1, OUT_D), lambda i: (0, 0)),
    ],
    out_specs=pl.BlockSpec((NG, OUT_D), lambda i: (0, 0)),
    out_shape=jax.ShapeDtypeStruct((NG, OUT_D), _f32),
    scratch_shapes=[pltpu.VMEM((NG, H), _f32)],
)


def _bn_coeffs(stats, g, be):
    mu = stats[0] / N
    var = stats[1] / N - mu * mu
    sc = g * lax.rsqrt(var + 1e-5)
    sh = be - mu * sc
    return sc.reshape(1, -1), sh.reshape(1, -1)



def kernel(x, edge_index, batch, params):
    src = edge_index[0]
    dst = edge_index[1]
    pad = EPAD - E
    srcs = jnp.concatenate([src, jnp.zeros((pad,), jnp.int32)]).reshape(NT, C, K)
    dsts = jnp.concatenate([dst, jnp.full((pad,), N, jnp.int32)]).reshape(NT, C, K)
    zrows = jnp.zeros((RPT, HH), _f32)

    h, r0, r1 = _mm_in(x, params['W_in'], params['b_in'].reshape(1, H))
    for lp in params['layers']:
        a0, a1 = _agg_halves(r0, r1, srcs, dsts, zrows)
        z1, st1 = _layer_a(h, a0, a1, (1.0 + lp['eps']).reshape(1, 1),
                           lp['W1'], lp['b1'].reshape(1, H2))
        sc1, sh1 = _bn_coeffs(st1, lp['g1'], lp['be1'])
        z2, st2 = _layer_b(z1, sc1, sh1, lp['W2'], lp['b2'].reshape(1, H))
        sc2, sh2 = _bn_coeffs(st2, lp['g2'], lp['be2'])
        h, r0, r1 = _layer_c(z2, sc2, sh2)

    return _pool(h, batch.reshape(GRID, 1, RB), params['W_out'],
                 params['b_out'].reshape(1, OUT_D))

# --- scband reference (transcript-rebuilt; emitter-appended) ---
"""Pipeline reference for scband-drug-gnnencoder-46995532152981 (READ-ONLY COPY).

The authoritative reference and input builder live on the scoring server;
editing this copy changes nothing except your own understanding.
"""

import jax, jax.numpy as jnp
import numpy as np

N = 10000
E = 320000
D_IN = 128
H = 256
OUT = 128
NG = 512
NL = 3


def _lin(key, fi, fo):
    k1, k2 = jax.random.split(key)
    s = 1.0 / np.sqrt(fi)
    return (jax.random.uniform(k1, (fi, fo), jnp.float32, -s, s),
            jax.random.uniform(k2, (fo,), jnp.float32, -s, s))


def setup_inputs(seed: int = 0) -> dict:
    key = jax.random.key(seed)
    ks = jax.random.split(key, 8 + NL)
    x = jax.random.normal(ks[0], (N, D_IN), jnp.float32)
    edge_index = jax.random.randint(ks[1], (2, E), 0, N, dtype=jnp.int32)
    batch = jnp.sort(jax.random.randint(ks[2], (N,), 0, NG, dtype=jnp.int32))
    W_in, b_in = _lin(ks[3], D_IN, H)
    layers = []
    for i in range(NL):
        lk = jax.random.split(ks[4 + i], 2)
        W1, b1 = _lin(lk[0], H, 2 * H)
        W2, b2 = _lin(lk[1], 2 * H, H)
        layers.append({
            'eps': jnp.zeros((), jnp.float32),
            'W1': W1, 'b1': b1,
            'g1': jnp.ones((2 * H,), jnp.float32), 'be1': jnp.zeros((2 * H,), jnp.float32),
            'W2': W2, 'b2': b2,
            'g2': jnp.ones((H,), jnp.float32), 'be2': jnp.zeros((H,), jnp.float32),
        })
    W_out, b_out = _lin(ks[7], H, OUT)
    params = {'W_in': W_in, 'b_in': b_in, 'layers': layers, 'W_out': W_out, 'b_out': b_out}
    return {'x': x, 'edge_index': edge_index, 'batch': batch, 'params': params}


def _bn(h, g, b):
    mu = h.mean(axis=0)
    var = h.var(axis=0)
    return g * (h - mu) / jnp.sqrt(var + 1e-5) + b


def reference(x, edge_index, batch, params):
    src = edge_index[0]
    dst = edge_index[1]
    h = x @ params['W_in'] + params['b_in']
    for lp in params['layers']:
        # GINEConv: edge_attr is None -> zeros, so message = relu(x_j + 0)
        msg = jax.nn.relu(h[src])
        agg = jax.ops.segment_sum(msg, dst, num_segments=N)
        z = (1.0 + lp['eps']) * h + agg
        # MLP: Linear -> BatchNorm1d -> ReLU -> Linear
        z = z @ lp['W1'] + lp['b1']
        z = _bn(z, lp['g1'], lp['be1'])
        z = jax.nn.relu(z)
        z = z @ lp['W2'] + lp['b2']
        # outer BatchNorm1d + ELU (dropout = identity in eval)
        z = _bn(z, lp['g2'], lp['be2'])
        h = jax.nn.elu(z)
    pooled = jax.ops.segment_sum(h, batch, num_segments=NG)
    return pooled @ params['W_out'] + params['b_out']

if __name__ == "__main__":
    import jax
    _d = setup_inputs()
    print(jax.jit(kernel)(*tuple(_d.values())))

</pallas_src>

<mosaic_0001>
#map = affine_map<(d0, d1) -> (0, 0)>
#map1 = affine_map<(d0, d1) -> (0, 0, 0)>
module attributes {stable_mosaic.version = 14 : i64} {
  func.func @_sc_agg_body(%arg0: i32, %arg1: i32, %arg2: memref<10000x128xf32, #tpu.memory_space<hbm>>, %arg3: memref<10000x128xf32, #tpu.memory_space<hbm>>, %arg4: memref<16x160x128xi32, #tpu.memory_space<hbm>>, %arg5: memref<16x160x128xi32, #tpu.memory_space<hbm>>, %arg6: memref<632x128xf32, #tpu.memory_space<hbm>>, %arg7: memref<10112x128xf32, #tpu.memory_space<hbm>>, %arg8: memref<10112x128xf32, #tpu.memory_space<hbm>>, %arg9: memref<32x128xi32, #tpu.memory_space<vmem>>, %arg10: memref<32x128xi32, #tpu.memory_space<vmem>>, %arg11: memref<128x128xf32, #tpu.memory_space<vmem>>, %arg12: memref<128x128xf32, #tpu.memory_space<vmem>>, %arg13: memref<10112x128xf32, #tpu.memory_space<vmem_shared>>, %arg14: memref<!tpu.dma_semaphore, #tpu.memory_space<semaphore_mem>>, %arg15: memref<!tpu.dma_semaphore, #tpu.memory_space<semaphore_mem>>) attributes {dimension_semantics = [#tpu.dimension_semantics<core_parallel>, #tpu.dimension_semantics<subcore_parallel>], iteration_bounds = array<i64: 2, 16>, scalar_prefetch = 0 : i64, scratch_operands = 7 : i64, tpu.core_type = #tpu.core_type<sc_vector_subcore>, window_params = [{transform_indices = #map}, {transform_indices = #map}, {transform_indices = #map1}, {transform_indices = #map1}, {transform_indices = #map}, {transform_indices = #map}, {transform_indices = #map}]} {
    %mul3A = arith.constant 632 : i32
    %mul3A_0 = arith.muli %arg1, %mul3A : i32
    "tpu.region"() ({
      %run_scoped3A = tpu.sem_alloc : memref<!tpu.dma_semaphore, #tpu.memory_space<semaphore_mem>>
      %dma_start3A = arith.constant 0 : i32
      %dma_start3A_19 = tpu.memref_slice %arg13[%mul3A_0, %dma_start3A] : memref<10112x128xf32, #tpu.memory_space<vmem_shared>> -> memref<632x128xf32, #tpu.memory_space<vmem_shared>>
      tpu.enqueue_dma source(%arg6 : memref<632x128xf32, #tpu.memory_space<hbm>>) target(%dma_start3A_19 : memref<632x128xf32, #tpu.memory_space<vmem_shared>>) target_semaphore(%run_scoped3A : memref<!tpu.dma_semaphore, #tpu.memory_space<semaphore_mem>>)
      %dma_wait3A = arith.constant 0 : i32
      %dma_wait3A_20 = tpu.memref_slice %arg13[%mul3A_0, %dma_wait3A] : memref<10112x128xf32, #tpu.memory_space<vmem_shared>> -> memref<632x128xf32, #tpu.memory_space<vmem_shared>>
      tpu.wait_dma2 semaphore(%run_scoped3A : memref<!tpu.dma_semaphore, #tpu.memory_space<semaphore_mem>>) src(%arg6 : memref<632x128xf32, #tpu.memory_space<hbm>>) dst(%dma_wait3A_20 : memref<632x128xf32, #tpu.memory_space<vmem_shared>>)
      tpu.yield
    }) : () -> ()
    %barrier3A = arith.constant 0 : index
    tpu.barrier barrier_id(%barrier3A)
    %eq3A = arith.constant 0 : i32
    %eq3A_1 = arith.cmpi eq, %arg0, %eq3A : i32
    %convert_element_type3A = arith.extui %eq3A_1 : i1 to i32
    %cond3A = arith.constant 0 : i32
    %cond3A_2 = arith.cmpi ne, %convert_element_type3A, %cond3A : i32
    scf.if %cond3A_2 {
      %scan3A = arith.constant 0 : i32
      %scan3A_19 = arith.constant 0 : i32
      %scan3A_20 = arith.constant 5 : i32
      %scan3A_21 = arith.addi %scan3A_19, %scan3A_20 : i32
      %scan3A_22 = arith.constant 1 : i32
      scf.for %scan3A_24 = %scan3A_19 to %scan3A_21 step %scan3A_22  : i32 {
        %mul3A_25 = arith.constant 32 : i32
        %mul3A_26 = arith.muli %scan3A_24, %mul3A_25 : i32
        "tpu.region"() ({
          %run_scoped3A_62 = tpu.sem_alloc : memref<!tpu.dma_semaphore, #tpu.memory_space<semaphore_mem>>
          %dma_start3A_63 = arith.constant 0 : i32
          %dma_start3A_64 = arith.constant 0 : i32
          %dma_start3A_65 = tpu.memref_slice %arg4[%arg1, %dma_start3A_63, %dma_start3A_64] : memref<16x160x128xi32, #tpu.memory_space<hbm>> -> memref<1x160x128xi32, #tpu.memory_space<hbm>>
          %dma_start3A_66 = tpu.memref_squeeze %dma_start3A_65 : memref<1x160x128xi32, #tpu.memory_space<hbm>> -> memref<160x128xi32, #tpu.memory_space<hbm>>
          %dma_start3A_67 = arith.constant 0 : i32
          %dma_start3A_68 = tpu.memref_slice %dma_start3A_66[%mul3A_26, %dma_start3A_67] : memref<160x128xi32, #tpu.memory_space<hbm>> -> memref<32x128xi32, #tpu.memory_space<hbm>>
          %dma_start3A_69 = arith.constant 0 : i32
          %dma_start3A_70 = arith.constant 0 : i32
          %dma_start3A_71 = tpu.memref_slice %arg4[%arg1, %dma_start3A_69, %dma_start3A_70] : memref<16x160x128xi32, #tpu.memory_space<hbm>> -> memref<1x160x128xi32, #tpu.memory_space<hbm>>
          %dma_start3A_72 = tpu.memref_squeeze %dma_start3A_71 : memref<1x160x128xi32, #tpu.memory_space<hbm>> -> memref<160x128xi32, #tpu.memory_space<hbm>>
          %dma_start3A_73 = arith.constant 0 : i32
          %dma_start3A_74 = tpu.memref_slice %dma_start3A_72[%mul3A_26, %dma_start3A_73] : memref<160x128xi32, #tpu.memory_space<hbm>> -> memref<32x128xi32, #tpu.memory_space<hbm>>
          tpu.enqueue_dma source(%dma_start3A_74 : memref<32x128xi32, #tpu.memory_space<hbm>>) target(%arg9 : memref<32x128xi32, #tpu.memory_space<vmem>>) target_semaphore(%run_scoped3A_62 : memref<!tpu.dma_semaphore, #tpu.memory_space<semaphore_mem>>)
          %dma_wait3A_75 = arith.constant 0 : i32
          %dma_wait3A_76 = arith.constant 0 : i32
          %dma_wait3A_77 = tpu.memref_slice %arg4[%arg1, %dma_wait3A_75, %dma_wait3A_76] : memref<16x160x128xi32, #tpu.memory_space<hbm>> -> memref<1x160x128xi32, #tpu.memory_space<hbm>>
          %dma_wait3A_78 = tpu.memref_squeeze %dma_wait3A_77 : memref<1x160x128xi32, #tpu.memory_space<hbm>> -> memref<160x128xi32, #tpu.memory_space<hbm>>
          %dma_wait3A_79 = arith.constant 0 : i32
          %dma_wait3A_80 = tpu.memref_slice %dma_wait3A_78[%mul3A_26, %dma_wait3A_79] : memref<160x128xi32, #tpu.memory_space<hbm>> -> memref<32x128xi32, #tpu.memory_space<hbm>>
          %dma_wait3A_81 = arith.constant 0 : i32
          %dma_wait3A_82 = arith.constant 0 : i32
          %dma_wait3A_83 = tpu.memref_slice %arg4[%arg1, %dma_wait3A_81, %dma_wait3A_82] : memref<16x160x128xi32, #tpu.memory_space<hbm>> -> memref<1x160x128xi32, #tpu.memory_space<hbm>>
          %dma_wait3A_84 = tpu.memref_squeeze %dma_wait3A_83 : memref<1x160x128xi32, #tpu.memory_space<hbm>> -> memref<160x128xi32, #tpu.memory_space<hbm>>
          %dma_wait3A_85 = arith.constant 0 : i32
          %dma_wait3A_86 = tpu.memref_slice %dma_wait3A_84[%mul3A_26, %dma_wait3A_85] : memref<160x128xi32, #tpu.memory_space<hbm>> -> memref<32x128xi32, #tpu.memory_space<hbm>>
          tpu.wait_dma2 semaphore(%run_scoped3A_62 : memref<!tpu.dma_semaphore, #tpu.memory_space<semaphore_mem>>) src(%dma_wait3A_86 : memref<32x128xi32, #tpu.memory_space<hbm>>) dst(%arg9 : memref<32x128xi32, #tpu.memory_space<vmem>>)
          tpu.yield
        }) : () -> ()
        %mul3A_27 = arith.constant 32 : i32
        %mul3A_28 = arith.muli %scan3A_24, %mul3A_27 : i32
        "tpu.region"() ({
          %run_scoped3A_62 = tpu.sem_alloc : memref<!tpu.dma_semaphore, #tpu.memory_space<semaphore_mem>>
          %dma_start3A_63 = arith.constant 0 : i32
          %dma_start3A_64 = arith.constant 0 : i32
          %dma_start3A_65 = tpu.memref_slice %arg5[%arg1, %dma_start3A_63, %dma_start3A_64] : memref<16x160x128xi32, #tpu.memory_space<hbm>> -> memref<1x160x128xi32, #tpu.memory_space<hbm>>
          %dma_start3A_66 = tpu.memref_squeeze %dma_start3A_65 : memref<1x160x128xi32, #tpu.memory_space<hbm>> -> memref<160x128xi32, #tpu.memory_space<hbm>>
          %dma_start3A_67 = arith.constant 0 : i32
          %dma_start3A_68 = tpu.memref_slice %dma_start3A_66[%mul3A_28, %dma_start3A_67] : memref<160x128xi32, #tpu.memory_space<hbm>> -> memref<32x128xi32, #tpu.memory_space<hbm>>
          %dma_start3A_69 = arith.constant 0 : i32
          %dma_start3A_70 = arith.constant 0 : i32
          %dma_start3A_71 = tpu.memref_slice %arg5[%arg1, %dma_start3A_69, %dma_start3A_70] : memref<16x160x128xi32, #tpu.memory_space<hbm>> -> memref<1x160x128xi32, #tpu.memory_space<hbm>>
          %dma_start3A_72 = tpu.memref_squeeze %dma_start3A_71 : memref<1x160x128xi32, #tpu.memory_space<hbm>> -> memref<160x128xi32, #tpu.memory_space<hbm>>
          %dma_start3A_73 = arith.constant 0 : i32
          %dma_start3A_74 = tpu.memref_slice %dma_start3A_72[%mul3A_28, %dma_start3A_73] : memref<160x128xi32, #tpu.memory_space<hbm>> -> memref<32x128xi32, #tpu.memory_space<hbm>>
          tpu.enqueue_dma source(%dma_start3A_74 : memref<32x128xi32, #tpu.memory_space<hbm>>) target(%arg10 : memref<32x128xi32, #tpu.memory_space<vmem>>) target_semaphore(%run_scoped3A_62 : memref<!tpu.dma_semaphore, #tpu.memory_space<semaphore_mem>>)
          %dma_wait3A_75 = arith.constant 0 : i32
          %dma_wait3A_76 = arith.constant 0 : i32
          %dma_wait3A_77 = tpu.memref_slice %arg5[%arg1, %dma_wait3A_75, %dma_wait3A_76] : memref<16x160x128xi32, #tpu.memory_space<hbm>> -> memref<1x160x128xi32, #tpu.memory_space<hbm>>
          %dma_wait3A_78 = tpu.memref_squeeze %dma_wait3A_77 : memref<1x160x128xi32, #tpu.memory_space<hbm>> -> memref<160x128xi32, #tpu.memory_space<hbm>>
          %dma_wait3A_79 = arith.constant 0 : i32
          %dma_wait3A_80 = tpu.memref_slice %dma_wait3A_78[%mul3A_28, %dma_wait3A_79] : memref<160x128xi32, #tpu.memory_space<hbm>> -> memref<32x128xi32, #tpu.memory_space<hbm>>
          %dma_wait3A_81 = arith.constant 0 : i32
          %dma_wait3A_82 = arith.constant 0 : i32
          %dma_wait3A_83 = tpu.memref_slice %arg5[%arg1, %dma_wait3A_81, %dma_wait3A_82] : memref<16x160x128xi32, #tpu.memory_space<hbm>> -> memref<1x160x128xi32, #tpu.memory_space<hbm>>
          %dma_wait3A_84 = tpu.memref_squeeze %dma_wait3A_83 : memref<1x160x128xi32, #tpu.memory_space<hbm>> -> memref<160x128xi32, #tpu.memory_space<hbm>>
          %dma_wait3A_85 = arith.constant 0 : i32
          %dma_wait3A_86 = tpu.memref_slice %dma_wait3A_84[%mul3A_28, %dma_wait3A_85] : memref<160x128xi32, #tpu.memory_space<hbm>> -> memref<32x128xi32, #tpu.memory_space<hbm>>
          tpu.wait_dma2 semaphore(%run_scoped3A_62 : memref<!tpu.dma_semaphore, #tpu.memory_space<semaphore_mem>>) src(%dma_wait3A_86 : memref<32x128xi32, #tpu.memory_space<hbm>>) dst(%arg10 : memref<32x128xi32, #tpu.memory_space<vmem>>)
          tpu.yield
        }) : () -> ()
        %dma_start3A = arith.constant 0 : i32
        %dma_start3A_29 = arith.constant 0 : i32
        %dma_start3A_30 = tpu.memref_slice %arg9[%dma_start3A, %dma_start3A_29] : memref<32x128xi32, #tpu.memory_space<vmem>> -> memref<1x128xi32, #tpu.memory_space<vmem>>
        %dma_start3A_31 = tpu.memref_squeeze %dma_start3A_30 : memref<1x128xi32, #tpu.memory_space<vmem>> -> memref<128xi32, #tpu.memory_space<vmem>>
        %dma_start3A_32 = arith.constant 0 : i32
        %dma_start3A_33 = arith.constant 0 : i32
        %dma_start3A_34 = tpu.memref_slice %arg2[%dma_start3A_32, %dma_start3A_33] : memref<10000x128xf32, #tpu.memory_space<hbm>> -> memref<10000x128xf32, #tpu.memory_space<hbm>>
        tpu.enqueue_indirect_dma source(%dma_start3A_34 : memref<10000x128xf32, #tpu.memory_space<hbm>>) target(%arg11 : memref<128x128xf32, #tpu.memory_space<vmem>>) offsets(%dma_start3A_31 : memref<128xi32, #tpu.memory_space<vmem>>) semaphore(%arg14 : memref<!tpu.dma_semaphore, #tpu.memory_space<semaphore_mem>>)
        %scan3A_35 = arith.constant 0 : i32
        %scan3A_36 = arith.constant 0 : i32
        %scan3A_37 = arith.constant 15 : i32
        %scan3A_38 = arith.addi %scan3A_36, %scan3A_37 : i32
        %scan3A_39 = arith.constant 1 : i32
        scf.for %scan3A_62 = %scan3A_36 to %scan3A_38 step %scan3A_39  : i32 {
          %mul3A_63 = arith.constant 2 : i32
          %mul3A_64 = arith.muli %mul3A_63, %scan3A_62 : i32
          %add3A = arith.constant 1 : i32
          %add3A_65 = arith.addi %mul3A_64, %add3A : i32
          %dma_start3A_66 = arith.constant 0 : i32
          %dma_start3A_67 = tpu.memref_slice %arg9[%add3A_65, %dma_start3A_66] : memref<32x128xi32, #tpu.memory_space<vmem>> -> memref<1x128xi32, #tpu.memory_space<vmem>>
          %dma_start3A_68 = tpu.memref_squeeze %dma_start3A_67 : memref<1x128xi32, #tpu.memory_space<vmem>> -> memref<128xi32, #tpu.memory_space<vmem>>
          %dma_start3A_69 = arith.constant 0 : i32
          %dma_start3A_70 = arith.constant 0 : i32
          %dma_start3A_71 = tpu.memref_slice %arg2[%dma_start3A_69, %dma_start3A_70] : memref<10000x128xf32, #tpu.memory_space<hbm>> -> memref<10000x128xf32, #tpu.memory_space<hbm>>
          tpu.enqueue_indirect_dma source(%dma_start3A_71 : memref<10000x128xf32, #tpu.memory_space<hbm>>) target(%arg12 : memref<128x128xf32, #tpu.memory_space<vmem>>) offsets(%dma_start3A_68 : memref<128xi32, #tpu.memory_space<vmem>>) semaphore(%arg15 : memref<!tpu.dma_semaphore, #tpu.memory_space<semaphore_mem>>)
          %dma_wait3A_72 = arith.constant 0 : i32
          %dma_wait3A_73 = arith.constant 0 : i32
          %dma_wait3A_74 = tpu.memref_slice %arg9[%dma_wait3A_72, %dma_wait3A_73] : memref<32x128xi32, #tpu.memory_space<vmem>> -> memref<1x128xi32, #tpu.memory_space<vmem>>
          %dma_wait3A_75 = tpu.memref_squeeze %dma_wait3A_74 : memref<1x128xi32, #tpu.memory_space<vmem>> -> memref<128xi32, #tpu.memory_space<vmem>>
          %dma_wait3A_76 = arith.constant 0 : i32
          %dma_wait3A_77 = arith.constant 0 : i32
          %dma_wait3A_78 = tpu.memref_slice %arg2[%dma_wait3A_76, %dma_wait3A_77] : memref<10000x128xf32, #tpu.memory_space<hbm>> -> memref<10000x128xf32, #tpu.memory_space<hbm>>
          tpu.wait_indirect_dma semaphore(%arg14 : memref<!tpu.dma_semaphore, #tpu.memory_space<semaphore_mem>>) src(%dma_wait3A_78 : memref<10000x128xf32, #tpu.memory_space<hbm>>) dst(%arg11 : memref<128x128xf32, #tpu.memory_space<vmem>>)
          "tpu.region"() ({
            %run_scoped3A_96 = tpu.sem_alloc : memref<!tpu.dma_semaphore, #tpu.memory_space<semaphore_mem>>
            %dma_start3A_97 = arith.constant 0 : i32
            %dma_start3A_98 = tpu.memref_slice %arg10[%mul3A_64, %dma_start3A_97] : memref<32x128xi32, #tpu.memory_space<vmem>> -> memref<1x128xi32, #tpu.memory_space<vmem>>
            %dma_start3A_99 = tpu.memref_squeeze %dma_start3A_98 : memref<1x128xi32, #tpu.memory_space<vmem>> -> memref<128xi32, #tpu.memory_space<vmem>>
            %dma_start3A_100 = arith.constant 0 : i32
            %dma_start3A_101 = arith.constant 0 : i32
            %dma_start3A_102 = tpu.memref_slice %arg13[%dma_start3A_100, %dma_start3A_101] : memref<10112x128xf32, #tpu.memory_space<vmem_shared>> -> memref<10112x128xf32, #tpu.memory_space<vmem_shared>>
            tpu.enqueue_indirect_dma source(%arg11 : memref<128x128xf32, #tpu.memory_space<vmem>>) target(%dma_start3A_102 : memref<10112x128xf32, #tpu.memory_space<vmem_shared>>) offsets(%dma_start3A_99 : memref<128xi32, #tpu.memory_space<vmem>>) semaphore(%run_scoped3A_96 : memref<!tpu.dma_semaphore, #tpu.memory_space<semaphore_mem>>) {add = true}
            %dma_wait3A_103 = arith.constant 0 : i32
            %dma_wait3A_104 = tpu.memref_slice %arg10[%mul3A_64, %dma_wait3A_103] : memref<32x128xi32, #tpu.memory_space<vmem>> -> memref<1x128xi32, #tpu.memory_space<vmem>>
            %dma_wait3A_105 = tpu.memref_squeeze %dma_wait3A_104 : memref<1x128xi32, #tpu.memory_space<vmem>> -> memref<128xi32, #tpu.memory_space<vmem>>
            %dma_wait3A_106 = arith.constant 0 : i32
            %dma_wait3A_107 = arith.constant 0 : i32
            %dma_wait3A_108 = tpu.memref_slice %arg13[%dma_wait3A_106, %dma_wait3A_107] : memref<10112x128xf32, #tpu.memory_space<vmem_shared>> -> memref<10112x128xf32, #tpu.memory_space<vmem_shared>>
            tpu.wait_indirect_dma semaphore(%run_scoped3A_96 : memref<!tpu.dma_semaphore, #tpu.memory_space<semaphore_mem>>) src(%arg11 : memref<128x128xf32, #tpu.memory_space<vmem>>) dst(%dma_wait3A_108 : memref<10112x128xf32, #tpu.memory_space<vmem_shared>>)
            tpu.yield
          }) : () -> ()
          %add3A_79 = arith.constant 2 : i32
          %add3A_80 = arith.addi %mul3A_64, %add3A_79 : i32
          %dma_start3A_81 = arith.constant 0 : i32
          %dma_start3A_82 = tpu.memref_slice %arg9[%add3A_80, %dma_start3A_81] : memref<32x128xi32, #tpu.memory_space<vmem>> -> memref<1x128xi32, #tpu.memory_space<vmem>>
          %dma_start3A_83 = tpu.memref_squeeze %dma_start3A_82 : memref<1x128xi32, #tpu.memory_space<vmem>> -> memref<128xi32, #tpu.memory_space<vmem>>
          %dma_start3A_84 = arith.constant 0 : i32
          %dma_start3A_85 = arith.constant 0 : i32
          %dma_start3A_86 = tpu.memref_slice %arg2[%dma_start3A_84, %dma_start3A_85] : memref<10000x128xf32, #tpu.memory_space<hbm>> -> memref<10000x128xf32, #tpu.memory_space<hbm>>
          tpu.enqueue_indirect_dma source(%dma_start3A_86 : memref<10000x128xf32, #tpu.memory_space<hbm>>) target(%arg11 : memref<128x128xf32, #tpu.memory_space<vmem>>) offsets(%dma_start3A_83 : memref<128xi32, #tpu.memory_space<vmem>>) semaphore(%arg14 : memref<!tpu.dma_semaphore, #tpu.memory_space<semaphore_mem>>)
          %dma_wait3A_87 = arith.constant 0 : i32
          %dma_wait3A_88 = arith.constant 0 : i32
          %dma_wait3A_89 = tpu.memref_slice %arg9[%dma_wait3A_87, %dma_wait3A_88] : memref<32x128xi32, #tpu.memory_space<vmem>> -> memref<1x128xi32, #tpu.memory_space<vmem>>
          %dma_wait3A_90 = tpu.memref_squeeze %dma_wait3A_89 : memref<1x128xi32, #tpu.memory_space<vmem>> -> memref<128xi32, #tpu.memory_space<vmem>>
          %dma_wait3A_91 = arith.constant 0 : i32
          %dma_wait3A_92 = arith.constant 0 : i32
          %dma_wait3A_93 = tpu.memref_slice %arg2[%dma_wait3A_91, %dma_wait3A_92] : memref<10000x128xf32, #tpu.memory_space<hbm>> -> memref<10000x128xf32, #tpu.memory_space<hbm>>
          tpu.wait_indirect_dma semaphore(%arg15 : memref<!tpu.dma_semaphore, #tpu.memory_space<semaphore_mem>>) src(%dma_wait3A_93 : memref<10000x128xf32, #tpu.memory_space<hbm>>) dst(%arg12 : memref<128x128xf32, #tpu.memory_space<vmem>>)
          %add3A_94 = arith.constant 1 : i32
          %add3A_95 = arith.addi %mul3A_64, %add3A_94 : i32
          "tpu.region"() ({
            %run_scoped3A_96 = tpu.sem_alloc : memref<!tpu.dma_semaphore, #tpu.memory_space<semaphore_mem>>
            %dma_start3A_97 = arith.constant 0 : i32
            %dma_start3A_98 = tpu.memref_slice %arg10[%add3A_95, %dma_start3A_97] : memref<32x128xi32, #tpu.memory_space<vmem>> -> memref<1x128xi32, #tpu.memory_space<vmem>>
            %dma_start3A_99 = tpu.memref_squeeze %dma_start3A_98 : memref<1x128xi32, #tpu.memory_space<vmem>> -> memref<128xi32, #tpu.memory_space<vmem>>
            %dma_start3A_100 = arith.constant 0 : i32
            %dma_start3A_101 = arith.constant 0 : i32
            %dma_start3A_102 = tpu.memref_slice %arg13[%dma_start3A_100, %dma_start3A_101] : memref<10112x128xf32, #tpu.memory_space<vmem_shared>> -> memref<10112x128xf32, #tpu.memory_space<vmem_shared>>
            tpu.enqueue_indirect_dma source(%arg12 : memref<128x128xf32, #tpu.memory_space<vmem>>) target(%dma_start3A_102 : memref<10112x128xf32, #tpu.memory_space<vmem_shared>>) offsets(%dma_start3A_99 : memref<128xi32, #tpu.memory_space<vmem>>) semaphore(%run_scoped3A_96 : memref<!tpu.dma_semaphore, #tpu.memory_space<semaphore_mem>>) {add = true}
            %dma_wait3A_103 = arith.constant 0 : i32
            %dma_wait3A_104 = tpu.memref_slice %arg10[%add3A_95, %dma_wait3A_103] : memref<32x128xi32, #tpu.memory_space<vmem>> -> memref<1x128xi32, #tpu.memory_space<vmem>>
            %dma_wait3A_105 = tpu.memref_squeeze %dma_wait3A_104 : memref<1x128xi32, #tpu.memory_space<vmem>> -> memref<128xi32, #tpu.memory_space<vmem>>
            %dma_wait3A_106 = arith.constant 0 : i32
            %dma_wait3A_107 = arith.constant 0 : i32
            %dma_wait3A_108 = tpu.memref_slice %arg13[%dma_wait3A_106, %dma_wait3A_107] : memref<10112x128xf32, #tpu.memory_space<vmem_shared>> -> memref<10112x128xf32, #tpu.memory_space<vmem_shared>>
            tpu.wait_indirect_dma semaphore(%run_scoped3A_96 : memref<!tpu.dma_semaphore, #tpu.memory_space<semaphore_mem>>) src(%arg12 : memref<128x128xf32, #tpu.memory_space<vmem>>) dst(%dma_wait3A_108 : memref<10112x128xf32, #tpu.memory_space<vmem_shared>>)
            tpu.yield
          }) : () -> ()
        }
        %scan3A_40 = arith.constant 15 : i32
        %dma_start3A_41 = arith.constant 31 : i32
        %dma_start3A_42 = arith.constant 0 : i32
        %dma_start3A_43 = tpu.memref_slice %arg9[%dma_start3A_41, %dma_start3A_42] : memref<32x128xi32, #tpu.memory_space<vmem>> -> memref<1x128xi32, #tpu.memory_space<vmem>>
        %dma_start3A_44 = tpu.memref_squeeze %dma_start3A_43 : memref<1x128xi32, #tpu.memory_space<vmem>> -> memref<128xi32, #tpu.memory_space<vmem>>
        %dma_start3A_45 = arith.constant 0 : i32
        %dma_start3A_46 = arith.constant 0 : i32
        %dma_start3A_47 = tpu.memref_slice %arg2[%dma_start3A_45, %dma_start3A_46] : memref<10000x128xf32, #tpu.memory_space<hbm>> -> memref<10000x128xf32, #tpu.memory_space<hbm>>
        tpu.enqueue_indirect_dma source(%dma_start3A_47 : memref<10000x128xf32, #tpu.memory_space<hbm>>) target(%arg12 : memref<128x128xf32, #tpu.memory_space<vmem>>) offsets(%dma_start3A_44 : memref<128xi32, #tpu.memory_space<vmem>>) semaphore(%arg15 : memref<!tpu.dma_semaphore, #tpu.memory_space<semaphore_mem>>)
        %dma_wait3A = arith.constant 0 : i32
        %dma_wait3A_48 = arith.constant 0 : i32
        %dma_wait3A_49 = tpu.memref_slice %arg9[%dma_wait3A, %dma_wait3A_48] : memref<32x128xi32, #tpu.memory_space<vmem>> -> memref<1x128xi32, #tpu.memory_space<vmem>>
        %dma_wait3A_50 = tpu.memref_squeeze %dma_wait3A_49 : memref<1x128xi32, #tpu.memory_space<vmem>> -> memref<128xi32, #tpu.memory_space<vmem>>
        %dma_wait3A_51 = arith.constant 0 : i32
        %dma_wait3A_52 = arith.constant 0 : i32
        %dma_wait3A_53 = tpu.memref_slice %arg2[%dma_wait3A_51, %dma_wait3A_52] : memref<10000x128xf32, #tpu.memory_space<hbm>> -> memref<10000x128xf32, #tpu.memory_space<hbm>>
        tpu.wait_indirect_dma semaphore(%arg14 : memref<!tpu.dma_semaphore, #tpu.memory_space<semaphore_mem>>) src(%dma_wait3A_53 : memref<10000x128xf32, #tpu.memory_space<hbm>>) dst(%arg11 : memref<128x128xf32, #tpu.memory_space<vmem>>)
        %run_scoped3A = arith.constant 30 : i32
        "tpu.region"() ({
          %run_scoped3A_62 = tpu.sem_alloc : memref<!tpu.dma_semaphore, #tpu.memory_space<semaphore_mem>>
          %dma_start3A_63 = arith.constant 0 : i32
          %dma_start3A_64 = tpu.memref_slice %arg10[%run_scoped3A, %dma_start3A_63] : memref<32x128xi32, #tpu.memory_space<vmem>> -> memref<1x128xi32, #tpu.memory_space<vmem>>
          %dma_start3A_65 = tpu.memref_squeeze %dma_start3A_64 : memref<1x128xi32, #tpu.memory_space<vmem>> -> memref<128xi32, #tpu.memory_space<vmem>>
          %dma_start3A_66 = arith.constant 0 : i32
          %dma_start3A_67 = arith.constant 0 : i32
          %dma_start3A_68 = tpu.memref_slice %arg13[%dma_start3A_66, %dma_start3A_67] : memref<10112x128xf32, #tpu.memory_space<vmem_shared>> -> memref<10112x128xf32, #tpu.memory_space<vmem_shared>>
          tpu.enqueue_indirect_dma source(%arg11 : memref<128x128xf32, #tpu.memory_space<vmem>>) target(%dma_start3A_68 : memref<10112x128xf32, #tpu.memory_space<vmem_shared>>) offsets(%dma_start3A_65 : memref<128xi32, #tpu.memory_space<vmem>>) semaphore(%run_scoped3A_62 : memref<!tpu.dma_semaphore, #tpu.memory_space<semaphore_mem>>) {add = true}
          %dma_wait3A_69 = arith.constant 0 : i32
          %dma_wait3A_70 = tpu.memref_slice %arg10[%run_scoped3A, %dma_wait3A_69] : memref<32x128xi32, #tpu.memory_space<vmem>> -> memref<1x128xi32, #tpu.memory_space<vmem>>
          %dma_wait3A_71 = tpu.memref_squeeze %dma_wait3A_70 : memref<1x128xi32, #tpu.memory_space<vmem>> -> memref<128xi32, #tpu.memory_space<vmem>>
          %dma_wait3A_72 = arith.constant 0 : i32
          %dma_wait3A_73 = arith.constant 0 : i32
          %dma_wait3A_74 = tpu.memref_slice %arg13[%dma_wait3A_72, %dma_wait3A_73] : memref<10112x128xf32, #tpu.memory_space<vmem_shared>> -> memref<10112x128xf32, #tpu.memory_space<vmem_shared>>
          tpu.wait_indirect_dma semaphore(%run_scoped3A_62 : memref<!tpu.dma_semaphore, #tpu.memory_space<semaphore_mem>>) src(%arg11 : memref<128x128xf32, #tpu.memory_space<vmem>>) dst(%dma_wait3A_74 : memref<10112x128xf32, #tpu.memory_space<vmem_shared>>)
          tpu.yield
        }) : () -> ()
        %dma_wait3A_54 = arith.constant 0 : i32
        %dma_wait3A_55 = arith.constant 0 : i32
        %dma_wait3A_56 = tpu.memref_slice %arg9[%dma_wait3A_54, %dma_wait3A_55] : memref<32x128xi32, #tpu.memory_space<vmem>> -> memref<1x128xi32, #tpu.memory_space<vmem>>
        %dma_wait3A_57 = tpu.memref_squeeze %dma_wait3A_56 : memref<1x128xi32, #tpu.memory_space<vmem>> -> memref<128xi32, #tpu.memory_space<vmem>>
        %dma_wait3A_58 = arith.constant 0 : i32
        %dma_wait3A_59 = arith.constant 0 : i32
        %dma_wait3A_60 = tpu.memref_slice %arg2[%dma_wait3A_58, %dma_wait3A_59] : memref<10000x128xf32, #tpu.memory_space<hbm>> -> memref<10000x128xf32, #tpu.memory_space<hbm>>
        tpu.wait_indirect_dma semaphore(%arg15 : memref<!tpu.dma_semaphore, #tpu.memory_space<semaphore_mem>>) src(%dma_wait3A_60 : memref<10000x128xf32, #tpu.memory_space<hbm>>) dst(%arg12 : memref<128x128xf32, #tpu.memory_space<vmem>>)
        %run_scoped3A_61 = arith.constant 31 : i32
        "tpu.region"() ({
          %run_scoped3A_62 = tpu.sem_alloc : memref<!tpu.dma_semaphore, #tpu.memory_space<semaphore_mem>>
          %dma_start3A_63 = arith.constant 0 : i32
          %dma_start3A_64 = tpu.memref_slice %arg10[%run_scoped3A_61, %dma_start3A_63] : memref<32x128xi32, #tpu.memory_space<vmem>> -> memref<1x128xi32, #tpu.memory_space<vmem>>
          %dma_start3A_65 = tpu.memref_squeeze %dma_start3A_64 : memref<1x128xi32, #tpu.memory_space<vmem>> -> memref<128xi32, #tpu.memory_space<vmem>>
          %dma_start3A_66 = arith.constant 0 : i32
          %dma_start3A_67 = arith.constant 0 : i32
          %dma_start3A_68 = tpu.memref_slice %arg13[%dma_start3A_66, %dma_start3A_67] : memref<10112x128xf32, #tpu.memory_space<vmem_shared>> -> memref<10112x128xf32, #tpu.memory_space<vmem_shared>>
          tpu.enqueue_indirect_dma source(%arg12 : memref<128x128xf32, #tpu.memory_space<vmem>>) target(%dma_start3A_68 : memref<10112x128xf32, #tpu.memory_space<vmem_shared>>) offsets(%dma_start3A_65 : memref<128xi32, #tpu.memory_space<vmem>>) semaphore(%run_scoped3A_62 : memref<!tpu.dma_semaphore, #tpu.memory_space<semaphore_mem>>) {add = true}
          %dma_wait3A_69 = arith.constant 0 : i32
          %dma_wait3A_70 = tpu.memref_slice %arg10[%run_scoped3A_61, %dma_wait3A_69] : memref<32x128xi32, #tpu.memory_space<vmem>> -> memref<1x128xi32, #tpu.memory_space<vmem>>
          %dma_wait3A_71 = tpu.memref_squeeze %dma_wait3A_70 : memref<1x128xi32, #tpu.memory_space<vmem>> -> memref<128xi32, #tpu.memory_space<vmem>>
          %dma_wait3A_72 = arith.constant 0 : i32
          %dma_wait3A_73 = arith.constant 0 : i32
          %dma_wait3A_74 = tpu.memref_slice %arg13[%dma_wait3A_72, %dma_wait3A_73] : memref<10112x128xf32, #tpu.memory_space<vmem_shared>> -> memref<10112x128xf32, #tpu.memory_space<vmem_shared>>
          tpu.wait_indirect_dma semaphore(%run_scoped3A_62 : memref<!tpu.dma_semaphore, #tpu.memory_space<semaphore_mem>>) src(%arg12 : memref<128x128xf32, #tpu.memory_space<vmem>>) dst(%dma_wait3A_74 : memref<10112x128xf32, #tpu.memory_space<vmem_shared>>)
          tpu.yield
        }) : () -> ()
      }
      %scan3A_23 = arith.constant 5 : i32
    } else {
    }
    %eq3A_3 = arith.constant 1 : i32
    %eq3A_4 = arith.cmpi eq, %arg0, %eq3A_3 : i32
    %convert_element_type3A_5 = arith.extui %eq3A_4 : i1 to i32
    %cond3A_6 = arith.constant 0 : i32
    %cond3A_7 = arith.cmpi ne, %convert_element_type3A_5, %cond3A_6 : i32
    scf.if %cond3A_7 {
      %scan3A = arith.constant 0 : i32
      %scan3A_19 = arith.constant 0 : i32
      %scan3A_20 = arith.constant 5 : i32
      %scan3A_21 = arith.addi %scan3A_19, %scan3A_20 : i32
      %scan3A_22 = arith.constant 1 : i32
      scf.for %scan3A_24 = %scan3A_19 to %scan3A_21 step %scan3A_22  : i32 {
        %mul3A_25 = arith.constant 32 : i32
        %mul3A_26 = arith.muli %scan3A_24, %mul3A_25 : i32
        "tpu.region"() ({
          %run_scoped3A_62 = tpu.sem_alloc : memref<!tpu.dma_semaphore, #tpu.memory_space<semaphore_mem>>
          %dma_start3A_63 = arith.constant 0 : i32
          %dma_start3A_64 = arith.constant 0 : i32
          %dma_start3A_65 = tpu.memref_slice %arg4[%arg1, %dma_start3A_63, %dma_start3A_64] : memref<16x160x128xi32, #tpu.memory_space<hbm>> -> memref<1x160x128xi32, #tpu.memory_space<hbm>>
          %dma_start3A_66 = tpu.memref_squeeze %dma_start3A_65 : memref<1x160x128xi32, #tpu.memory_space<hbm>> -> memref<160x128xi32, #tpu.memory_space<hbm>>
          %dma_start3A_67 = arith.constant 0 : i32
          %dma_start3A_68 = tpu.memref_slice %dma_start3A_66[%mul3A_26, %dma_start3A_67] : memref<160x128xi32, #tpu.memory_space<hbm>> -> memref<32x128xi32, #tpu.memory_space<hbm>>
          %dma_start3A_69 = arith.constant 0 : i32
          %dma_start3A_70 = arith.constant 0 : i32
          %dma_start3A_71 = tpu.memref_slice %arg4[%arg1, %dma_start3A_69, %dma_start3A_70] : memref<16x160x128xi32, #tpu.memory_space<hbm>> -> memref<1x160x128xi32, #tpu.memory_space<hbm>>
          %dma_start3A_72 = tpu.memref_squeeze %dma_start3A_71 : memref<1x160x128xi32, #tpu.memory_space<hbm>> -> memref<160x128xi32, #tpu.memory_space<hbm>>
          %dma_start3A_73 = arith.constant 0 : i32
          %dma_start3A_74 = tpu.memref_slice %dma_start3A_72[%mul3A_26, %dma_start3A_73] : memref<160x128xi32, #tpu.memory_space<hbm>> -> memref<32x128xi32, #tpu.memory_space<hbm>>
          tpu.enqueue_dma source(%dma_start3A_74 : memref<32x128xi32, #tpu.memory_space<hbm>>) target(%arg9 : memref<32x128xi32, #tpu.memory_space<vmem>>) target_semaphore(%run_scoped3A_62 : memref<!tpu.dma_semaphore, #tpu.memory_space<semaphore_mem>>)
          %dma_wait3A_75 = arith.constant 0 : i32
          %dma_wait3A_76 = arith.constant 0 : i32
          %dma_wait3A_77 = tpu.memref_slice %arg4[%arg1, %dma_wait3A_75, %dma_wait3A_76] : memref<16x160x128xi32, #tpu.memory_space<hbm>> -> memref<1x160x128xi32, #tpu.memory_space<hbm>>
          %dma_wait3A_78 = tpu.memref_squeeze %dma_wait3A_77 : memref<1x160x128xi32, #tpu.memory_space<hbm>> -> memref<160x128xi32, #tpu.memory_space<hbm>>
          %dma_wait3A_79 = arith.constant 0 : i32
          %dma_wait3A_80 = tpu.memref_slice %dma_wait3A_78[%mul3A_26, %dma_wait3A_79] : memref<160x128xi32, #tpu.memory_space<hbm>> -> memref<32x128xi32, #tpu.memory_space<hbm>>
          %dma_wait3A_81 = arith.constant 0 : i32
          %dma_wait3A_82 = arith.constant 0 : i32
          %dma_wait3A_83 = tpu.memref_slice %arg4[%arg1, %dma_wait3A_81, %dma_wait3A_82] : memref<16x160x128xi32, #tpu.memory_space<hbm>> -> memref<1x160x128xi32, #tpu.memory_space<hbm>>
          %dma_wait3A_84 = tpu.memref_squeeze %dma_wait3A_83 : memref<1x160x128xi32, #tpu.memory_space<hbm>> -> memref<160x128xi32, #tpu.memory_space<hbm>>
          %dma_wait3A_85 = arith.constant 0 : i32
          %dma_wait3A_86 = tpu.memref_slice %dma_wait3A_84[%mul3A_26, %dma_wait3A_85] : memref<160x128xi32, #tpu.memory_space<hbm>> -> memref<32x128xi32, #tpu.memory_space<hbm>>
          tpu.wait_dma2 semaphore(%run_scoped3A_62 : memref<!tpu.dma_semaphore, #tpu.memory_space<semaphore_mem>>) src(%dma_wait3A_86 : memref<32x128xi32, #tpu.memory_space<hbm>>) dst(%arg9 : memref<32x128xi32, #tpu.memory_space<vmem>>)
          tpu.yield
        }) : () -> ()
        %mul3A_27 = arith.constant 32 : i32
        %mul3A_28 = arith.muli %scan3A_24, %mul3A_27 : i32
        "tpu.region"() ({
          %run_scoped3A_62 = tpu.sem_alloc : memref<!tpu.dma_semaphore, #tpu.memory_space<semaphore_mem>>
          %dma_start3A_63 = arith.constant 0 : i32
          %dma_start3A_64 = arith.constant 0 : i32
          %dma_start3A_65 = tpu.memref_slice %arg5[%arg1, %dma_start3A_63, %dma_start3A_64] : memref<16x160x128xi32, #tpu.memory_space<hbm>> -> memref<1x160x128xi32, #tpu.memory_space<hbm>>
          %dma_start3A_66 = tpu.memref_squeeze %dma_start3A_65 : memref<1x160x128xi32, #tpu.memory_space<hbm>> -> memref<160x128xi32, #tpu.memory_space<hbm>>
          %dma_start3A_67 = arith.constant 0 : i32
          %dma_start3A_68 = tpu.memref_slice %dma_start3A_66[%mul3A_28, %dma_start3A_67] : memref<160x128xi32, #tpu.memory_space<hbm>> -> memref<32x128xi32, #tpu.memory_space<hbm>>
          %dma_start3A_69 = arith.constant 0 : i32
          %dma_start3A_70 = arith.constant 0 : i32
          %dma_start3A_71 = tpu.memref_slice %arg5[%arg1, %dma_start3A_69, %dma_start3A_70] : memref<16x160x128xi32, #tpu.memory_space<hbm>> -> memref<1x160x128xi32, #tpu.memory_space<hbm>>
          %dma_start3A_72 = tpu.memref_squeeze %dma_start3A_71 : memref<1x160x128xi32, #tpu.memory_space<hbm>> -> memref<160x128xi32, #tpu.memory_space<hbm>>
          %dma_start3A_73 = arith.constant 0 : i32
          %dma_start3A_74 = tpu.memref_slice %dma_start3A_72[%mul3A_28, %dma_start3A_73] : memref<160x128xi32, #tpu.memory_space<hbm>> -> memref<32x128xi32, #tpu.memory_space<hbm>>
          tpu.enqueue_dma source(%dma_start3A_74 : memref<32x128xi32, #tpu.memory_space<hbm>>) target(%arg10 : memref<32x128xi32, #tpu.memory_space<vmem>>) target_semaphore(%run_scoped3A_62 : memref<!tpu.dma_semaphore, #tpu.memory_space<semaphore_mem>>)
          %dma_wait3A_75 = arith.constant 0 : i32
          %dma_wait3A_76 = arith.constant 0 : i32
          %dma_wait3A_77 = tpu.memref_slice %arg5[%arg1, %dma_wait3A_75, %dma_wait3A_76] : memref<16x160x128xi32, #tpu.memory_space<hbm>> -> memref<1x160x128xi32, #tpu.memory_space<hbm>>
          %dma_wait3A_78 = tpu.memref_squeeze %dma_wait3A_77 : memref<1x160x128xi32, #tpu.memory_space<hbm>> -> memref<160x128xi32, #tpu.memory_space<hbm>>
          %dma_wait3A_79 = arith.constant 0 : i32
          %dma_wait3A_80 = tpu.memref_slice %dma_wait3A_78[%mul3A_28, %dma_wait3A_79] : memref<160x128xi32, #tpu.memory_space<hbm>> -> memref<32x128xi32, #tpu.memory_space<hbm>>
          %dma_wait3A_81 = arith.constant 0 : i32
          %dma_wait3A_82 = arith.constant 0 : i32
          %dma_wait3A_83 = tpu.memref_slice %arg5[%arg1, %dma_wait3A_81, %dma_wait3A_82] : memref<16x160x128xi32, #tpu.memory_space<hbm>> -> memref<1x160x128xi32, #tpu.memory_space<hbm>>
          %dma_wait3A_84 = tpu.memref_squeeze %dma_wait3A_83 : memref<1x160x128xi32, #tpu.memory_space<hbm>> -> memref<160x128xi32, #tpu.memory_space<hbm>>
          %dma_wait3A_85 = arith.constant 0 : i32
          %dma_wait3A_86 = tpu.memref_slice %dma_wait3A_84[%mul3A_28, %dma_wait3A_85] : memref<160x128xi32, #tpu.memory_space<hbm>> -> memref<32x128xi32, #tpu.memory_space<hbm>>
          tpu.wait_dma2 semaphore(%run_scoped3A_62 : memref<!tpu.dma_semaphore, #tpu.memory_space<semaphore_mem>>) src(%dma_wait3A_86 : memref<32x128xi32, #tpu.memory_space<hbm>>) dst(%arg10 : memref<32x128xi32, #tpu.memory_space<vmem>>)
          tpu.yield
        }) : () -> ()
        %dma_start3A = arith.constant 0 : i32
        %dma_start3A_29 = arith.constant 0 : i32
        %dma_start3A_30 = tpu.memref_slice %arg9[%dma_start3A, %dma_start3A_29] : memref<32x128xi32, #tpu.memory_space<vmem>> -> memref<1x128xi32, #tpu.memory_space<vmem>>
        %dma_start3A_31 = tpu.memref_squeeze %dma_start3A_30 : memref<1x128xi32, #tpu.memory_space<vmem>> -> memref<128xi32, #tpu.memory_space<vmem>>
        %dma_start3A_32 = arith.constant 0 : i32
        %dma_start3A_33 = arith.constant 0 : i32
        %dma_start3A_34 = tpu.memref_slice %arg3[%dma_start3A_32, %dma_start3A_33] : memref<10000x128xf32, #tpu.memory_space<hbm>> -> memref<10000x128xf32, #tpu.memory_space<hbm>>
        tpu.enqueue_indirect_dma source(%dma_start3A_34 : memref<10000x128xf32, #tpu.memory_space<hbm>>) target(%arg11 : memref<128x128xf32, #tpu.memory_space<vmem>>) offsets(%dma_start3A_31 : memref<128xi32, #tpu.memory_space<vmem>>) semaphore(%arg14 : memref<!tpu.dma_semaphore, #tpu.memory_space<semaphore_mem>>)
        %scan3A_35 = arith.constant 0 : i32
        %scan3A_36 = arith.constant 0 : i32
        %scan3A_37 = arith.constant 15 : i32
        %scan3A_38 = arith.addi %scan3A_36, %scan3A_37 : i32
        %scan3A_39 = arith.constant 1 : i32
        scf.for %scan3A_62 = %scan3A_36 to %scan3A_38 step %scan3A_39  : i32 {
          %mul3A_63 = arith.constant 2 : i32
          %mul3A_64 = arith.muli %mul3A_63, %scan3A_62 : i32
          %add3A = arith.constant 1 : i32
          %add3A_65 = arith.addi %mul3A_64, %add3A : i32
          %dma_start3A_66 = arith.constant 0 : i32
          %dma_start3A_67 = tpu.memref_slice %arg9[%add3A_65, %dma_start3A_66] : memref<32x128xi32, #tpu.memory_space<vmem>> -> memref<1x128xi32, #tpu.memory_space<vmem>>
          %dma_start3A_68 = tpu.memref_squeeze %dma_start3A_67 : memref<1x128xi32, #tpu.memory_space<vmem>> -> memref<128xi32, #tpu.memory_space<vmem>>
          %dma_start3A_69 = arith.constant 0 : i32
          %dma_start3A_70 = arith.constant 0 : i32
          %dma_start3A_71 = tpu.memref_slice %arg3[%dma_start3A_69, %dma_start3A_70] : memref<10000x128xf32, #tpu.memory_space<hbm>> -> memref<10000x128xf32, #tpu.memory_space<hbm>>
          tpu.enqueue_indirect_dma source(%dma_start3A_71 : memref<10000x128xf32, #tpu.memory_space<hbm>>) target(%arg12 : memref<128x128xf32, #tpu.memory_space<vmem>>) offsets(%dma_start3A_68 : memref<128xi32, #tpu.memory_space<vmem>>) semaphore(%arg15 : memref<!tpu.dma_semaphore, #tpu.memory_space<semaphore_mem>>)
          %dma_wait3A_72 = arith.constant 0 : i32
          %dma_wait3A_73 = arith.constant 0 : i32
          %dma_wait3A_74 = tpu.memref_slice %arg9[%dma_wait3A_72, %dma_wait3A_73] : memref<32x128xi32, #tpu.memory_space<vmem>> -> memref<1x128xi32, #tpu.memory_space<vmem>>
          %dma_wait3A_75 = tpu.memref_squeeze %dma_wait3A_74 : memref<1x128xi32, #tpu.memory_space<vmem>> -> memref<128xi32, #tpu.memory_space<vmem>>
          %dma_wait3A_76 = arith.constant 0 : i32
          %dma_wait3A_77 = arith.constant 0 : i32
          %dma_wait3A_78 = tpu.memref_slice %arg3[%dma_wait3A_76, %dma_wait3A_77] : memref<10000x128xf32, #tpu.memory_space<hbm>> -> memref<10000x128xf32, #tpu.memory_space<hbm>>
          tpu.wait_indirect_dma semaphore(%arg14 : memref<!tpu.dma_semaphore, #tpu.memory_space<semaphore_mem>>) src(%dma_wait3A_78 : memref<10000x128xf32, #tpu.memory_space<hbm>>) dst(%arg11 : memref<128x128xf32, #tpu.memory_space<vmem>>)
          "tpu.region"() ({
            %run_scoped3A_96 = tpu.sem_alloc : memref<!tpu.dma_semaphore, #tpu.memory_space<semaphore_mem>>
            %dma_start3A_97 = arith.constant 0 : i32
            %dma_start3A_98 = tpu.memref_slice %arg10[%mul3A_64, %dma_start3A_97] : memref<32x128xi32, #tpu.memory_space<vmem>> -> memref<1x128xi32, #tpu.memory_space<vmem>>
            %dma_start3A_99 = tpu.memref_squeeze %dma_start3A_98 : memref<1x128xi32, #tpu.memory_space<vmem>> -> memref<128xi32, #tpu.memory_space<vmem>>
            %dma_start3A_100 = arith.constant 0 : i32
            %dma_start3A_101 = arith.constant 0 : i32
            %dma_start3A_102 = tpu.memref_slice %arg13[%dma_start3A_100, %dma_start3A_101] : memref<10112x128xf32, #tpu.memory_space<vmem_shared>> -> memref<10112x128xf32, #tpu.memory_space<vmem_shared>>
            tpu.enqueue_indirect_dma source(%arg11 : memref<128x128xf32, #tpu.memory_space<vmem>>) target(%dma_start3A_102 : memref<10112x128xf32, #tpu.memory_space<vmem_shared>>) offsets(%dma_start3A_99 : memref<128xi32, #tpu.memory_space<vmem>>) semaphore(%run_scoped3A_96 : memref<!tpu.dma_semaphore, #tpu.memory_space<semaphore_mem>>) {add = true}
            %dma_wait3A_103 = arith.constant 0 : i32
            %dma_wait3A_104 = tpu.memref_slice %arg10[%mul3A_64, %dma_wait3A_103] : memref<32x128xi32, #tpu.memory_space<vmem>> -> memref<1x128xi32, #tpu.memory_space<vmem>>
            %dma_wait3A_105 = tpu.memref_squeeze %dma_wait3A_104 : memref<1x128xi32, #tpu.memory_space<vmem>> -> memref<128xi32, #tpu.memory_space<vmem>>
            %dma_wait3A_106 = arith.constant 0 : i32
            %dma_wait3A_107 = arith.constant 0 : i32
            %dma_wait3A_108 = tpu.memref_slice %arg13[%dma_wait3A_106, %dma_wait3A_107] : memref<10112x128xf32, #tpu.memory_space<vmem_shared>> -> memref<10112x128xf32, #tpu.memory_space<vmem_shared>>
            tpu.wait_indirect_dma semaphore(%run_scoped3A_96 : memref<!tpu.dma_semaphore, #tpu.memory_space<semaphore_mem>>) src(%arg11 : memref<128x128xf32, #tpu.memory_space<vmem>>) dst(%dma_wait3A_108 : memref<10112x128xf32, #tpu.memory_space<vmem_shared>>)
            tpu.yield
          }) : () -> ()
          %add3A_79 = arith.constant 2 : i32
          %add3A_80 = arith.addi %mul3A_64, %add3A_79 : i32
          %dma_start3A_81 = arith.constant 0 : i32
          %dma_start3A_82 = tpu.memref_slice %arg9[%add3A_80, %dma_start3A_81] : memref<32x128xi32, #tpu.memory_space<vmem>> -> memref<1x128xi32, #tpu.memory_space<vmem>>
          %dma_start3A_83 = tpu.memref_squeeze %dma_start3A_82 : memref<1x128xi32, #tpu.memory_space<vmem>> -> memref<128xi32, #tpu.memory_space<vmem>>
          %dma_start3A_84 = arith.constant 0 : i32
          %dma_start3A_85 = arith.constant 0 : i32
          %dma_start3A_86 = tpu.memref_slice %arg3[%dma_start3A_84, %dma_start3A_85] : memref<10000x128xf32, #tpu.memory_space<hbm>> -> memref<10000x128xf32, #tpu.memory_space<hbm>>
          tpu.enqueue_indirect_dma source(%dma_start3A_86 : memref<10000x128xf32, #tpu.memory_space<hbm>>) target(%arg11 : memref<128x128xf32, #tpu.memory_space<vmem>>) offsets(%dma_start3A_83 : memref<128xi32, #tpu.memory_space<vmem>>) semaphore(%arg14 : memref<!tpu.dma_semaphore, #tpu.memory_space<semaphore_mem>>)
          %dma_wait3A_87 = arith.constant 0 : i32
          %dma_wait3A_88 = arith.constant 0 : i32
          %dma_wait3A_89 = tpu.memref_slice %arg9[%dma_wait3A_87, %dma_wait3A_88] : memref<32x128xi32, #tpu.memory_space<vmem>> -> memref<1x128xi32, #tpu.memory_space<vmem>>
          %dma_wait3A_90 = tpu.memref_squeeze %dma_wait3A_89 : memref<1x128xi32, #tpu.memory_space<vmem>> -> memref<128xi32, #tpu.memory_space<vmem>>
          %dma_wait3A_91 = arith.constant 0 : i32
          %dma_wait3A_92 = arith.constant 0 : i32
          %dma_wait3A_93 = tpu.memref_slice %arg3[%dma_wait3A_91, %dma_wait3A_92] : memref<10000x128xf32, #tpu.memory_space<hbm>> -> memref<10000x128xf32, #tpu.memory_space<hbm>>
          tpu.wait_indirect_dma semaphore(%arg15 : memref<!tpu.dma_semaphore, #tpu.memory_space<semaphore_mem>>) src(%dma_wait3A_93 : memref<10000x128xf32, #tpu.memory_space<hbm>>) dst(%arg12 : memref<128x128xf32, #tpu.memory_space<vmem>>)
          %add3A_94 = arith.constant 1 : i32
          %add3A_95 = arith.addi %mul3A_64, %add3A_94 : i32
          "tpu.region"() ({
            %run_scoped3A_96 = tpu.sem_alloc : memref<!tpu.dma_semaphore, #tpu.memory_space<semaphore_mem>>
            %dma_start3A_97 = arith.constant 0 : i32
            %dma_start3A_98 = tpu.memref_slice %arg10[%add3A_95, %dma_start3A_97] : memref<32x128xi32, #tpu.memory_space<vmem>> -> memref<1x128xi32, #tpu.memory_space<vmem>>
            %dma_start3A_99 = tpu.memref_squeeze %dma_start3A_98 : memref<1x128xi32, #tpu.memory_space<vmem>> -> memref<128xi32, #tpu.memory_space<vmem>>
            %dma_start3A_100 = arith.constant 0 : i32
            %dma_start3A_101 = arith.constant 0 : i32
            %dma_start3A_102 = tpu.memref_slice %arg13[%dma_start3A_100, %dma_start3A_101] : memref<10112x128xf32, #tpu.memory_space<vmem_shared>> -> memref<10112x128xf32, #tpu.memory_space<vmem_shared>>
            tpu.enqueue_indirect_dma source(%arg12 : memref<128x128xf32, #tpu.memory_space<vmem>>) target(%dma_start3A_102 : memref<10112x128xf32, #tpu.memory_space<vmem_shared>>) offsets(%dma_start3A_99 : memref<128xi32, #tpu.memory_space<vmem>>) semaphore(%run_scoped3A_96 : memref<!tpu.dma_semaphore, #tpu.memory_space<semaphore_mem>>) {add = true}
            %dma_wait3A_103 = arith.constant 0 : i32
            %dma_wait3A_104 = tpu.memref_slice %arg10[%add3A_95, %dma_wait3A_103] : memref<32x128xi32, #tpu.memory_space<vmem>> -> memref<1x128xi32, #tpu.memory_space<vmem>>
            %dma_wait3A_105 = tpu.memref_squeeze %dma_wait3A_104 : memref<1x128xi32, #tpu.memory_space<vmem>> -> memref<128xi32, #tpu.memory_space<vmem>>
            %dma_wait3A_106 = arith.constant 0 : i32
            %dma_wait3A_107 = arith.constant 0 : i32
            %dma_wait3A_108 = tpu.memref_slice %arg13[%dma_wait3A_106, %dma_wait3A_107] : memref<10112x128xf32, #tpu.memory_space<vmem_shared>> -> memref<10112x128xf32, #tpu.memory_space<vmem_shared>>
            tpu.wait_indirect_dma semaphore(%run_scoped3A_96 : memref<!tpu.dma_semaphore, #tpu.memory_space<semaphore_mem>>) src(%arg12 : memref<128x128xf32, #tpu.memory_space<vmem>>) dst(%dma_wait3A_108 : memref<10112x128xf32, #tpu.memory_space<vmem_shared>>)
            tpu.yield
          }) : () -> ()
        }
        %scan3A_40 = arith.constant 15 : i32
        %dma_start3A_41 = arith.constant 31 : i32
        %dma_start3A_42 = arith.constant 0 : i32
        %dma_start3A_43 = tpu.memref_slice %arg9[%dma_start3A_41, %dma_start3A_42] : memref<32x128xi32, #tpu.memory_space<vmem>> -> memref<1x128xi32, #tpu.memory_space<vmem>>
        %dma_start3A_44 = tpu.memref_squeeze %dma_start3A_43 : memref<1x128xi32, #tpu.memory_space<vmem>> -> memref<128xi32, #tpu.memory_space<vmem>>
        %dma_start3A_45 = arith.constant 0 : i32
        %dma_start3A_46 = arith.constant 0 : i32
        %dma_start3A_47 = tpu.memref_slice %arg3[%dma_start3A_45, %dma_start3A_46] : memref<10000x128xf32, #tpu.memory_space<hbm>> -> memref<10000x128xf32, #tpu.memory_space<hbm>>
        tpu.enqueue_indirect_dma source(%dma_start3A_47 : memref<10000x128xf32, #tpu.memory_space<hbm>>) target(%arg12 : memref<128x128xf32, #tpu.memory_space<vmem>>) offsets(%dma_start3A_44 : memref<128xi32, #tpu.memory_space<vmem>>) semaphore(%arg15 : memref<!tpu.dma_semaphore, #tpu.memory_space<semaphore_mem>>)
        %dma_wait3A = arith.constant 0 : i32
        %dma_wait3A_48 = arith.constant 0 : i32
        %dma_wait3A_49 = tpu.memref_slice %arg9[%dma_wait3A, %dma_wait3A_48] : memref<32x128xi32, #tpu.memory_space<vmem>> -> memref<1x128xi32, #tpu.memory_space<vmem>>
        %dma_wait3A_50 = tpu.memref_squeeze %dma_wait3A_49 : memref<1x128xi32, #tpu.memory_space<vmem>> -> memref<128xi32, #tpu.memory_space<vmem>>
        %dma_wait3A_51 = arith.constant 0 : i32
        %dma_wait3A_52 = arith.constant 0 : i32
        %dma_wait3A_53 = tpu.memref_slice %arg3[%dma_wait3A_51, %dma_wait3A_52] : memref<10000x128xf32, #tpu.memory_space<hbm>> -> memref<10000x128xf32, #tpu.memory_space<hbm>>
        tpu.wait_indirect_dma semaphore(%arg14 : memref<!tpu.dma_semaphore, #tpu.memory_space<semaphore_mem>>) src(%dma_wait3A_53 : memref<10000x128xf32, #tpu.memory_space<hbm>>) dst(%arg11 : memref<128x128xf32, #tpu.memory_space<vmem>>)
        %run_scoped3A = arith.constant 30 : i32
        "tpu.region"() ({
          %run_scoped3A_62 = tpu.sem_alloc : memref<!tpu.dma_semaphore, #tpu.memory_space<semaphore_mem>>
          %dma_start3A_63 = arith.constant 0 : i32
          %dma_start3A_64 = tpu.memref_slice %arg10[%run_scoped3A, %dma_start3A_63] : memref<32x128xi32, #tpu.memory_space<vmem>> -> memref<1x128xi32, #tpu.memory_space<vmem>>
          %dma_start3A_65 = tpu.memref_squeeze %dma_start3A_64 : memref<1x128xi32, #tpu.memory_space<vmem>> -> memref<128xi32, #tpu.memory_space<vmem>>
          %dma_start3A_66 = arith.constant 0 : i32
          %dma_start3A_67 = arith.constant 0 : i32
          %dma_start3A_68 = tpu.memref_slice %arg13[%dma_start3A_66, %dma_start3A_67] : memref<10112x128xf32, #tpu.memory_space<vmem_shared>> -> memref<10112x128xf32, #tpu.memory_space<vmem_shared>>
          tpu.enqueue_indirect_dma source(%arg11 : memref<128x128xf32, #tpu.memory_space<vmem>>) target(%dma_start3A_68 : memref<10112x128xf32, #tpu.memory_space<vmem_shared>>) offsets(%dma_start3A_65 : memref<128xi32, #tpu.memory_space<vmem>>) semaphore(%run_scoped3A_62 : memref<!tpu.dma_semaphore, #tpu.memory_space<semaphore_mem>>) {add = true}
          %dma_wait3A_69 = arith.constant 0 : i32
          %dma_wait3A_70 = tpu.memref_slice %arg10[%run_scoped3A, %dma_wait3A_69] : memref<32x128xi32, #tpu.memory_space<vmem>> -> memref<1x128xi32, #tpu.memory_space<vmem>>
          %dma_wait3A_71 = tpu.memref_squeeze %dma_wait3A_70 : memref<1x128xi32, #tpu.memory_space<vmem>> -> memref<128xi32, #tpu.memory_space<vmem>>
          %dma_wait3A_72 = arith.constant 0 : i32
          %dma_wait3A_73 = arith.constant 0 : i32
          %dma_wait3A_74 = tpu.memref_slice %arg13[%dma_wait3A_72, %dma_wait3A_73] : memref<10112x128xf32, #tpu.memory_space<vmem_shared>> -> memref<10112x128xf32, #tpu.memory_space<vmem_shared>>
          tpu.wait_indirect_dma semaphore(%run_scoped3A_62 : memref<!tpu.dma_semaphore, #tpu.memory_space<semaphore_mem>>) src(%arg11 : memref<128x128xf32, #tpu.memory_space<vmem>>) dst(%dma_wait3A_74 : memref<10112x128xf32, #tpu.memory_space<vmem_shared>>)
          tpu.yield
        }) : () -> ()
        %dma_wait3A_54 = arith.constant 0 : i32
        %dma_wait3A_55 = arith.constant 0 : i32
        %dma_wait3A_56 = tpu.memref_slice %arg9[%dma_wait3A_54, %dma_wait3A_55] : memref<32x128xi32, #tpu.memory_space<vmem>> -> memref<1x128xi32, #tpu.memory_space<vmem>>
        %dma_wait3A_57 = tpu.memref_squeeze %dma_wait3A_56 : memref<1x128xi32, #tpu.memory_space<vmem>> -> memref<128xi32, #tpu.memory_space<vmem>>
        %dma_wait3A_58 = arith.constant 0 : i32
        %dma_wait3A_59 = arith.constant 0 : i32
        %dma_wait3A_60 = tpu.memref_slice %arg3[%dma_wait3A_58, %dma_wait3A_59] : memref<10000x128xf32, #tpu.memory_space<hbm>> -> memref<10000x128xf32, #tpu.memory_space<hbm>>
        tpu.wait_indirect_dma semaphore(%arg15 : memref<!tpu.dma_semaphore, #tpu.memory_space<semaphore_mem>>) src(%dma_wait3A_60 : memref<10000x128xf32, #tpu.memory_space<hbm>>) dst(%arg12 : memref<128x128xf32, #tpu.memory_space<vmem>>)
        %run_scoped3A_61 = arith.constant 31 : i32
        "tpu.region"() ({
          %run_scoped3A_62 = tpu.sem_alloc : memref<!tpu.dma_semaphore, #tpu.memory_space<semaphore_mem>>
          %dma_start3A_63 = arith.constant 0 : i32
          %dma_start3A_64 = tpu.memref_slice %arg10[%run_scoped3A_61, %dma_start3A_63] : memref<32x128xi32, #tpu.memory_space<vmem>> -> memref<1x128xi32, #tpu.memory_space<vmem>>
          %dma_start3A_65 = tpu.memref_squeeze %dma_start3A_64 : memref<1x128xi32, #tpu.memory_space<vmem>> -> memref<128xi32, #tpu.memory_space<vmem>>
          %dma_start3A_66 = arith.constant 0 : i32
          %dma_start3A_67 = arith.constant 0 : i32
          %dma_start3A_68 = tpu.memref_slice %arg13[%dma_start3A_66, %dma_start3A_67] : memref<10112x128xf32, #tpu.memory_space<vmem_shared>> -> memref<10112x128xf32, #tpu.memory_space<vmem_shared>>
          tpu.enqueue_indirect_dma source(%arg12 : memref<128x128xf32, #tpu.memory_space<vmem>>) target(%dma_start3A_68 : memref<10112x128xf32, #tpu.memory_space<vmem_shared>>) offsets(%dma_start3A_65 : memref<128xi32, #tpu.memory_space<vmem>>) semaphore(%run_scoped3A_62 : memref<!tpu.dma_semaphore, #tpu.memory_space<semaphore_mem>>) {add = true}
          %dma_wait3A_69 = arith.constant 0 : i32
          %dma_wait3A_70 = tpu.memref_slice %arg10[%run_scoped3A_61, %dma_wait3A_69] : memref<32x128xi32, #tpu.memory_space<vmem>> -> memref<1x128xi32, #tpu.memory_space<vmem>>
          %dma_wait3A_71 = tpu.memref_squeeze %dma_wait3A_70 : memref<1x128xi32, #tpu.memory_space<vmem>> -> memref<128xi32, #tpu.memory_space<vmem>>
          %dma_wait3A_72 = arith.constant 0 : i32
          %dma_wait3A_73 = arith.constant 0 : i32
          %dma_wait3A_74 = tpu.memref_slice %arg13[%dma_wait3A_72, %dma_wait3A_73] : memref<10112x128xf32, #tpu.memory_space<vmem_shared>> -> memref<10112x128xf32, #tpu.memory_space<vmem_shared>>
          tpu.wait_indirect_dma semaphore(%run_scoped3A_62 : memref<!tpu.dma_semaphore, #tpu.memory_space<semaphore_mem>>) src(%arg12 : memref<128x128xf32, #tpu.memory_space<vmem>>) dst(%dma_wait3A_74 : memref<10112x128xf32, #tpu.memory_space<vmem_shared>>)
          tpu.yield
        }) : () -> ()
      }
      %scan3A_23 = arith.constant 5 : i32
    } else {
    }
    %barrier3A_8 = arith.constant 0 : index
    tpu.barrier barrier_id(%barrier3A_8)
    %eq3A_9 = arith.constant 0 : i32
    %eq3A_10 = arith.cmpi eq, %arg0, %eq3A_9 : i32
    %convert_element_type3A_11 = arith.extui %eq3A_10 : i1 to i32
    %cond3A_12 = arith.constant 0 : i32
    %cond3A_13 = arith.cmpi ne, %convert_element_type3A_11, %cond3A_12 : i32
    scf.if %cond3A_13 {
      "tpu.region"() ({
        %run_scoped3A = tpu.sem_alloc : memref<!tpu.dma_semaphore, #tpu.memory_space<semaphore_mem>>
        %dma_start3A = arith.constant 0 : i32
        %dma_start3A_19 = tpu.memref_slice %arg7[%mul3A_0, %dma_start3A] : memref<10112x128xf32, #tpu.memory_space<hbm>> -> memref<632x128xf32, #tpu.memory_space<hbm>>
        %dma_start3A_20 = arith.constant 0 : i32
        %dma_start3A_21 = tpu.memref_slice %arg13[%mul3A_0, %dma_start3A_20] : memref<10112x128xf32, #tpu.memory_space<vmem_shared>> -> memref<632x128xf32, #tpu.memory_space<vmem_shared>>
        tpu.enqueue_dma source(%dma_start3A_21 : memref<632x128xf32, #tpu.memory_space<vmem_shared>>) target(%dma_start3A_19 : memref<632x128xf32, #tpu.memory_space<hbm>>) target_semaphore(%run_scoped3A : memref<!tpu.dma_semaphore, #tpu.memory_space<semaphore_mem>>)
        %dma_wait3A = arith.constant 0 : i32
        %dma_wait3A_22 = tpu.memref_slice %arg7[%mul3A_0, %dma_wait3A] : memref<10112x128xf32, #tpu.memory_space<hbm>> -> memref<632x128xf32, #tpu.memory_space<hbm>>
        %dma_wait3A_23 = arith.constant 0 : i32
        %dma_wait3A_24 = tpu.memref_slice %arg13[%mul3A_0, %dma_wait3A_23] : memref<10112x128xf32, #tpu.memory_space<vmem_shared>> -> memref<632x128xf32, #tpu.memory_space<vmem_shared>>
        tpu.wait_dma2 semaphore(%run_scoped3A : memref<!tpu.dma_semaphore, #tpu.memory_space<semaphore_mem>>) src(%dma_wait3A_24 : memref<632x128xf32, #tpu.memory_space<vmem_shared>>) dst(%dma_wait3A_22 : memref<632x128xf32, #tpu.memory_space<hbm>>)
        tpu.yield
      }) : () -> ()
    } else {
    }
    %eq3A_14 = arith.constant 1 : i32
    %eq3A_15 = arith.cmpi eq, %arg0, %eq3A_14 : i32
    %convert_element_type3A_16 = arith.extui %eq3A_15 : i1 to i32
    %cond3A_17 = arith.constant 0 : i32
    %cond3A_18 = arith.cmpi ne, %convert_element_type3A_16, %cond3A_17 : i32
    scf.if %cond3A_18 {
      "tpu.region"() ({
        %run_scoped3A = tpu.sem_alloc : memref<!tpu.dma_semaphore, #tpu.memory_space<semaphore_mem>>
        %dma_start3A = arith.constant 0 : i32
        %dma_start3A_19 = tpu.memref_slice %arg8[%mul3A_0, %dma_start3A] : memref<10112x128xf32, #tpu.memory_space<hbm>> -> memref<632x128xf32, #tpu.memory_space<hbm>>
        %dma_start3A_20 = arith.constant 0 : i32
        %dma_start3A_21 = tpu.memref_slice %arg13[%mul3A_0, %dma_start3A_20] : memref<10112x128xf32, #tpu.memory_space<vmem_shared>> -> memref<632x128xf32, #tpu.memory_space<vmem_shared>>
        tpu.enqueue_dma source(%dma_start3A_21 : memref<632x128xf32, #tpu.memory_space<vmem_shared>>) target(%dma_start3A_19 : memref<632x128xf32, #tpu.memory_space<hbm>>) target_semaphore(%run_scoped3A : memref<!tpu.dma_semaphore, #tpu.memory_space<semaphore_mem>>)
        %dma_wait3A = arith.constant 0 : i32
        %dma_wait3A_22 = tpu.memref_slice %arg8[%mul3A_0, %dma_wait3A] : memref<10112x128xf32, #tpu.memory_space<hbm>> -> memref<632x128xf32, #tpu.memory_space<hbm>>
        %dma_wait3A_23 = arith.constant 0 : i32
        %dma_wait3A_24 = tpu.memref_slice %arg13[%mul3A_0, %dma_wait3A_23] : memref<10112x128xf32, #tpu.memory_space<vmem_shared>> -> memref<632x128xf32, #tpu.memory_space<vmem_shared>>
        tpu.wait_dma2 semaphore(%run_scoped3A : memref<!tpu.dma_semaphore, #tpu.memory_space<semaphore_mem>>) src(%dma_wait3A_24 : memref<632x128xf32, #tpu.memory_space<vmem_shared>>) dst(%dma_wait3A_22 : memref<632x128xf32, #tpu.memory_space<hbm>>)
        tpu.yield
      }) : () -> ()
    } else {
    }
    return
  }
}

#map = affine_map<(d0, d1) -> (0, 0)>
#map1 = affine_map<(d0, d1) -> (0, 0, 0)>
module attributes {stable_mosaic.version = 14 : i64} {
  func.func @_sc_agg_body(%arg0: i32, %arg1: i32, %arg2: memref<10000x128xf32, #tpu.memory_space<hbm>>, %arg3: memref<10000x128xf32, #tpu.memory_space<hbm>>, %arg4: memref<16x160x128xi32, #tpu.memory_space<hbm>>, %arg5: memref<16x160x128xi32, #tpu.memory_space<hbm>>, %arg6: memref<632x128xf32, #tpu.memory_space<hbm>>, %arg7: memref<10112x128xf32, #tpu.memory_space<hbm>>, %arg8: memref<10112x128xf32, #tpu.memory_space<hbm>>, %arg9: memref<32x128xi32, #tpu.memory_space<vmem>>, %arg10: memref<32x128xi32, #tpu.memory_space<vmem>>, %arg11: memref<128x128xf32, #tpu.memory_space<vmem>>, %arg12: memref<128x128xf32, #tpu.memory_space<vmem>>, %arg13: memref<10112x128xf32, #tpu.memory_space<vmem_shared>>, %arg14: memref<!tpu.dma_semaphore, #tpu.memory_space<semaphore_mem>>, %arg15: memref<!tpu.dma_semaphore, #tpu.memory_space<semaphore_mem>>) attributes {dimension_semantics = [#tpu.dimension_semantics<core_parallel>, #tpu.dimension_semantics<subcore_parallel>], iteration_bounds = array<i64: 2, 16>, scalar_prefetch = 0 : i64, scratch_operands = 7 : i64, tpu.core_type = #tpu.core_type<sc_vector_subcore>, window_params = [{transform_indices = #map}, {transform_indices = #map}, {transform_indices = #map1}, {transform_indices = #map1}, {transform_indices = #map}, {transform_indices = #map}, {transform_indices = #map}]} {
    %mul3A = arith.constant 632 : i32
    %mul3A_0 = arith.muli %arg1, %mul3A : i32
    "tpu.region"() ({
      %run_scoped3A = tpu.sem_alloc : memref<!tpu.dma_semaphore, #tpu.memory_space<semaphore_mem>>
      %dma_start3A = arith.constant 0 : i32
      %dma_start3A_19 = tpu.memref_slice %arg13[%mul3A_0, %dma_start3A] : memref<10112x128xf32, #tpu.memory_space<vmem_shared>> -> memref<632x128xf32, #tpu.memory_space<vmem_shared>>
      tpu.enqueue_dma source(%arg6 : memref<632x128xf32, #tpu.memory_space<hbm>>) target(%dma_start3A_19 : memref<632x128xf32, #tpu.memory_space<vmem_shared>>) target_semaphore(%run_scoped3A : memref<!tpu.dma_semaphore, #tpu.memory_space<semaphore_mem>>)
      %dma_wait3A = arith.constant 0 : i32
      %dma_wait3A_20 = tpu.memref_slice %arg13[%mul3A_0, %dma_wait3A] : memref<10112x128xf32, #tpu.memory_space<vmem_shared>> -> memref<632x128xf32, #tpu.memory_space<vmem_shared>>
      tpu.wait_dma2 semaphore(%run_scoped3A : memref<!tpu.dma_semaphore, #tpu.memory_space<semaphore_mem>>) src(%arg6 : memref<632x128xf32, #tpu.memory_space<hbm>>) dst(%dma_wait3A_20 : memref<632x128xf32, #tpu.memory_space<vmem_shared>>)
      tpu.yield
    }) : () -> ()
    %barrier3A = arith.constant 0 : index
    tpu.barrier barrier_id(%barrier3A)
    %eq3A = arith.constant 0 : i32
    %eq3A_1 = arith.cmpi eq, %arg0, %eq3A : i32
    %convert_element_type3A = arith.extui %eq3A_1 : i1 to i32
    %cond3A = arith.constant 0 : i32
    %cond3A_2 = arith.cmpi ne, %convert_element_type3A, %cond3A : i32
    scf.if %cond3A_2 {
      %scan3A = arith.constant 0 : i32
      %scan3A_19 = arith.constant 0 : i32
      %scan3A_20 = arith.constant 5 : i32
      %scan3A_21 = arith.addi %scan3A_19, %scan3A_20 : i32
      %scan3A_22 = arith.constant 1 : i32
      scf.for %scan3A_24 = %scan3A_19 to %scan3A_21 step %scan3A_22  : i32 {
        %mul3A_25 = arith.constant 32 : i32
        %mul3A_26 = arith.muli %scan3A_24, %mul3A_25 : i32
        "tpu.region"() ({
          %run_scoped3A_62 = tpu.sem_alloc : memref<!tpu.dma_semaphore, #tpu.memory_space<semaphore_mem>>
          %dma_start3A_63 = arith.constant 0 : i32
          %dma_start3A_64 = arith.constant 0 : i32
          %dma_start3A_65 = tpu.memref_slice %arg4[%arg1, %dma_start3A_63, %dma_start3A_64] : memref<16x160x128xi32, #tpu.memory_space<hbm>> -> memref<1x160x128xi32, #tpu.memory_space<hbm>>
          %dma_start3A_66 = tpu.memref_squeeze %dma_start3A_65 : memref<1x160x128xi32, #tpu.memory_space<hbm>> -> memref<160x128xi32, #tpu.memory_space<hbm>>
          %dma_start3A_67 = arith.constant 0 : i32
          %dma_start3A_68 = tpu.memref_slice %dma_start3A_66[%mul3A_26, %dma_start3A_67] : memref<160x128xi32, #tpu.memory_space<hbm>> -> memref<32x128xi32, #tpu.memory_space<hbm>>
          %dma_start3A_69 = arith.constant 0 : i32
          %dma_start3A_70 = arith.constant 0 : i32
          %dma_start3A_71 = tpu.memref_slice %arg4[%arg1, %dma_start3A_69, %dma_start3A_70] : memref<16x160x128xi32, #tpu.memory_space<hbm>> -> memref<1x160x128xi32, #tpu.memory_space<hbm>>
          %dma_start3A_72 = tpu.memref_squeeze %dma_start3A_71 : memref<1x160x128xi32, #tpu.memory_space<hbm>> -> memref<160x128xi32, #tpu.memory_space<hbm>>
          %dma_start3A_73 = arith.constant 0 : i32
          %dma_start3A_74 = tpu.memref_slice %dma_start3A_72[%mul3A_26, %dma_start3A_73] : memref<160x128xi32, #tpu.memory_space<hbm>> -> memref<32x128xi32, #tpu.memory_space<hbm>>
          tpu.enqueue_dma source(%dma_start3A_74 : memref<32x128xi32, #tpu.memory_space<hbm>>) target(%arg9 : memref<32x128xi32, #tpu.memory_space<vmem>>) target_semaphore(%run_scoped3A_62 : memref<!tpu.dma_semaphore, #tpu.memory_space<semaphore_mem>>)
          %dma_wait3A_75 = arith.constant 0 : i32
          %dma_wait3A_76 = arith.constant 0 : i32
          %dma_wait3A_77 = tpu.memref_slice %arg4[%arg1, %dma_wait3A_75, %dma_wait3A_76] : memref<16x160x128xi32, #tpu.memory_space<hbm>> -> memref<1x160x128xi32, #tpu.memory_space<hbm>>
          %dma_wait3A_78 = tpu.memref_squeeze %dma_wait3A_77 : memref<1x160x128xi32, #tpu.memory_space<hbm>> -> memref<160x128xi32, #tpu.memory_space<hbm>>
          %dma_wait3A_79 = arith.constant 0 : i32
          %dma_wait3A_80 = tpu.memref_slice %dma_wait3A_78[%mul3A_26, %dma_wait3A_79] : memref<160x128xi32, #tpu.memory_space<hbm>> -> memref<32x128xi32, #tpu.memory_space<hbm>>
          %dma_wait3A_81 = arith.constant 0 : i32
          %dma_wait3A_82 = arith.constant 0 : i32
          %dma_wait3A_83 = tpu.memref_slice %arg4[%arg1, %dma_wait3A_81, %dma_wait3A_82] : memref<16x160x128xi32, #tpu.memory_space<hbm>> -> memref<1x160x128xi32, #tpu.memory_space<hbm>>
          %dma_wait3A_84 = tpu.memref_squeeze %dma_wait3A_83 : memref<1x160x128xi32, #tpu.memory_space<hbm>> -> memref<160x128xi32, #tpu.memory_space<hbm>>
          %dma_wait3A_85 = arith.constant 0 : i32
          %dma_wait3A_86 = tpu.memref_slice %dma_wait3A_84[%mul3A_26, %dma_wait3A_85] : memref<160x128xi32, #tpu.memory_space<hbm>> -> memref<32x128xi32, #tpu.memory_space<hbm>>
          tpu.wait_dma2 semaphore(%run_scoped3A_62 : memref<!tpu.dma_semaphore, #tpu.memory_space<semaphore_mem>>) src(%dma_wait3A_86 : memref<32x128xi32, #tpu.memory_space<hbm>>) dst(%arg9 : memref<32x128xi32, #tpu.memory_space<vmem>>)
          tpu.yield
        }) : () -> ()
        %mul3A_27 = arith.constant 32 : i32
        %mul3A_28 = arith.muli %scan3A_24, %mul3A_27 : i32
        "tpu.region"() ({
          %run_scoped3A_62 = tpu.sem_alloc : memref<!tpu.dma_semaphore, #tpu.memory_space<semaphore_mem>>
          %dma_start3A_63 = arith.constant 0 : i32
          %dma_start3A_64 = arith.constant 0 : i32
          %dma_start3A_65 = tpu.memref_slice %arg5[%arg1, %dma_start3A_63, %dma_start3A_64] : memref<16x160x128xi32, #tpu.memory_space<hbm>> -> memref<1x160x128xi32, #tpu.memory_space<hbm>>
          %dma_start3A_66 = tpu.memref_squeeze %dma_start3A_65 : memref<1x160x128xi32, #tpu.memory_space<hbm>> -> memref<160x128xi32, #tpu.memory_space<hbm>>
          %dma_start3A_67 = arith.constant 0 : i32
          %dma_start3A_68 = tpu.memref_slice %dma_start3A_66[%mul3A_28, %dma_start3A_67] : memref<160x128xi32, #tpu.memory_space<hbm>> -> memref<32x128xi32, #tpu.memory_space<hbm>>
          %dma_start3A_69 = arith.constant 0 : i32
          %dma_start3A_70 = arith.constant 0 : i32
          %dma_start3A_71 = tpu.memref_slice %arg5[%arg1, %dma_start3A_69, %dma_start3A_70] : memref<16x160x128xi32, #tpu.memory_space<hbm>> -> memref<1x160x128xi32, #tpu.memory_space<hbm>>
          %dma_start3A_72 = tpu.memref_squeeze %dma_start3A_71 : memref<1x160x128xi32, #tpu.memory_space<hbm>> -> memref<160x128xi32, #tpu.memory_space<hbm>>
          %dma_start3A_73 = arith.constant 0 : i32
          %dma_start3A_74 = tpu.memref_slice %dma_start3A_72[%mul3A_28, %dma_start3A_73] : memref<160x128xi32, #tpu.memory_space<hbm>> -> memref<32x128xi32, #tpu.memory_space<hbm>>
          tpu.enqueue_dma source(%dma_start3A_74 : memref<32x128xi32, #tpu.memory_space<hbm>>) target(%arg10 : memref<32x128xi32, #tpu.memory_space<vmem>>) target_semaphore(%run_scoped3A_62 : memref<!tpu.dma_semaphore, #tpu.memory_space<semaphore_mem>>)
          %dma_wait3A_75 = arith.constant 0 : i32
          %dma_wait3A_76 = arith.constant 0 : i32
          %dma_wait3A_77 = tpu.memref_slice %arg5[%arg1, %dma_wait3A_75, %dma_wait3A_76] : memref<16x160x128xi32, #tpu.memory_space<hbm>> -> memref<1x160x128xi32, #tpu.memory_space<hbm>>
          %dma_wait3A_78 = tpu.memref_squeeze %dma_wait3A_77 : memref<1x160x128xi32, #tpu.memory_space<hbm>> -> memref<160x128xi32, #tpu.memory_space<hbm>>
          %dma_wait3A_79 = arith.constant 0 : i32
          %dma_wait3A_80 = tpu.memref_slice %dma_wait3A_78[%mul3A_28, %dma_wait3A_79] : memref<160x128xi32, #tpu.memory_space<hbm>> -> memref<32x128xi32, #tpu.memory_space<hbm>>
          %dma_wait3A_81 = arith.constant 0 : i32
          %dma_wait3A_82 = arith.constant 0 : i32
          %dma_wait3A_83 = tpu.memref_slice %arg5[%arg1, %dma_wait3A_81, %dma_wait3A_82] : memref<16x160x128xi32, #tpu.memory_space<hbm>> -> memref<1x160x128xi32, #tpu.memory_space<hbm>>
          %dma_wait3A_84 = tpu.memref_squeeze %dma_wait3A_83 : memref<1x160x128xi32, #tpu.memory_space<hbm>> -> memref<160x128xi32, #tpu.memory_space<hbm>>
          %dma_wait3A_85 = arith.constant 0 : i32
          %dma_wait3A_86 = tpu.memref_slice %dma_wait3A_84[%mul3A_28, %dma_wait3A_85] : memref<160x128xi32, #tpu.memory_space<hbm>> -> memref<32x128xi32, #tpu.memory_space<hbm>>
          tpu.wait_dma2 semaphore(%run_scoped3A_62 : memref<!tpu.dma_semaphore, #tpu.memory_space<semaphore_mem>>) src(%dma_wait3A_86 : memref<32x128xi32, #tpu.memory_space<hbm>>) dst(%arg10 : memref<32x128xi32, #tpu.memory_space<vmem>>)
          tpu.yield
        }) : () -> ()
        %dma_start3A = arith.constant 0 : i32
        %dma_start3A_29 = arith.constant 0 : i32
        %dma_start3A_30 = tpu.memref_slice %arg9[%dma_start3A, %dma_start3A_29] : memref<32x128xi32, #tpu.memory_space<vmem>> -> memref<1x128xi32, #tpu.memory_space<vmem>>
        %dma_start3A_31 = tpu.memref_squeeze %dma_start3A_30 : memref<1x128xi32, #tpu.memory_space<vmem>> -> memref<128xi32, #tpu.memory_space<vmem>>
        %dma_start3A_32 = arith.constant 0 : i32
        %dma_start3A_33 = arith.constant 0 : i32
        %dma_start3A_34 = tpu.memref_slice %arg2[%dma_start3A_32, %dma_start3A_33] : memref<10000x128xf32, #tpu.memory_space<hbm>> -> memref<10000x128xf32, #tpu.memory_space<hbm>>
        tpu.enqueue_indirect_dma source(%dma_start3A_34 : memref<10000x128xf32, #tpu.memory_space<hbm>>) target(%arg11 : memref<128x128xf32, #tpu.memory_space<vmem>>) offsets(%dma_start3A_31 : memref<128xi32, #tpu.memory_space<vmem>>) semaphore(%arg14 : memref<!tpu.dma_semaphore, #tpu.memory_space<semaphore_mem>>)
        %scan3A_35 = arith.constant 0 : i32
        %scan3A_36 = arith.constant 0 : i32
        %scan3A_37 = arith.constant 15 : i32
        %scan3A_38 = arith.addi %scan3A_36, %scan3A_37 : i32
        %scan3A_39 = arith.constant 1 : i32
        scf.for %scan3A_62 = %scan3A_36 to %scan3A_38 step %scan3A_39  : i32 {
          %mul3A_63 = arith.constant 2 : i32
          %mul3A_64 = arith.muli %mul3A_63, %scan3A_62 : i32
          %add3A = arith.constant 1 : i32
          %add3A_65 = arith.addi %mul3A_64, %add3A : i32
          %dma_start3A_66 = arith.constant 0 : i32
          %dma_start3A_67 = tpu.memref_slice %arg9[%add3A_65, %dma_start3A_66] : memref<32x128xi32, #tpu.memory_space<vmem>> -> memref<1x128xi32, #tpu.memory_space<vmem>>
          %dma_start3A_68 = tpu.memref_squeeze %dma_start3A_67 : memref<1x128xi32, #tpu.memory_space<vmem>> -> memref<128xi32, #tpu.memory_space<vmem>>
          %dma_start3A_69 = arith.constant 0 : i32
          %dma_start3A_70 = arith.constant 0 : i32
          %dma_start3A_71 = tpu.memref_slice %arg2[%dma_start3A_69, %dma_start3A_70] : memref<10000x128xf32, #tpu.memory_space<hbm>> -> memref<10000x128xf32, #tpu.memory_space<hbm>>
          tpu.enqueue_indirect_dma source(%dma_start3A_71 : memref<10000x128xf32, #tpu.memory_space<hbm>>) target(%arg12 : memref<128x128xf32, #tpu.memory_space<vmem>>) offsets(%dma_start3A_68 : memref<128xi32, #tpu.memory_space<vmem>>) semaphore(%arg15 : memref<!tpu.dma_semaphore, #tpu.memory_space<semaphore_mem>>)
          %dma_wait3A_72 = arith.constant 0 : i32
          %dma_wait3A_73 = arith.constant 0 : i32
          %dma_wait3A_74 = tpu.memref_slice %arg9[%dma_wait3A_72, %dma_wait3A_73] : memref<32x128xi32, #tpu.memory_space<vmem>> -> memref<1x128xi32, #tpu.memory_space<vmem>>
          %dma_wait3A_75 = tpu.memref_squeeze %dma_wait3A_74 : memref<1x128xi32, #tpu.memory_space<vmem>> -> memref<128xi32, #tpu.memory_space<vmem>>
          %dma_wait3A_76 = arith.constant 0 : i32
          %dma_wait3A_77 = arith.constant 0 : i32
          %dma_wait3A_78 = tpu.memref_slice %arg2[%dma_wait3A_76, %dma_wait3A_77] : memref<10000x128xf32, #tpu.memory_space<hbm>> -> memref<10000x128xf32, #tpu.memory_space<hbm>>
          tpu.wait_indirect_dma semaphore(%arg14 : memref<!tpu.dma_semaphore, #tpu.memory_space<semaphore_mem>>) src(%dma_wait3A_78 : memref<10000x128xf32, #tpu.memory_space<hbm>>) dst(%arg11 : memref<128x128xf32, #tpu.memory_space<vmem>>)
          "tpu.region"() ({
            %run_scoped3A_96 = tpu.sem_alloc : memref<!tpu.dma_semaphore, #tpu.memory_space<semaphore_mem>>
            %dma_start3A_97 = arith.constant 0 : i32
            %dma_start3A_98 = tpu.memref_slice %arg10[%mul3A_64, %dma_start3A_97] : memref<32x128xi32, #tpu.memory_space<vmem>> -> memref<1x128xi32, #tpu.memory_space<vmem>>
            %dma_start3A_99 = tpu.memref_squeeze %dma_start3A_98 : memref<1x128xi32, #tpu.memory_space<vmem>> -> memref<128xi32, #tpu.memory_space<vmem>>
            %dma_start3A_100 = arith.constant 0 : i32
            %dma_start3A_101 = arith.constant 0 : i32
            %dma_start3A_102 = tpu.memref_slice %arg13[%dma_start3A_100, %dma_start3A_101] : memref<10112x128xf32, #tpu.memory_space<vmem_shared>> -> memref<10112x128xf32, #tpu.memory_space<vmem_shared>>
            tpu.enqueue_indirect_dma source(%arg11 : memref<128x128xf32, #tpu.memory_space<vmem>>) target(%dma_start3A_102 : memref<10112x128xf32, #tpu.memory_space<vmem_shared>>) offsets(%dma_start3A_99 : memref<128xi32, #tpu.memory_space<vmem>>) semaphore(%run_scoped3A_96 : memref<!tpu.dma_semaphore, #tpu.memory_space<semaphore_mem>>) {add = true}
            %dma_wait3A_103 = arith.constant 0 : i32
            %dma_wait3A_104 = tpu.memref_slice %arg10[%mul3A_64, %dma_wait3A_103] : memref<32x128xi32, #tpu.memory_space<vmem>> -> memref<1x128xi32, #tpu.memory_space<vmem>>
            %dma_wait3A_105 = tpu.memref_squeeze %dma_wait3A_104 : memref<1x128xi32, #tpu.memory_space<vmem>> -> memref<128xi32, #tpu.memory_space<vmem>>
            %dma_wait3A_106 = arith.constant 0 : i32
            %dma_wait3A_107 = arith.constant 0 : i32
            %dma_wait3A_108 = tpu.memref_slice %arg13[%dma_wait3A_106, %dma_wait3A_107] : memref<10112x128xf32, #tpu.memory_space<vmem_shared>> -> memref<10112x128xf32, #tpu.memory_space<vmem_shared>>
            tpu.wait_indirect_dma semaphore(%run_scoped3A_96 : memref<!tpu.dma_semaphore, #tpu.memory_space<semaphore_mem>>) src(%arg11 : memref<128x128xf32, #tpu.memory_space<vmem>>) dst(%dma_wait3A_108 : memref<10112x128xf32, #tpu.memory_space<vmem_shared>>)
            tpu.yield
          }) : () -> ()
          %add3A_79 = arith.constant 2 : i32
          %add3A_80 = arith.addi %mul3A_64, %add3A_79 : i32
          %dma_start3A_81 = arith.constant 0 : i32
          %dma_start3A_82 = tpu.memref_slice %arg9[%add3A_80, %dma_start3A_81] : memref<32x128xi32, #tpu.memory_space<vmem>> -> memref<1x128xi32, #tpu.memory_space<vmem>>
          %dma_start3A_83 = tpu.memref_squeeze %dma_start3A_82 : memref<1x128xi32, #tpu.memory_space<vmem>> -> memref<128xi32, #tpu.memory_space<vmem>>
          %dma_start3A_84 = arith.constant 0 : i32
          %dma_start3A_85 = arith.constant 0 : i32
          %dma_start3A_86 = tpu.memref_slice %arg2[%dma_start3A_84, %dma_start3A_85] : memref<10000x128xf32, #tpu.memory_space<hbm>> -> memref<10000x128xf32, #tpu.memory_space<hbm>>
          tpu.enqueue_indirect_dma source(%dma_start3A_86 : memref<10000x128xf32, #tpu.memory_space<hbm>>) target(%arg11 : memref<128x128xf32, #tpu.memory_space<vmem>>) offsets(%dma_start3A_83 : memref<128xi32, #tpu.memory_space<vmem>>) semaphore(%arg14 : memref<!tpu.dma_semaphore, #tpu.memory_space<semaphore_mem>>)
          %dma_wait3A_87 = arith.constant 0 : i32
          %dma_wait3A_88 = arith.constant 0 : i32
          %dma_wait3A_89 = tpu.memref_slice %arg9[%dma_wait3A_87, %dma_wait3A_88] : memref<32x128xi32, #tpu.memory_space<vmem>> -> memref<1x128xi32, #tpu.memory_space<vmem>>
          %dma_wait3A_90 = tpu.memref_squeeze %dma_wait3A_89 : memref<1x128xi32, #tpu.memory_space<vmem>> -> memref<128xi32, #tpu.memory_space<vmem>>
          %dma_wait3A_91 = arith.constant 0 : i32
          %dma_wait3A_92 = arith.constant 0 : i32
          %dma_wait3A_93 = tpu.memref_slice %arg2[%dma_wait3A_91, %dma_wait3A_92] : memref<10000x128xf32, #tpu.memory_space<hbm>> -> memref<10000x128xf32, #tpu.memory_space<hbm>>
          tpu.wait_indirect_dma semaphore(%arg15 : memref<!tpu.dma_semaphore, #tpu.memory_space<semaphore_mem>>) src(%dma_wait3A_93 : memref<10000x128xf32, #tpu.memory_space<hbm>>) dst(%arg12 : memref<128x128xf32, #tpu.memory_space<vmem>>)
          %add3A_94 = arith.constant 1 : i32
          %add3A_95 = arith.addi %mul3A_64, %add3A_94 : i32
          "tpu.region"() ({
            %run_scoped3A_96 = tpu.sem_alloc : memref<!tpu.dma_semaphore, #tpu.memory_space<semaphore_mem>>
            %dma_start3A_97 = arith.constant 0 : i32
            %dma_start3A_98 = tpu.memref_slice %arg10[%add3A_95, %dma_start3A_97] : memref<32x128xi32, #tpu.memory_space<vmem>> -> memref<1x128xi32, #tpu.memory_space<vmem>>
            %dma_start3A_99 = tpu.memref_squeeze %dma_start3A_98 : memref<1x128xi32, #tpu.memory_space<vmem>> -> memref<128xi32, #tpu.memory_space<vmem>>
            %dma_start3A_100 = arith.constant 0 : i32
            %dma_start3A_101 = arith.constant 0 : i32
            %dma_start3A_102 = tpu.memref_slice %arg13[%dma_start3A_100, %dma_start3A_101] : memref<10112x128xf32, #tpu.memory_space<vmem_shared>> -> memref<10112x128xf32, #tpu.memory_space<vmem_shared>>
            tpu.enqueue_indirect_dma source(%arg12 : memref<128x128xf32, #tpu.memory_space<vmem>>) target(%dma_start3A_102 : memref<10112x128xf32, #tpu.memory_space<vmem_shared>>) offsets(%dma_start3A_99 : memref<128xi32, #tpu.memory_space<vmem>>) semaphore(%run_scoped3A_96 : memref<!tpu.dma_semaphore, #tpu.memory_space<semaphore_mem>>) {add = true}
            %dma_wait3A_103 = arith.constant 0 : i32
            %dma_wait3A_104 = tpu.memref_slice %arg10[%add3A_95, %dma_wait3A_103] : memref<32x128xi32, #tpu.memory_space<vmem>> -> memref<1x128xi32, #tpu.memory_space<vmem>>
            %dma_wait3A_105 = tpu.memref_squeeze %dma_wait3A_104 : memref<1x128xi32, #tpu.memory_space<vmem>> -> memref<128xi32, #tpu.memory_space<vmem>>
            %dma_wait3A_106 = arith.constant 0 : i32
            %dma_wait3A_107 = arith.constant 0 : i32
            %dma_wait3A_108 = tpu.memref_slice %arg13[%dma_wait3A_106, %dma_wait3A_107] : memref<10112x128xf32, #tpu.memory_space<vmem_shared>> -> memref<10112x128xf32, #tpu.memory_space<vmem_shared>>
            tpu.wait_indirect_dma semaphore(%run_scoped3A_96 : memref<!tpu.dma_semaphore, #tpu.memory_space<semaphore_mem>>) src(%arg12 : memref<128x128xf32, #tpu.memory_space<vmem>>) dst(%dma_wait3A_108 : memref<10112x128xf32, #tpu.memory_space<vmem_shared>>)
            tpu.yield
          }) : () -> ()
        }
        %scan3A_40 = arith.constant 15 : i32
        %dma_start3A_41 = arith.constant 31 : i32
        %dma_start3A_42 = arith.constant 0 : i32
        %dma_start3A_43 = tpu.memref_slice %arg9[%dma_start3A_41, %dma_start3A_42] : memref<32x128xi32, #tpu.memory_space<vmem>> -> memref<1x128xi32, #tpu.memory_space<vmem>>
        %dma_start3A_44 = tpu.memref_squeeze %dma_start3A_43 : memref<1x128xi32, #tpu.memory_space<vmem>> -> memref<128xi32, #tpu.memory_space<vmem>>
        %dma_start3A_45 = arith.constant 0 : i32
        %dma_start3A_46 = arith.constant 0 : i32
        %dma_start3A_47 = tpu.memref_slice %arg2[%dma_start3A_45, %dma_start3A_46] : memref<10000x128xf32, #tpu.memory_space<hbm>> -> memref<10000x128xf32, #tpu.memory_space<hbm>>
        tpu.enqueue_indirect_dma source(%dma_start3A_47 : memref<10000x128xf32, #tpu.memory_space<hbm>>) target(%arg12 : memref<128x128xf32, #tpu.memory_space<vmem>>) offsets(%dma_start3A_44 : memref<128xi32, #tpu.memory_space<vmem>>) semaphore(%arg15 : memref<!tpu.dma_semaphore, #tpu.memory_space<semaphore_mem>>)
        %dma_wait3A = arith.constant 0 : i32
        %dma_wait3A_48 = arith.constant 0 : i32
        %dma_wait3A_49 = tpu.memref_slice %arg9[%dma_wait3A, %dma_wait3A_48] : memref<32x128xi32, #tpu.memory_space<vmem>> -> memref<1x128xi32, #tpu.memory_space<vmem>>
        %dma_wait3A_50 = tpu.memref_squeeze %dma_wait3A_49 : memref<1x128xi32, #tpu.memory_space<vmem>> -> memref<128xi32, #tpu.memory_space<vmem>>
        %dma_wait3A_51 = arith.constant 0 : i32
        %dma_wait3A_52 = arith.constant 0 : i32
        %dma_wait3A_53 = tpu.memref_slice %arg2[%dma_wait3A_51, %dma_wait3A_52] : memref<10000x128xf32, #tpu.memory_space<hbm>> -> memref<10000x128xf32, #tpu.memory_space<hbm>>
        tpu.wait_indirect_dma semaphore(%arg14 : memref<!tpu.dma_semaphore, #tpu.memory_space<semaphore_mem>>) src(%dma_wait3A_53 : memref<10000x128xf32, #tpu.memory_space<hbm>>) dst(%arg11 : memref<128x128xf32, #tpu.memory_space<vmem>>)
        %run_scoped3A = arith.constant 30 : i32
        "tpu.region"() ({
          %run_scoped3A_62 = tpu.sem_alloc : memref<!tpu.dma_semaphore, #tpu.memory_space<semaphore_mem>>
          %dma_start3A_63 = arith.constant 0 : i32
          %dma_start3A_64 = tpu.memref_slice %arg10[%run_scoped3A, %dma_start3A_63] : memref<32x128xi32, #tpu.memory_space<vmem>> -> memref<1x128xi32, #tpu.memory_space<vmem>>
          %dma_start3A_65 = tpu.memref_squeeze %dma_start3A_64 : memref<1x128xi32, #tpu.memory_space<vmem>> -> memref<128xi32, #tpu.memory_space<vmem>>
          %dma_start3A_66 = arith.constant 0 : i32
          %dma_start3A_67 = arith.constant 0 : i32
          %dma_start3A_68 = tpu.memref_slice %arg13[%dma_start3A_66, %dma_start3A_67] : memref<10112x128xf32, #tpu.memory_space<vmem_shared>> -> memref<10112x128xf32, #tpu.memory_space<vmem_shared>>
          tpu.enqueue_indirect_dma source(%arg11 : memref<128x128xf32, #tpu.memory_space<vmem>>) target(%dma_start3A_68 : memref<10112x128xf32, #tpu.memory_space<vmem_shared>>) offsets(%dma_start3A_65 : memref<128xi32, #tpu.memory_space<vmem>>) semaphore(%run_scoped3A_62 : memref<!tpu.dma_semaphore, #tpu.memory_space<semaphore_mem>>) {add = true}
          %dma_wait3A_69 = arith.constant 0 : i32
          %dma_wait3A_70 = tpu.memref_slice %arg10[%run_scoped3A, %dma_wait3A_69] : memref<32x128xi32, #tpu.memory_space<vmem>> -> memref<1x128xi32, #tpu.memory_space<vmem>>
          %dma_wait3A_71 = tpu.memref_squeeze %dma_wait3A_70 : memref<1x128xi32, #tpu.memory_space<vmem>> -> memref<128xi32, #tpu.memory_space<vmem>>
          %dma_wait3A_72 = arith.constant 0 : i32
          %dma_wait3A_73 = arith.constant 0 : i32
          %dma_wait3A_74 = tpu.memref_slice %arg13[%dma_wait3A_72, %dma_wait3A_73] : memref<10112x128xf32, #tpu.memory_space<vmem_shared>> -> memref<10112x128xf32, #tpu.memory_space<vmem_shared>>
          tpu.wait_indirect_dma semaphore(%run_scoped3A_62 : memref<!tpu.dma_semaphore, #tpu.memory_space<semaphore_mem>>) src(%arg11 : memref<128x128xf32, #tpu.memory_space<vmem>>) dst(%dma_wait3A_74 : memref<10112x128xf32, #tpu.memory_space<vmem_shared>>)
          tpu.yield
        }) : () -> ()
        %dma_wait3A_54 = arith.constant 0 : i32
        %dma_wait3A_55 = arith.constant 0 : i32
        %dma_wait3A_56 = tpu.memref_slice %arg9[%dma_wait3A_54, %dma_wait3A_55] : memref<32x128xi32, #tpu.memory_space<vmem>> -> memref<1x128xi32, #tpu.memory_space<vmem>>
        %dma_wait3A_57 = tpu.memref_squeeze %dma_wait3A_56 : memref<1x128xi32, #tpu.memory_space<vmem>> -> memref<128xi32, #tpu.memory_space<vmem>>
        %dma_wait3A_58 = arith.constant 0 : i32
        %dma_wait3A_59 = arith.constant 0 : i32
        %dma_wait3A_60 = tpu.memref_slice %arg2[%dma_wait3A_58, %dma_wait3A_59] : memref<10000x128xf32, #tpu.memory_space<hbm>> -> memref<10000x128xf32, #tpu.memory_space<hbm>>
        tpu.wait_indirect_dma semaphore(%arg15 : memref<!tpu.dma_semaphore, #tpu.memory_space<semaphore_mem>>) src(%dma_wait3A_60 : memref<10000x128xf32, #tpu.memory_space<hbm>>) dst(%arg12 : memref<128x128xf32, #tpu.memory_space<vmem>>)
        %run_scoped3A_61 = arith.constant 31 : i32
        "tpu.region"() ({
          %run_scoped3A_62 = tpu.sem_alloc : memref<!tpu.dma_semaphore, #tpu.memory_space<semaphore_mem>>
          %dma_start3A_63 = arith.constant 0 : i32
          %dma_start3A_64 = tpu.memref_slice %arg10[%run_scoped3A_61, %dma_start3A_63] : memref<32x128xi32, #tpu.memory_space<vmem>> -> memref<1x128xi32, #tpu.memory_space<vmem>>
          %dma_start3A_65 = tpu.memref_squeeze %dma_start3A_64 : memref<1x128xi32, #tpu.memory_space<vmem>> -> memref<128xi32, #tpu.memory_space<vmem>>
          %dma_start3A_66 = arith.constant 0 : i32
          %dma_start3A_67 = arith.constant 0 : i32
          %dma_start3A_68 = tpu.memref_slice %arg13[%dma_start3A_66, %dma_start3A_67] : memref<10112x128xf32, #tpu.memory_space<vmem_shared>> -> memref<10112x128xf32, #tpu.memory_space<vmem_shared>>
          tpu.enqueue_indirect_dma source(%arg12 : memref<128x128xf32, #tpu.memory_space<vmem>>) target(%dma_start3A_68 : memref<10112x128xf32, #tpu.memory_space<vmem_shared>>) offsets(%dma_start3A_65 : memref<128xi32, #tpu.memory_space<vmem>>) semaphore(%run_scoped3A_62 : memref<!tpu.dma_semaphore, #tpu.memory_space<semaphore_mem>>) {add = true}
          %dma_wait3A_69 = arith.constant 0 : i32
          %dma_wait3A_70 = tpu.memref_slice %arg10[%run_scoped3A_61, %dma_wait3A_69] : memref<32x128xi32, #tpu.memory_space<vmem>> -> memref<1x128xi32, #tpu.memory_space<vmem>>
          %dma_wait3A_71 = tpu.memref_squeeze %dma_wait3A_70 : memref<1x128xi32, #tpu.memory_space<vmem>> -> memref<128xi32, #tpu.memory_space<vmem>>
          %dma_wait3A_72 = arith.constant 0 : i32
          %dma_wait3A_73 = arith.constant 0 : i32
          %dma_wait3A_74 = tpu.memref_slice %arg13[%dma_wait3A_72, %dma_wait3A_73] : memref<10112x128xf32, #tpu.memory_space<vmem_shared>> -> memref<10112x128xf32, #tpu.memory_space<vmem_shared>>
          tpu.wait_indirect_dma semaphore(%run_scoped3A_62 : memref<!tpu.dma_semaphore, #tpu.memory_space<semaphore_mem>>) src(%arg12 : memref<128x128xf32, #tpu.memory_space<vmem>>) dst(%dma_wait3A_74 : memref<10112x128xf32, #tpu.memory_space<vmem_shared>>)
          tpu.yield
        }) : () -> ()
      }
      %scan3A_23 = arith.constant 5 : i32
    } else {
    }
    %eq3A_3 = arith.constant 1 : i32
    %eq3A_4 = arith.cmpi eq, %arg0, %eq3A_3 : i32
    %convert_element_type3A_5 = arith.extui %eq3A_4 : i1 to i32
    %cond3A_6 = arith.constant 0 : i32
    %cond3A_7 = arith.cmpi ne, %convert_element_type3A_5, %cond3A_6 : i32
    scf.if %cond3A_7 {
      %scan3A = arith.constant 0 : i32
      %scan3A_19 = arith.constant 0 : i32
      %scan3A_20 = arith.constant 5 : i32
      %scan3A_21 = arith.addi %scan3A_19, %scan3A_20 : i32
      %scan3A_22 = arith.constant 1 : i32
      scf.for %scan3A_24 = %scan3A_19 to %scan3A_21 step %scan3A_22  : i32 {
        %mul3A_25 = arith.constant 32 : i32
        %mul3A_26 = arith.muli %scan3A_24, %mul3A_25 : i32
        "tpu.region"() ({
          %run_scoped3A_62 = tpu.sem_alloc : memref<!tpu.dma_semaphore, #tpu.memory_space<semaphore_mem>>
          %dma_start3A_63 = arith.constant 0 : i32
          %dma_start3A_64 = arith.constant 0 : i32
          %dma_start3A_65 = tpu.memref_slice %arg4[%arg1, %dma_start3A_63, %dma_start3A_64] : memref<16x160x128xi32, #tpu.memory_space<hbm>> -> memref<1x160x128xi32, #tpu.memory_space<hbm>>
          %dma_start3A_66 = tpu.memref_squeeze %dma_start3A_65 : memref<1x160x128xi32, #tpu.memory_space<hbm>> -> memref<160x128xi32, #tpu.memory_space<hbm>>
          %dma_start3A_67 = arith.constant 0 : i32
          %dma_start3A_68 = tpu.memref_slice %dma_start3A_66[%mul3A_26, %dma_start3A_67] : memref<160x128xi32, #tpu.memory_space<hbm>> -> memref<32x128xi32, #tpu.memory_space<hbm>>
          %dma_start3A_69 = arith.constant 0 : i32
          %dma_start3A_70 = arith.constant 0 : i32
          %dma_start3A_71 = tpu.memref_slice %arg4[%arg1, %dma_start3A_69, %dma_start3A_70] : memref<16x160x128xi32, #tpu.memory_space<hbm>> -> memref<1x160x128xi32, #tpu.memory_space<hbm>>
          %dma_start3A_72 = tpu.memref_squeeze %dma_start3A_71 : memref<1x160x128xi32, #tpu.memory_space<hbm>> -> memref<160x128xi32, #tpu.memory_space<hbm>>
          %dma_start3A_73 = arith.constant 0 : i32
          %dma_start3A_74 = tpu.memref_slice %dma_start3A_72[%mul3A_26, %dma_start3A_73] : memref<160x128xi32, #tpu.memory_space<hbm>> -> memref<32x128xi32, #tpu.memory_space<hbm>>
          tpu.enqueue_dma source(%dma_start3A_74 : memref<32x128xi32, #tpu.memory_space<hbm>>) target(%arg9 : memref<32x128xi32, #tpu.memory_space<vmem>>) target_semaphore(%run_scoped3A_62 : memref<!tpu.dma_semaphore, #tpu.memory_space<semaphore_mem>>)
          %dma_wait3A_75 = arith.constant 0 : i32
          %dma_wait3A_76 = arith.constant 0 : i32
          %dma_wait3A_77 = tpu.memref_slice %arg4[%arg1, %dma_wait3A_75, %dma_wait3A_76] : memref<16x160x128xi32, #tpu.memory_space<hbm>> -> memref<1x160x128xi32, #tpu.memory_space<hbm>>
          %dma_wait3A_78 = tpu.memref_squeeze %dma_wait3A_77 : memref<1x160x128xi32, #tpu.memory_space<hbm>> -> memref<160x128xi32, #tpu.memory_space<hbm>>
          %dma_wait3A_79 = arith.constant 0 : i32
          %dma_wait3A_80 = tpu.memref_slice %dma_wait3A_78[%mul3A_26, %dma_wait3A_79] : memref<160x128xi32, #tpu.memory_space<hbm>> -> memref<32x128xi32, #tpu.memory_space<hbm>>
          %dma_wait3A_81 = arith.constant 0 : i32
          %dma_wait3A_82 = arith.constant 0 : i32
          %dma_wait3A_83 = tpu.memref_slice %arg4[%arg1, %dma_wait3A_81, %dma_wait3A_82] : memref<16x160x128xi32, #tpu.memory_space<hbm>> -> memref<1x160x128xi32, #tpu.memory_space<hbm>>
          %dma_wait3A_84 = tpu.memref_squeeze %dma_wait3A_83 : memref<1x160x128xi32, #tpu.memory_space<hbm>> -> memref<160x128xi32, #tpu.memory_space<hbm>>
          %dma_wait3A_85 = arith.constant 0 : i32
          %dma_wait3A_86 = tpu.memref_slice %dma_wait3A_84[%mul3A_26, %dma_wait3A_85] : memref<160x128xi32, #tpu.memory_space<hbm>> -> memref<32x128xi32, #tpu.memory_space<hbm>>
          tpu.wait_dma2 semaphore(%run_scoped3A_62 : memref<!tpu.dma_semaphore, #tpu.memory_space<semaphore_mem>>) src(%dma_wait3A_86 : memref<32x128xi32, #tpu.memory_space<hbm>>) dst(%arg9 : memref<32x128xi32, #tpu.memory_space<vmem>>)
          tpu.yield
        }) : () -> ()
        %mul3A_27 = arith.constant 32 : i32
        %mul3A_28 = arith.muli %scan3A_24, %mul3A_27 : i32
        "tpu.region"() ({
          %run_scoped3A_62 = tpu.sem_alloc : memref<!tpu.dma_semaphore, #tpu.memory_space<semaphore_mem>>
          %dma_start3A_63 = arith.constant 0 : i32
          %dma_start3A_64 = arith.constant 0 : i32
          %dma_start3A_65 = tpu.memref_slice %arg5[%arg1, %dma_start3A_63, %dma_start3A_64] : memref<16x160x128xi32, #tpu.memory_space<hbm>> -> memref<1x160x128xi32, #tpu.memory_space<hbm>>
          %dma_start3A_66 = tpu.memref_squeeze %dma_start3A_65 : memref<1x160x128xi32, #tpu.memory_space<hbm>> -> memref<160x128xi32, #tpu.memory_space<hbm>>
          %dma_start3A_67 = arith.constant 0 : i32
          %dma_start3A_68 = tpu.memref_slice %dma_start3A_66[%mul3A_28, %dma_start3A_67] : memref<160x128xi32, #tpu.memory_space<hbm>> -> memref<32x128xi32, #tpu.memory_space<hbm>>
          %dma_start3A_69 = arith.constant 0 : i32
          %dma_start3A_70 = arith.constant 0 : i32
          %dma_start3A_71 = tpu.memref_slice %arg5[%arg1, %dma_start3A_69, %dma_start3A_70] : memref<16x160x128xi32, #tpu.memory_space<hbm>> -> memref<1x160x128xi32, #tpu.memory_space<hbm>>
          %dma_start3A_72 = tpu.memref_squeeze %dma_start3A_71 : memref<1x160x128xi32, #tpu.memory_space<hbm>> -> memref<160x128xi32, #tpu.memory_space<hbm>>
          %dma_start3A_73 = arith.constant 0 : i32
          %dma_start3A_74 = tpu.memref_slice %dma_start3A_72[%mul3A_28, %dma_start3A_73] : memref<160x128xi32, #tpu.memory_space<hbm>> -> memref<32x128xi32, #tpu.memory_space<hbm>>
          tpu.enqueue_dma source(%dma_start3A_74 : memref<32x128xi32, #tpu.memory_space<hbm>>) target(%arg10 : memref<32x128xi32, #tpu.memory_space<vmem>>) target_semaphore(%run_scoped3A_62 : memref<!tpu.dma_semaphore, #tpu.memory_space<semaphore_mem>>)
          %dma_wait3A_75 = arith.constant 0 : i32
          %dma_wait3A_76 = arith.constant 0 : i32
          %dma_wait3A_77 = tpu.memref_slice %arg5[%arg1, %dma_wait3A_75, %dma_wait3A_76] : memref<16x160x128xi32, #tpu.memory_space<hbm>> -> memref<1x160x128xi32, #tpu.memory_space<hbm>>
          %dma_wait3A_78 = tpu.memref_squeeze %dma_wait3A_77 : memref<1x160x128xi32, #tpu.memory_space<hbm>> -> memref<160x128xi32, #tpu.memory_space<hbm>>
          %dma_wait3A_79 = arith.constant 0 : i32
          %dma_wait3A_80 = tpu.memref_slice %dma_wait3A_78[%mul3A_28, %dma_wait3A_79] : memref<160x128xi32, #tpu.memory_space<hbm>> -> memref<32x128xi32, #tpu.memory_space<hbm>>
          %dma_wait3A_81 = arith.constant 0 : i32
          %dma_wait3A_82 = arith.constant 0 : i32
          %dma_wait3A_83 = tpu.memref_slice %arg5[%arg1, %dma_wait3A_81, %dma_wait3A_82] : memref<16x160x128xi32, #tpu.memory_space<hbm>> -> memref<1x160x128xi32, #tpu.memory_space<hbm>>
          %dma_wait3A_84 = tpu.memref_squeeze %dma_wait3A_83 : memref<1x160x128xi32, #tpu.memory_space<hbm>> -> memref<160x128xi32, #tpu.memory_space<hbm>>
          %dma_wait3A_85 = arith.constant 0 : i32
          %dma_wait3A_86 = tpu.memref_slice %dma_wait3A_84[%mul3A_28, %dma_wait3A_85] : memref<160x128xi32, #tpu.memory_space<hbm>> -> memref<32x128xi32, #tpu.memory_space<hbm>>
          tpu.wait_dma2 semaphore(%run_scoped3A_62 : memref<!tpu.dma_semaphore, #tpu.memory_space<semaphore_mem>>) src(%dma_wait3A_86 : memref<32x128xi32, #tpu.memory_space<hbm>>) dst(%arg10 : memref<32x128xi32, #tpu.memory_space<vmem>>)
          tpu.yield
        }) : () -> ()
        %dma_start3A = arith.constant 0 : i32
        %dma_start3A_29 = arith.constant 0 : i32
        %dma_start3A_30 = tpu.memref_slice %arg9[%dma_start3A, %dma_start3A_29] : memref<32x128xi32, #tpu.memory_space<vmem>> -> memref<1x128xi32, #tpu.memory_space<vmem>>
        %dma_start3A_31 = tpu.memref_squeeze %dma_start3A_30 : memref<1x128xi32, #tpu.memory_space<vmem>> -> memref<128xi32, #tpu.memory_space<vmem>>
        %dma_start3A_32 = arith.constant 0 : i32
        %dma_start3A_33 = arith.constant 0 : i32
        %dma_start3A_34 = tpu.memref_slice %arg3[%dma_start3A_32, %dma_start3A_33] : memref<10000x128xf32, #tpu.memory_space<hbm>> -> memref<10000x128xf32, #tpu.memory_space<hbm>>
        tpu.enqueue_indirect_dma source(%dma_start3A_34 : memref<10000x128xf32, #tpu.memory_space<hbm>>) target(%arg11 : memref<128x128xf32, #tpu.memory_space<vmem>>) offsets(%dma_start3A_31 : memref<128xi32, #tpu.memory_space<vmem>>) semaphore(%arg14 : memref<!tpu.dma_semaphore, #tpu.memory_space<semaphore_mem>>)
        %scan3A_35 = arith.constant 0 : i32
        %scan3A_36 = arith.constant 0 : i32
        %scan3A_37 = arith.constant 15 : i32
        %scan3A_38 = arith.addi %scan3A_36, %scan3A_37 : i32
        %scan3A_39 = arith.constant 1 : i32
        scf.for %scan3A_62 = %scan3A_36 to %scan3A_38 step %scan3A_39  : i32 {
          %mul3A_63 = arith.constant 2 : i32
          %mul3A_64 = arith.muli %mul3A_63, %scan3A_62 : i32
          %add3A = arith.constant 1 : i32
          %add3A_65 = arith.addi %mul3A_64, %add3A : i32
          %dma_start3A_66 = arith.constant 0 : i32
          %dma_start3A_67 = tpu.memref_slice %arg9[%add3A_65, %dma_start3A_66] : memref<32x128xi32, #tpu.memory_space<vmem>> -> memref<1x128xi32, #tpu.memory_space<vmem>>
          %dma_start3A_68 = tpu.memref_squeeze %dma_start3A_67 : memref<1x128xi32, #tpu.memory_space<vmem>> -> memref<128xi32, #tpu.memory_space<vmem>>
          %dma_start3A_69 = arith.constant 0 : i32
          %dma_start3A_70 = arith.constant 0 : i32
          %dma_start3A_71 = tpu.memref_slice %arg3[%dma_start3A_69, %dma_start3A_70] : memref<10000x128xf32, #tpu.memory_space<hbm>> -> memref<10000x128xf32, #tpu.memory_space<hbm>>
          tpu.enqueue_indirect_dma source(%dma_start3A_71 : memref<10000x128xf32, #tpu.memory_space<hbm>>) target(%arg12 : memref<128x128xf32, #tpu.memory_space<vmem>>) offsets(%dma_start3A_68 : memref<128xi32, #tpu.memory_space<vmem>>) semaphore(%arg15 : memref<!tpu.dma_semaphore, #tpu.memory_space<semaphore_mem>>)
          %dma_wait3A_72 = arith.constant 0 : i32
          %dma_wait3A_73 = arith.constant 0 : i32
          %dma_wait3A_74 = tpu.memref_slice %arg9[%dma_wait3A_72, %dma_wait3A_73] : memref<32x128xi32, #tpu.memory_space<vmem>> -> memref<1x128xi32, #tpu.memory_space<vmem>>
          %dma_wait3A_75 = tpu.memref_squeeze %dma_wait3A_74 : memref<1x128xi32, #tpu.memory_space<vmem>> -> memref<128xi32, #tpu.memory_space<vmem>>
          %dma_wait3A_76 = arith.constant 0 : i32
          %dma_wait3A_77 = arith.constant 0 : i32
          %dma_wait3A_78 = tpu.memref_slice %arg3[%dma_wait3A_76, %dma_wait3A_77] : memref<10000x128xf32, #tpu.memory_space<hbm>> -> memref<10000x128xf32, #tpu.memory_space<hbm>>
          tpu.wait_indirect_dma semaphore(%arg14 : memref<!tpu.dma_semaphore, #tpu.memory_space<semaphore_mem>>) src(%dma_wait3A_78 : memref<10000x128xf32, #tpu.memory_space<hbm>>) dst(%arg11 : memref<128x128xf32, #tpu.memory_space<vmem>>)
          "tpu.region"() ({
            %run_scoped3A_96 = tpu.sem_alloc : memref<!tpu.dma_semaphore, #tpu.memory_space<semaphore_mem>>
            %dma_start3A_97 = arith.constant 0 : i32
            %dma_start3A_98 = tpu.memref_slice %arg10[%mul3A_64, %dma_start3A_97] : memref<32x128xi32, #tpu.memory_space<vmem>> -> memref<1x128xi32, #tpu.memory_space<vmem>>
            %dma_start3A_99 = tpu.memref_squeeze %dma_start3A_98 : memref<1x128xi32, #tpu.memory_space<vmem>> -> memref<128xi32, #tpu.memory_space<vmem>>
            %dma_start3A_100 = arith.constant 0 : i32
            %dma_start3A_101 = arith.constant 0 : i32
            %dma_start3A_102 = tpu.memref_slice %arg13[%dma_start3A_100, %dma_start3A_101] : memref<10112x128xf32, #tpu.memory_space<vmem_shared>> -> memref<10112x128xf32, #tpu.memory_space<vmem_shared>>
            tpu.enqueue_indirect_dma source(%arg11 : memref<128x128xf32, #tpu.memory_space<vmem>>) target(%dma_start3A_102 : memref<10112x128xf32, #tpu.memory_space<vmem_shared>>) offsets(%dma_start3A_99 : memref<128xi32, #tpu.memory_space<vmem>>) semaphore(%run_scoped3A_96 : memref<!tpu.dma_semaphore, #tpu.memory_space<semaphore_mem>>) {add = true}
            %dma_wait3A_103 = arith.constant 0 : i32
            %dma_wait3A_104 = tpu.memref_slice %arg10[%mul3A_64, %dma_wait3A_103] : memref<32x128xi32, #tpu.memory_space<vmem>> -> memref<1x128xi32, #tpu.memory_space<vmem>>
            %dma_wait3A_105 = tpu.memref_squeeze %dma_wait3A_104 : memref<1x128xi32, #tpu.memory_space<vmem>> -> memref<128xi32, #tpu.memory_space<vmem>>
            %dma_wait3A_106 = arith.constant 0 : i32
            %dma_wait3A_107 = arith.constant 0 : i32
            %dma_wait3A_108 = tpu.memref_slice %arg13[%dma_wait3A_106, %dma_wait3A_107] : memref<10112x128xf32, #tpu.memory_space<vmem_shared>> -> memref<10112x128xf32, #tpu.memory_space<vmem_shared>>
            tpu.wait_indirect_dma semaphore(%run_scoped3A_96 : memref<!tpu.dma_semaphore, #tpu.memory_space<semaphore_mem>>) src(%arg11 : memref<128x128xf32, #tpu.memory_space<vmem>>) dst(%dma_wait3A_108 : memref<10112x128xf32, #tpu.memory_space<vmem_shared>>)
            tpu.yield
          }) : () -> ()
          %add3A_79 = arith.constant 2 : i32
          %add3A_80 = arith.addi %mul3A_64, %add3A_79 : i32
          %dma_start3A_81 = arith.constant 0 : i32
          %dma_start3A_82 = tpu.memref_slice %arg9[%add3A_80, %dma_start3A_81] : memref<32x128xi32, #tpu.memory_space<vmem>> -> memref<1x128xi32, #tpu.memory_space<vmem>>
          %dma_start3A_83 = tpu.memref_squeeze %dma_start3A_82 : memref<1x128xi32, #tpu.memory_space<vmem>> -> memref<128xi32, #tpu.memory_space<vmem>>
          %dma_start3A_84 = arith.constant 0 : i32
          %dma_start3A_85 = arith.constant 0 : i32
          %dma_start3A_86 = tpu.memref_slice %arg3[%dma_start3A_84, %dma_start3A_85] : memref<10000x128xf32, #tpu.memory_space<hbm>> -> memref<10000x128xf32, #tpu.memory_space<hbm>>
          tpu.enqueue_indirect_dma source(%dma_start3A_86 : memref<10000x128xf32, #tpu.memory_space<hbm>>) target(%arg11 : memref<128x128xf32, #tpu.memory_space<vmem>>) offsets(%dma_start3A_83 : memref<128xi32, #tpu.memory_space<vmem>>) semaphore(%arg14 : memref<!tpu.dma_semaphore, #tpu.memory_space<semaphore_mem>>)
          %dma_wait3A_87 = arith.constant 0 : i32
          %dma_wait3A_88 = arith.constant 0 : i32
          %dma_wait3A_89 = tpu.memref_slice %arg9[%dma_wait3A_87, %dma_wait3A_88] : memref<32x128xi32, #tpu.memory_space<vmem>> -> memref<1x128xi32, #tpu.memory_space<vmem>>
          %dma_wait3A_90 = tpu.memref_squeeze %dma_wait3A_89 : memref<1x128xi32, #tpu.memory_space<vmem>> -> memref<128xi32, #tpu.memory_space<vmem>>
          %dma_wait3A_91 = arith.constant 0 : i32
          %dma_wait3A_92 = arith.constant 0 : i32
          %dma_wait3A_93 = tpu.memref_slice %arg3[%dma_wait3A_91, %dma_wait3A_92] : memref<10000x128xf32, #tpu.memory_space<hbm>> -> memref<10000x128xf32, #tpu.memory_space<hbm>>
          tpu.wait_indirect_dma semaphore(%arg15 : memref<!tpu.dma_semaphore, #tpu.memory_space<semaphore_mem>>) src(%dma_wait3A_93 : memref<10000x128xf32, #tpu.memory_space<hbm>>) dst(%arg12 : memref<128x128xf32, #tpu.memory_space<vmem>>)
          %add3A_94 = arith.constant 1 : i32
          %add3A_95 = arith.addi %mul3A_64, %add3A_94 : i32
          "tpu.region"() ({
            %run_scoped3A_96 = tpu.sem_alloc : memref<!tpu.dma_semaphore, #tpu.memory_space<semaphore_mem>>
            %dma_start3A_97 = arith.constant 0 : i32
            %dma_start3A_98 = tpu.memref_slice %arg10[%add3A_95, %dma_start3A_97] : memref<32x128xi32, #tpu.memory_space<vmem>> -> memref<1x128xi32, #tpu.memory_space<vmem>>
            %dma_start3A_99 = tpu.memref_squeeze %dma_start3A_98 : memref<1x128xi32, #tpu.memory_space<vmem>> -> memref<128xi32, #tpu.memory_space<vmem>>
            %dma_start3A_100 = arith.constant 0 : i32
            %dma_start3A_101 = arith.constant 0 : i32
            %dma_start3A_102 = tpu.memref_slice %arg13[%dma_start3A_100, %dma_start3A_101] : memref<10112x128xf32, #tpu.memory_space<vmem_shared>> -> memref<10112x128xf32, #tpu.memory_space<vmem_shared>>
            tpu.enqueue_indirect_dma source(%arg12 : memref<128x128xf32, #tpu.memory_space<vmem>>) target(%dma_start3A_102 : memref<10112x128xf32, #tpu.memory_space<vmem_shared>>) offsets(%dma_start3A_99 : memref<128xi32, #tpu.memory_space<vmem>>) semaphore(%run_scoped3A_96 : memref<!tpu.dma_semaphore, #tpu.memory_space<semaphore_mem>>) {add = true}
            %dma_wait3A_103 = arith.constant 0 : i32
            %dma_wait3A_104 = tpu.memref_slice %arg10[%add3A_95, %dma_wait3A_103] : memref<32x128xi32, #tpu.memory_space<vmem>> -> memref<1x128xi32, #tpu.memory_space<vmem>>
            %dma_wait3A_105 = tpu.memref_squeeze %dma_wait3A_104 : memref<1x128xi32, #tpu.memory_space<vmem>> -> memref<128xi32, #tpu.memory_space<vmem>>
            %dma_wait3A_106 = arith.constant 0 : i32
            %dma_wait3A_107 = arith.constant 0 : i32
            %dma_wait3A_108 = tpu.memref_slice %arg13[%dma_wait3A_106, %dma_wait3A_107] : memref<10112x128xf32, #tpu.memory_space<vmem_shared>> -> memref<10112x128xf32, #tpu.memory_space<vmem_shared>>
            tpu.wait_indirect_dma semaphore(%run_scoped3A_96 : memref<!tpu.dma_semaphore, #tpu.memory_space<semaphore_mem>>) src(%arg12 : memref<128x128xf32, #tpu.memory_space<vmem>>) dst(%dma_wait3A_108 : memref<10112x128xf32, #tpu.memory_space<vmem_shared>>)
            tpu.yield
          }) : () -> ()
        }
        %scan3A_40 = arith.constant 15 : i32
        %dma_start3A_41 = arith.constant 31 : i32
        %dma_start3A_42 = arith.constant 0 : i32
        %dma_start3A_43 = tpu.memref_slice %arg9[%dma_start3A_41, %dma_start3A_42] : memref<32x128xi32, #tpu.memory_space<vmem>> -> memref<1x128xi32, #tpu.memory_space<vmem>>
        %dma_start3A_44 = tpu.memref_squeeze %dma_start3A_43 : memref<1x128xi32, #tpu.memory_space<vmem>> -> memref<128xi32, #tpu.memory_space<vmem>>
        %dma_start3A_45 = arith.constant 0 : i32
        %dma_start3A_46 = arith.constant 0 : i32
        %dma_start3A_47 = tpu.memref_slice %arg3[%dma_start3A_45, %dma_start3A_46] : memref<10000x128xf32, #tpu.memory_space<hbm>> -> memref<10000x128xf32, #tpu.memory_space<hbm>>
        tpu.enqueue_indirect_dma source(%dma_start3A_47 : memref<10000x128xf32, #tpu.memory_space<hbm>>) target(%arg12 : memref<128x128xf32, #tpu.memory_space<vmem>>) offsets(%dma_start3A_44 : memref<128xi32, #tpu.memory_space<vmem>>) semaphore(%arg15 : memref<!tpu.dma_semaphore, #tpu.memory_space<semaphore_mem>>)
        %dma_wait3A = arith.constant 0 : i32
        %dma_wait3A_48 = arith.constant 0 : i32
        %dma_wait3A_49 = tpu.memref_slice %arg9[%dma_wait3A, %dma_wait3A_48] : memref<32x128xi32, #tpu.memory_space<vmem>> -> memref<1x128xi32, #tpu.memory_space<vmem>>
        %dma_wait3A_50 = tpu.memref_squeeze %dma_wait3A_49 : memref<1x128xi32, #tpu.memory_space<vmem>> -> memref<128xi32, #tpu.memory_space<vmem>>
        %dma_wait3A_51 = arith.constant 0 : i32
        %dma_wait3A_52 = arith.constant 0 : i32
        %dma_wait3A_53 = tpu.memref_slice %arg3[%dma_wait3A_51, %dma_wait3A_52] : memref<10000x128xf32, #tpu.memory_space<hbm>> -> memref<10000x128xf32, #tpu.memory_space<hbm>>
        tpu.wait_indirect_dma semaphore(%arg14 : memref<!tpu.dma_semaphore, #tpu.memory_space<semaphore_mem>>) src(%dma_wait3A_53 : memref<10000x128xf32, #tpu.memory_space<hbm>>) dst(%arg11 : memref<128x128xf32, #tpu.memory_space<vmem>>)
        %run_scoped3A = arith.constant 30 : i32
        "tpu.region"() ({
          %run_scoped3A_62 = tpu.sem_alloc : memref<!tpu.dma_semaphore, #tpu.memory_space<semaphore_mem>>
          %dma_start3A_63 = arith.constant 0 : i32
          %dma_start3A_64 = tpu.memref_slice %arg10[%run_scoped3A, %dma_start3A_63] : memref<32x128xi32, #tpu.memory_space<vmem>> -> memref<1x128xi32, #tpu.memory_space<vmem>>
          %dma_start3A_65 = tpu.memref_squeeze %dma_start3A_64 : memref<1x128xi32, #tpu.memory_space<vmem>> -> memref<128xi32, #tpu.memory_space<vmem>>
          %dma_start3A_66 = arith.constant 0 : i32
          %dma_start3A_67 = arith.constant 0 : i32
          %dma_start3A_68 = tpu.memref_slice %arg13[%dma_start3A_66, %dma_start3A_67] : memref<10112x128xf32, #tpu.memory_space<vmem_shared>> -> memref<10112x128xf32, #tpu.memory_space<vmem_shared>>
          tpu.enqueue_indirect_dma source(%arg11 : memref<128x128xf32, #tpu.memory_space<vmem>>) target(%dma_start3A_68 : memref<10112x128xf32, #tpu.memory_space<vmem_shared>>) offsets(%dma_start3A_65 : memref<128xi32, #tpu.memory_space<vmem>>) semaphore(%run_scoped3A_62 : memref<!tpu.dma_semaphore, #tpu.memory_space<semaphore_mem>>) {add = true}
          %dma_wait3A_69 = arith.constant 0 : i32
          %dma_wait3A_70 = tpu.memref_slice %arg10[%run_scoped3A, %dma_wait3A_69] : memref<32x128xi32, #tpu.memory_space<vmem>> -> memref<1x128xi32, #tpu.memory_space<vmem>>
          %dma_wait3A_71 = tpu.memref_squeeze %dma_wait3A_70 : memref<1x128xi32, #tpu.memory_space<vmem>> -> memref<128xi32, #tpu.memory_space<vmem>>
          %dma_wait3A_72 = arith.constant 0 : i32
          %dma_wait3A_73 = arith.constant 0 : i32
          %dma_wait3A_74 = tpu.memref_slice %arg13[%dma_wait3A_72, %dma_wait3A_73] : memref<10112x128xf32, #tpu.memory_space<vmem_shared>> -> memref<10112x128xf32, #tpu.memory_space<vmem_shared>>
          tpu.wait_indirect_dma semaphore(%run_scoped3A_62 : memref<!tpu.dma_semaphore, #tpu.memory_space<semaphore_mem>>) src(%arg11 : memref<128x128xf32, #tpu.memory_space<vmem>>) dst(%dma_wait3A_74 : memref<10112x128xf32, #tpu.memory_space<vmem_shared>>)
          tpu.yield
        }) : () -> ()
        %dma_wait3A_54 = arith.constant 0 : i32
        %dma_wait3A_55 = arith.constant 0 : i32
        %dma_wait3A_56 = tpu.memref_slice %arg9[%dma_wait3A_54, %dma_wait3A_55] : memref<32x128xi32, #tpu.memory_space<vmem>> -> memref<1x128xi32, #tpu.memory_space<vmem>>
        %dma_wait3A_57 = tpu.memref_squeeze %dma_wait3A_56 : memref<1x128xi32, #tpu.memory_space<vmem>> -> memref<128xi32, #tpu.memory_space<vmem>>
        %dma_wait3A_58 = arith.constant 0 : i32
        %dma_wait3A_59 = arith.constant 0 : i32
        %dma_wait3A_60 = tpu.memref_slice %arg3[%dma_wait3A_58, %dma_wait3A_59] : memref<10000x128xf32, #tpu.memory_space<hbm>> -> memref<10000x128xf32, #tpu.memory_space<hbm>>
        tpu.wait_indirect_dma semaphore(%arg15 : memref<!tpu.dma_semaphore, #tpu.memory_space<semaphore_mem>>) src(%dma_wait3A_60 : memref<10000x128xf32, #tpu.memory_space<hbm>>) dst(%arg12 : memref<128x128xf32, #tpu.memory_space<vmem>>)
        %run_scoped3A_61 = arith.constant 31 : i32
        "tpu.region"() ({
          %run_scoped3A_62 = tpu.sem_alloc : memref<!tpu.dma_semaphore, #tpu.memory_space<semaphore_mem>>
          %dma_start3A_63 = arith.constant 0 : i32
          %dma_start3A_64 = tpu.memref_slice %arg10[%run_scoped3A_61, %dma_start3A_63] : memref<32x128xi32, #tpu.memory_space<vmem>> -> memref<1x128xi32, #tpu.memory_space<vmem>>
          %dma_start3A_65 = tpu.memref_squeeze %dma_start3A_64 : memref<1x128xi32, #tpu.memory_space<vmem>> -> memref<128xi32, #tpu.memory_space<vmem>>
          %dma_start3A_66 = arith.constant 0 : i32
          %dma_start3A_67 = arith.constant 0 : i32
          %dma_start3A_68 = tpu.memref_slice %arg13[%dma_start3A_66, %dma_start3A_67] : memref<10112x128xf32, #tpu.memory_space<vmem_shared>> -> memref<10112x128xf32, #tpu.memory_space<vmem_shared>>
          tpu.enqueue_indirect_dma source(%arg12 : memref<128x128xf32, #tpu.memory_space<vmem>>) target(%dma_start3A_68 : memref<10112x128xf32, #tpu.memory_space<vmem_shared>>) offsets(%dma_start3A_65 : memref<128xi32, #tpu.memory_space<vmem>>) semaphore(%run_scoped3A_62 : memref<!tpu.dma_semaphore, #tpu.memory_space<semaphore_mem>>) {add = true}
          %dma_wait3A_69 = arith.constant 0 : i32
          %dma_wait3A_70 = tpu.memref_slice %arg10[%run_scoped3A_61, %dma_wait3A_69] : memref<32x128xi32, #tpu.memory_space<vmem>> -> memref<1x128xi32, #tpu.memory_space<vmem>>
          %dma_wait3A_71 = tpu.memref_squeeze %dma_wait3A_70 : memref<1x128xi32, #tpu.memory_space<vmem>> -> memref<128xi32, #tpu.memory_space<vmem>>
          %dma_wait3A_72 = arith.constant 0 : i32
          %dma_wait3A_73 = arith.constant 0 : i32
          %dma_wait3A_74 = tpu.memref_slice %arg13[%dma_wait3A_72, %dma_wait3A_73] : memref<10112x128xf32, #tpu.memory_space<vmem_shared>> -> memref<10112x128xf32, #tpu.memory_space<vmem_shared>>
          tpu.wait_indirect_dma semaphore(%run_scoped3A_62 : memref<!tpu.dma_semaphore, #tpu.memory_space<semaphore_mem>>) src(%arg12 : memref<128x128xf32, #tpu.memory_space<vmem>>) dst(%dma_wait3A_74 : memref<10112x128xf32, #tpu.memory_space<vmem_shared>>)
          tpu.yield
        }) : () -> ()
      }
      %scan3A_23 = arith.constant 5 : i32
    } else {
    }
    %barrier3A_8 = arith.constant 0 : index
    tpu.barrier barrier_id(%barrier3A_8)
    %eq3A_9 = arith.constant 0 : i32
    %eq3A_10 = arith.cmpi eq, %arg0, %eq3A_9 : i32
    %convert_element_type3A_11 = arith.extui %eq3A_10 : i1 to i32
    %cond3A_12 = arith.constant 0 : i32
    %cond3A_13 = arith.cmpi ne, %convert_element_type3A_11, %cond3A_12 : i32
    scf.if %cond3A_13 {
      "tpu.region"() ({
        %run_scoped3A = tpu.sem_alloc : memref<!tpu.dma_semaphore, #tpu.memory_space<semaphore_mem>>
        %dma_start3A = arith.constant 0 : i32
        %dma_start3A_19 = tpu.memref_slice %arg7[%mul3A_0, %dma_start3A] : memref<10112x128xf32, #tpu.memory_space<hbm>> -> memref<632x128xf32, #tpu.memory_space<hbm>>
        %dma_start3A_20 = arith.constant 0 : i32
        %dma_start3A_21 = tpu.memref_slice %arg13[%mul3A_0, %dma_start3A_20] : memref<10112x128xf32, #tpu.memory_space<vmem_shared>> -> memref<632x128xf32, #tpu.memory_space<vmem_shared>>
        tpu.enqueue_dma source(%dma_start3A_21 : memref<632x128xf32, #tpu.memory_space<vmem_shared>>) target(%dma_start3A_19 : memref<632x128xf32, #tpu.memory_space<hbm>>) target_semaphore(%run_scoped3A : memref<!tpu.dma_semaphore, #tpu.memory_space<semaphore_mem>>)
        %dma_wait3A = arith.constant 0 : i32
        %dma_wait3A_22 = tpu.memref_slice %arg7[%mul3A_0, %dma_wait3A] : memref<10112x128xf32, #tpu.memory_space<hbm>> -> memref<632x128xf32, #tpu.memory_space<hbm>>
        %dma_wait3A_23 = arith.constant 0 : i32
        %dma_wait3A_24 = tpu.memref_slice %arg13[%mul3A_0, %dma_wait3A_23] : memref<10112x128xf32, #tpu.memory_space<vmem_shared>> -> memref<632x128xf32, #tpu.memory_space<vmem_shared>>
        tpu.wait_dma2 semaphore(%run_scoped3A : memref<!tpu.dma_semaphore, #tpu.memory_space<semaphore_mem>>) src(%dma_wait3A_24 : memref<632x128xf32, #tpu.memory_space<vmem_shared>>) dst(%dma_wait3A_22 : memref<632x128xf32, #tpu.memory_space<hbm>>)
        tpu.yield
      }) : () -> ()
    } else {
    }
    %eq3A_14 = arith.constant 1 : i32
    %eq3A_15 = arith.cmpi eq, %arg0, %eq3A_14 : i32
    %convert_element_type3A_16 = arith.extui %eq3A_15 : i1 to i32
    %cond3A_17 = arith.constant 0 : i32
    %cond3A_18 = arith.cmpi ne, %convert_element_type3A_16, %cond3A_17 : i32
    scf.if %cond3A_18 {
      "tpu.region"() ({
        %run_scoped3A = tpu.sem_alloc : memref<!tpu.dma_semaphore, #tpu.memory_space<semaphore_mem>>
        %dma_start3A = arith.constant 0 : i32
        %dma_start3A_19 = tpu.memref_slice %arg8[%mul3A_0, %dma_start3A] : memref<10112x128xf32, #tpu.memory_space<hbm>> -> memref<632x128xf32, #tpu.memory_space<hbm>>
        %dma_start3A_20 = arith.constant 0 : i32
        %dma_start3A_21 = tpu.memref_slice %arg13[%mul3A_0, %dma_start3A_20] : memref<10112x128xf32, #tpu.memory_space<vmem_shared>> -> memref<632x128xf32, #tpu.memory_space<vmem_shared>>
        tpu.enqueue_dma source(%dma_start3A_21 : memref<632x128xf32, #tpu.memory_space<vmem_shared>>) target(%dma_start3A_19 : memref<632x128xf32, #tpu.memory_space<hbm>>) target_semaphore(%run_scoped3A : memref<!tpu.dma_semaphore, #tpu.memory_space<semaphore_mem>>)
        %dma_wait3A = arith.constant 0 : i32
        %dma_wait3A_22 = tpu.memref_slice %arg8[%mul3A_0, %dma_wait3A] : memref<10112x128xf32, #tpu.memory_space<hbm>> -> memref<632x128xf32, #tpu.memory_space<hbm>>
        %dma_wait3A_23 = arith.constant 0 : i32
        %dma_wait3A_24 = tpu.memref_slice %arg13[%mul3A_0, %dma_wait3A_23] : memref<10112x128xf32, #tpu.memory_space<vmem_shared>> -> memref<632x128xf32, #tpu.memory_space<vmem_shared>>
        tpu.wait_dma2 semaphore(%run_scoped3A : memref<!tpu.dma_semaphore, #tpu.memory_space<semaphore_mem>>) src(%dma_wait3A_24 : memref<632x128xf32, #tpu.memory_space<vmem_shared>>) dst(%dma_wait3A_22 : memref<632x128xf32, #tpu.memory_space<hbm>>)
        tpu.yield
      }) : () -> ()
    } else {
    }
    return
  }
}

#map = affine_map<(d0, d1) -> (0, 0)>
#map1 = affine_map<(d0, d1) -> (0, 0, 0)>
module attributes {stable_mosaic.version = 14 : i64} {
  func.func @_sc_agg_body(%arg0: i32, %arg1: i32, %arg2: memref<10000x128xf32, #tpu.memory_space<hbm>>, %arg3: memref<10000x128xf32, #tpu.memory_space<hbm>>, %arg4: memref<16x160x128xi32, #tpu.memory_space<hbm>>, %arg5: memref<16x160x128xi32, #tpu.memory_space<hbm>>, %arg6: memref<632x128xf32, #tpu.memory_space<hbm>>, %arg7: memref<10112x128xf32, #tpu.memory_space<hbm>>, %arg8: memref<10112x128xf32, #tpu.memory_space<hbm>>, %arg9: memref<32x128xi32, #tpu.memory_space<vmem>>, %arg10: memref<32x128xi32, #tpu.memory_space<vmem>>, %arg11: memref<128x128xf32, #tpu.memory_space<vmem>>, %arg12: memref<128x128xf32, #tpu.memory_space<vmem>>, %arg13: memref<10112x128xf32, #tpu.memory_space<vmem_shared>>, %arg14: memref<!tpu.dma_semaphore, #tpu.memory_space<semaphore_mem>>, %arg15: memref<!tpu.dma_semaphore, #tpu.memory_space<semaphore_mem>>) attributes {dimension_semantics = [#tpu.dimension_semantics<core_parallel>, #tpu.dimension_semantics<subcore_parallel>], iteration_bounds = array<i64: 2, 16>, scalar_prefetch = 0 : i64, scratch_operands = 7 : i64, tpu.core_type = #tpu.core_type<sc_vector_subcore>, window_params = [{transform_indices = #map}, {transform_indices = #map}, {transform_indices = #map1}, {transform_indices = #map1}, {transform_indices = #map}, {transform_indices = #map}, {transform_indices = #map}]} {
    %mul3A = arith.constant 632 : i32
    %mul3A_0 = arith.muli %arg1, %mul3A : i32
    "tpu.region"() ({
      %run_scoped3A = tpu.sem_alloc : memref<!tpu.dma_semaphore, #tpu.memory_space<semaphore_mem>>
      %dma_start3A = arith.constant 0 : i32
      %dma_start3A_19 = tpu.memref_slice %arg13[%mul3A_0, %dma_start3A] : memref<10112x128xf32, #tpu.memory_space<vmem_shared>> -> memref<632x128xf32, #tpu.memory_space<vmem_shared>>
      tpu.enqueue_dma source(%arg6 : memref<632x128xf32, #tpu.memory_space<hbm>>) target(%dma_start3A_19 : memref<632x128xf32, #tpu.memory_space<vmem_shared>>) target_semaphore(%run_scoped3A : memref<!tpu.dma_semaphore, #tpu.memory_space<semaphore_mem>>)
      %dma_wait3A = arith.constant 0 : i32
      %dma_wait3A_20 = tpu.memref_slice %arg13[%mul3A_0, %dma_wait3A] : memref<10112x128xf32, #tpu.memory_space<vmem_shared>> -> memref<632x128xf32, #tpu.memory_space<vmem_shared>>
      tpu.wait_dma2 semaphore(%run_scoped3A : memref<!tpu.dma_semaphore, #tpu.memory_space<semaphore_mem>>) src(%arg6 : memref<632x128xf32, #tpu.memory_space<hbm>>) dst(%dma_wait3A_20 : memref<632x128xf32, #tpu.memory_space<vmem_shared>>)
      tpu.yield
    }) : () -> ()
    %barrier3A = arith.constant 0 : index
    tpu.barrier barrier_id(%barrier3A)
    %eq3A = arith.constant 0 : i32
    %eq3A_1 = arith.cmpi eq, %arg0, %eq3A : i32
    %convert_element_type3A = arith.extui %eq3A_1 : i1 to i32
    %cond3A = arith.constant 0 : i32
    %cond3A_2 = arith.cmpi ne, %convert_element_type3A, %cond3A : i32
    scf.if %cond3A_2 {
      %scan3A = arith.constant 0 : i32
      %scan3A_19 = arith.constant 0 : i32
      %scan3A_20 = arith.constant 5 : i32
      %scan3A_21 = arith.addi %scan3A_19, %scan3A_20 : i32
      %scan3A_22 = arith.constant 1 : i32
      scf.for %scan3A_24 = %scan3A_19 to %scan3A_21 step %scan3A_22  : i32 {
        %mul3A_25 = arith.constant 32 : i32
        %mul3A_26 = arith.muli %scan3A_24, %mul3A_25 : i32
        "tpu.region"() ({
          %run_scoped3A_62 = tpu.sem_alloc : memref<!tpu.dma_semaphore, #tpu.memory_space<semaphore_mem>>
          %dma_start3A_63 = arith.constant 0 : i32
          %dma_start3A_64 = arith.constant 0 : i32
          %dma_start3A_65 = tpu.memref_slice %arg4[%arg1, %dma_start3A_63, %dma_start3A_64] : memref<16x160x128xi32, #tpu.memory_space<hbm>> -> memref<1x160x128xi32, #tpu.memory_space<hbm>>
          %dma_start3A_66 = tpu.memref_squeeze %dma_start3A_65 : memref<1x160x128xi32, #tpu.memory_space<hbm>> -> memref<160x128xi32, #tpu.memory_space<hbm>>
          %dma_start3A_67 = arith.constant 0 : i32
          %dma_start3A_68 = tpu.memref_slice %dma_start3A_66[%mul3A_26, %dma_start3A_67] : memref<160x128xi32, #tpu.memory_space<hbm>> -> memref<32x128xi32, #tpu.memory_space<hbm>>
          %dma_start3A_69 = arith.constant 0 : i32
          %dma_start3A_70 = arith.constant 0 : i32
          %dma_start3A_71 = tpu.memref_slice %arg4[%arg1, %dma_start3A_69, %dma_start3A_70] : memref<16x160x128xi32, #tpu.memory_space<hbm>> -> memref<1x160x128xi32, #tpu.memory_space<hbm>>
          %dma_start3A_72 = tpu.memref_squeeze %dma_start3A_71 : memref<1x160x128xi32, #tpu.memory_space<hbm>> -> memref<160x128xi32, #tpu.memory_space<hbm>>
          %dma_start3A_73 = arith.constant 0 : i32
          %dma_start3A_74 = tpu.memref_slice %dma_start3A_72[%mul3A_26, %dma_start3A_73] : memref<160x128xi32, #tpu.memory_space<hbm>> -> memref<32x128xi32, #tpu.memory_space<hbm>>
          tpu.enqueue_dma source(%dma_start3A_74 : memref<32x128xi32, #tpu.memory_space<hbm>>) target(%arg9 : memref<32x128xi32, #tpu.memory_space<vmem>>) target_semaphore(%run_scoped3A_62 : memref<!tpu.dma_semaphore, #tpu.memory_space<semaphore_mem>>)
          %dma_wait3A_75 = arith.constant 0 : i32
          %dma_wait3A_76 = arith.constant 0 : i32
          %dma_wait3A_77 = tpu.memref_slice %arg4[%arg1, %dma_wait3A_75, %dma_wait3A_76] : memref<16x160x128xi32, #tpu.memory_space<hbm>> -> memref<1x160x128xi32, #tpu.memory_space<hbm>>
          %dma_wait3A_78 = tpu.memref_squeeze %dma_wait3A_77 : memref<1x160x128xi32, #tpu.memory_space<hbm>> -> memref<160x128xi32, #tpu.memory_space<hbm>>
          %dma_wait3A_79 = arith.constant 0 : i32
          %dma_wait3A_80 = tpu.memref_slice %dma_wait3A_78[%mul3A_26, %dma_wait3A_79] : memref<160x128xi32, #tpu.memory_space<hbm>> -> memref<32x128xi32, #tpu.memory_space<hbm>>
          %dma_wait3A_81 = arith.constant 0 : i32
          %dma_wait3A_82 = arith.constant 0 : i32
          %dma_wait3A_83 = tpu.memref_slice %arg4[%arg1, %dma_wait3A_81, %dma_wait3A_82] : memref<16x160x128xi32, #tpu.memory_space<hbm>> -> memref<1x160x128xi32, #tpu.memory_space<hbm>>
          %dma_wait3A_84 = tpu.memref_squeeze %dma_wait3A_83 : memref<1x160x128xi32, #tpu.memory_space<hbm>> -> memref<160x128xi32, #tpu.memory_space<hbm>>
          %dma_wait3A_85 = arith.constant 0 : i32
          %dma_wait3A_86 = tpu.memref_slice %dma_wait3A_84[%mul3A_26, %dma_wait3A_85] : memref<160x128xi32, #tpu.memory_space<hbm>> -> memref<32x128xi32, #tpu.memory_space<hbm>>
          tpu.wait_dma2 semaphore(%run_scoped3A_62 : memref<!tpu.dma_semaphore, #tpu.memory_space<semaphore_mem>>) src(%dma_wait3A_86 : memref<32x128xi32, #tpu.memory_space<hbm>>) dst(%arg9 : memref<32x128xi32, #tpu.memory_space<vmem>>)
          tpu.yield
        }) : () -> ()
        %mul3A_27 = arith.constant 32 : i32
        %mul3A_28 = arith.muli %scan3A_24, %mul3A_27 : i32
        "tpu.region"() ({
          %run_scoped3A_62 = tpu.sem_alloc : memref<!tpu.dma_semaphore, #tpu.memory_space<semaphore_mem>>
          %dma_start3A_63 = arith.constant 0 : i32
          %dma_start3A_64 = arith.constant 0 : i32
          %dma_start3A_65 = tpu.memref_slice %arg5[%arg1, %dma_start3A_63, %dma_start3A_64] : memref<16x160x128xi32, #tpu.memory_space<hbm>> -> memref<1x160x128xi32, #tpu.memory_space<hbm>>
          %dma_start3A_66 = tpu.memref_squeeze %dma_start3A_65 : memref<1x160x128xi32, #tpu.memory_space<hbm>> -> memref<160x128xi32, #tpu.memory_space<hbm>>
          %dma_start3A_67 = arith.constant 0 : i32
          %dma_start3A_68 = tpu.memref_slice %dma_start3A_66[%mul3A_28, %dma_start3A_67] : memref<160x128xi32, #tpu.memory_space<hbm>> -> memref<32x128xi32, #tpu.memory_space<hbm>>
          %dma_start3A_69 = arith.constant 0 : i32
          %dma_start3A_70 = arith.constant 0 : i32
          %dma_start3A_71 = tpu.memref_slice %arg5[%arg1, %dma_start3A_69, %dma_start3A_70] : memref<16x160x128xi32, #tpu.memory_space<hbm>> -> memref<1x160x128xi32, #tpu.memory_space<hbm>>
          %dma_start3A_72 = tpu.memref_squeeze %dma_start3A_71 : memref<1x160x128xi32, #tpu.memory_space<hbm>> -> memref<160x128xi32, #tpu.memory_space<hbm>>
          %dma_start3A_73 = arith.constant 0 : i32
          %dma_start3A_74 = tpu.memref_slice %dma_start3A_72[%mul3A_28, %dma_start3A_73] : memref<160x128xi32, #tpu.memory_space<hbm>> -> memref<32x128xi32, #tpu.memory_space<hbm>>
          tpu.enqueue_dma source(%dma_start3A_74 : memref<32x128xi32, #tpu.memory_space<hbm>>) target(%arg10 : memref<32x128xi32, #tpu.memory_space<vmem>>) target_semaphore(%run_scoped3A_62 : memref<!tpu.dma_semaphore, #tpu.memory_space<semaphore_mem>>)
          %dma_wait3A_75 = arith.constant 0 : i32
          %dma_wait3A_76 = arith.constant 0 : i32
          %dma_wait3A_77 = tpu.memref_slice %arg5[%arg1, %dma_wait3A_75, %dma_wait3A_76] : memref<16x160x128xi32, #tpu.memory_space<hbm>> -> memref<1x160x128xi32, #tpu.memory_space<hbm>>
          %dma_wait3A_78 = tpu.memref_squeeze %dma_wait3A_77 : memref<1x160x128xi32, #tpu.memory_space<hbm>> -> memref<160x128xi32, #tpu.memory_space<hbm>>
          %dma_wait3A_79 = arith.constant 0 : i32
          %dma_wait3A_80 = tpu.memref_slice %dma_wait3A_78[%mul3A_28, %dma_wait3A_79] : memref<160x128xi32, #tpu.memory_space<hbm>> -> memref<32x128xi32, #tpu.memory_space<hbm>>
          %dma_wait3A_81 = arith.constant 0 : i32
          %dma_wait3A_82 = arith.constant 0 : i32
          %dma_wait3A_83 = tpu.memref_slice %arg5[%arg1, %dma_wait3A_81, %dma_wait3A_82] : memref<16x160x128xi32, #tpu.memory_space<hbm>> -> memref<1x160x128xi32, #tpu.memory_space<hbm>>
          %dma_wait3A_84 = tpu.memref_squeeze %dma_wait3A_83 : memref<1x160x128xi32, #tpu.memory_space<hbm>> -> memref<160x128xi32, #tpu.memory_space<hbm>>
          %dma_wait3A_85 = arith.constant 0 : i32
          %dma_wait3A_86 = tpu.memref_slice %dma_wait3A_84[%mul3A_28, %dma_wait3A_85] : memref<160x128xi32, #tpu.memory_space<hbm>> -> memref<32x128xi32, #tpu.memory_space<hbm>>
          tpu.wait_dma2 semaphore(%run_scoped3A_62 : memref<!tpu.dma_semaphore, #tpu.memory_space<semaphore_mem>>) src(%dma_wait3A_86 : memref<32x128xi32, #tpu.memory_space<hbm>>) dst(%arg10 : memref<32x128xi32, #tpu.memory_space<vmem>>)
          tpu.yield
        }) : () -> ()
        %dma_start3A = arith.constant 0 : i32
        %dma_start3A_29 = arith.constant 0 : i32
        %dma_start3A_30 = tpu.memref_slice %arg9[%dma_start3A, %dma_start3A_29] : memref<32x128xi32, #tpu.memory_space<vmem>> -> memref<1x128xi32, #tpu.memory_space<vmem>>
        %dma_start3A_31 = tpu.memref_squeeze %dma_start3A_30 : memref<1x128xi32, #tpu.memory_space<vmem>> -> memref<128xi32, #tpu.memory_space<vmem>>
        %dma_start3A_32 = arith.constant 0 : i32
        %dma_start3A_33 = arith.constant 0 : i32
        %dma_start3A_34 = tpu.memref_slice %arg2[%dma_start3A_32, %dma_start3A_33] : memref<10000x128xf32, #tpu.memory_space<hbm>> -> memref<10000x128xf32, #tpu.memory_space<hbm>>
        tpu.enqueue_indirect_dma source(%dma_start3A_34 : memref<10000x128xf32, #tpu.memory_space<hbm>>) target(%arg11 : memref<128x128xf32, #tpu.memory_space<vmem>>) offsets(%dma_start3A_31 : memref<128xi32, #tpu.memory_space<vmem>>) semaphore(%arg14 : memref<!tpu.dma_semaphore, #tpu.memory_space<semaphore_mem>>)
        %scan3A_35 = arith.constant 0 : i32
        %scan3A_36 = arith.constant 0 : i32
        %scan3A_37 = arith.constant 15 : i32
        %scan3A_38 = arith.addi %scan3A_36, %scan3A_37 : i32
        %scan3A_39 = arith.constant 1 : i32
        scf.for %scan3A_62 = %scan3A_36 to %scan3A_38 step %scan3A_39  : i32 {
          %mul3A_63 = arith.constant 2 : i32
          %mul3A_64 = arith.muli %mul3A_63, %scan3A_62 : i32
          %add3A = arith.constant 1 : i32
          %add3A_65 = arith.addi %mul3A_64, %add3A : i32
          %dma_start3A_66 = arith.constant 0 : i32
          %dma_start3A_67 = tpu.memref_slice %arg9[%add3A_65, %dma_start3A_66] : memref<32x128xi32, #tpu.memory_space<vmem>> -> memref<1x128xi32, #tpu.memory_space<vmem>>
          %dma_start3A_68 = tpu.memref_squeeze %dma_start3A_67 : memref<1x128xi32, #tpu.memory_space<vmem>> -> memref<128xi32, #tpu.memory_space<vmem>>
          %dma_start3A_69 = arith.constant 0 : i32
          %dma_start3A_70 = arith.constant 0 : i32
          %dma_start3A_71 = tpu.memref_slice %arg2[%dma_start3A_69, %dma_start3A_70] : memref<10000x128xf32, #tpu.memory_space<hbm>> -> memref<10000x128xf32, #tpu.memory_space<hbm>>
          tpu.enqueue_indirect_dma source(%dma_start3A_71 : memref<10000x128xf32, #tpu.memory_space<hbm>>) target(%arg12 : memref<128x128xf32, #tpu.memory_space<vmem>>) offsets(%dma_start3A_68 : memref<128xi32, #tpu.memory_space<vmem>>) semaphore(%arg15 : memref<!tpu.dma_semaphore, #tpu.memory_space<semaphore_mem>>)
          %dma_wait3A_72 = arith.constant 0 : i32
          %dma_wait3A_73 = arith.constant 0 : i32
          %dma_wait3A_74 = tpu.memref_slice %arg9[%dma_wait3A_72, %dma_wait3A_73] : memref<32x128xi32, #tpu.memory_space<vmem>> -> memref<1x128xi32, #tpu.memory_space<vmem>>
          %dma_wait3A_75 = tpu.memref_squeeze %dma_wait3A_74 : memref<1x128xi32, #tpu.memory_space<vmem>> -> memref<128xi32, #tpu.memory_space<vmem>>
          %dma_wait3A_76 = arith.constant 0 : i32
          %dma_wait3A_77 = arith.constant 0 : i32
          %dma_wait3A_78 = tpu.memref_slice %arg2[%dma_wait3A_76, %dma_wait3A_77] : memref<10000x128xf32, #tpu.memory_space<hbm>> -> memref<10000x128xf32, #tpu.memory_space<hbm>>
          tpu.wait_indirect_dma semaphore(%arg14 : memref<!tpu.dma_semaphore, #tpu.memory_space<semaphore_mem>>) src(%dma_wait3A_78 : memref<10000x128xf32, #tpu.memory_space<hbm>>) dst(%arg11 : memref<128x128xf32, #tpu.memory_space<vmem>>)
          "tpu.region"() ({
            %run_scoped3A_96 = tpu.sem_alloc : memref<!tpu.dma_semaphore, #tpu.memory_space<semaphore_mem>>
            %dma_start3A_97 = arith.constant 0 : i32
            %dma_start3A_98 = tpu.memref_slice %arg10[%mul3A_64, %dma_start3A_97] : memref<32x128xi32, #tpu.memory_space<vmem>> -> memref<1x128xi32, #tpu.memory_space<vmem>>
            %dma_start3A_99 = tpu.memref_squeeze %dma_start3A_98 : memref<1x128xi32, #tpu.memory_space<vmem>> -> memref<128xi32, #tpu.memory_space<vmem>>
            %dma_start3A_100 = arith.constant 0 : i32
            %dma_start3A_101 = arith.constant 0 : i32
            %dma_start3A_102 = tpu.memref_slice %arg13[%dma_start3A_100, %dma_start3A_101] : memref<10112x128xf32, #tpu.memory_space<vmem_shared>> -> memref<10112x128xf32, #tpu.memory_space<vmem_shared>>
            tpu.enqueue_indirect_dma source(%arg11 : memref<128x128xf32, #tpu.memory_space<vmem>>) target(%dma_start3A_102 : memref<10112x128xf32, #tpu.memory_space<vmem_shared>>) offsets(%dma_start3A_99 : memref<128xi32, #tpu.memory_space<vmem>>) semaphore(%run_scoped3A_96 : memref<!tpu.dma_semaphore, #tpu.memory_space<semaphore_mem>>) {add = true}
            %dma_wait3A_103 = arith.constant 0 : i32
            %dma_wait3A_104 = tpu.memref_slice %arg10[%mul3A_64, %dma_wait3A_103] : memref<32x128xi32, #tpu.memory_space<vmem>> -> memref<1x128xi32, #tpu.memory_space<vmem>>
            %dma_wait3A_105 = tpu.memref_squeeze %dma_wait3A_104 : memref<1x128xi32, #tpu.memory_space<vmem>> -> memref<128xi32, #tpu.memory_space<vmem>>
            %dma_wait3A_106 = arith.constant 0 : i32
            %dma_wait3A_107 = arith.constant 0 : i32
            %dma_wait3A_108 = tpu.memref_slice %arg13[%dma_wait3A_106, %dma_wait3A_107] : memref<10112x128xf32, #tpu.memory_space<vmem_shared>> -> memref<10112x128xf32, #tpu.memory_space<vmem_shared>>
            tpu.wait_indirect_dma semaphore(%run_scoped3A_96 : memref<!tpu.dma_semaphore, #tpu.memory_space<semaphore_mem>>) src(%arg11 : memref<128x128xf32, #tpu.memory_space<vmem>>) dst(%dma_wait3A_108 : memref<10112x128xf32, #tpu.memory_space<vmem_shared>>)
            tpu.yield
          }) : () -> ()
          %add3A_79 = arith.constant 2 : i32
          %add3A_80 = arith.addi %mul3A_64, %add3A_79 : i32
          %dma_start3A_81 = arith.constant 0 : i32
          %dma_start3A_82 = tpu.memref_slice %arg9[%add3A_80, %dma_start3A_81] : memref<32x128xi32, #tpu.memory_space<vmem>> -> memref<1x128xi32, #tpu.memory_space<vmem>>
          %dma_start3A_83 = tpu.memref_squeeze %dma_start3A_82 : memref<1x128xi32, #tpu.memory_space<vmem>> -> memref<128xi32, #tpu.memory_space<vmem>>
          %dma_start3A_84 = arith.constant 0 : i32
          %dma_start3A_85 = arith.constant 0 : i32
          %dma_start3A_86 = tpu.memref_slice %arg2[%dma_start3A_84, %dma_start3A_85] : memref<10000x128xf32, #tpu.memory_space<hbm>> -> memref<10000x128xf32, #tpu.memory_space<hbm>>
          tpu.enqueue_indirect_dma source(%dma_start3A_86 : memref<10000x128xf32, #tpu.memory_space<hbm>>) target(%arg11 : memref<128x128xf32, #tpu.memory_space<vmem>>) offsets(%dma_start3A_83 : memref<128xi32, #tpu.memory_space<vmem>>) semaphore(%arg14 : memref<!tpu.dma_semaphore, #tpu.memory_space<semaphore_mem>>)
          %dma_wait3A_87 = arith.constant 0 : i32
          %dma_wait3A_88 = arith.constant 0 : i32
          %dma_wait3A_89 = tpu.memref_slice %arg9[%dma_wait3A_87, %dma_wait3A_88] : memref<32x128xi32, #tpu.memory_space<vmem>> -> memref<1x128xi32, #tpu.memory_space<vmem>>
          %dma_wait3A_90 = tpu.memref_squeeze %dma_wait3A_89 : memref<1x128xi32, #tpu.memory_space<vmem>> -> memref<128xi32, #tpu.memory_space<vmem>>
          %dma_wait3A_91 = arith.constant 0 : i32
          %dma_wait3A_92 = arith.constant 0 : i32
          %dma_wait3A_93 = tpu.memref_slice %arg2[%dma_wait3A_91, %dma_wait3A_92] : memref<10000x128xf32, #tpu.memory_space<hbm>> -> memref<10000x128xf32, #tpu.memory_space<hbm>>
          tpu.wait_indirect_dma semaphore(%arg15 : memref<!tpu.dma_semaphore, #tpu.memory_space<semaphore_mem>>) src(%dma_wait3A_93 : memref<10000x128xf32, #tpu.memory_space<hbm>>) dst(%arg12 : memref<128x128xf32, #tpu.memory_space<vmem>>)
          %add3A_94 = arith.constant 1 : i32
          %add3A_95 = arith.addi %mul3A_64, %add3A_94 : i32
          "tpu.region"() ({
            %run_scoped3A_96 = tpu.sem_alloc : memref<!tpu.dma_semaphore, #tpu.memory_space<semaphore_mem>>
            %dma_start3A_97 = arith.constant 0 : i32
            %dma_start3A_98 = tpu.memref_slice %arg10[%add3A_95, %dma_start3A_97] : memref<32x128xi32, #tpu.memory_space<vmem>> -> memref<1x128xi32, #tpu.memory_space<vmem>>
            %dma_start3A_99 = tpu.memref_squeeze %dma_start3A_98 : memref<1x128xi32, #tpu.memory_space<vmem>> -> memref<128xi32, #tpu.memory_space<vmem>>
            %dma_start3A_100 = arith.constant 0 : i32
            %dma_start3A_101 = arith.constant 0 : i32
            %dma_start3A_102 = tpu.memref_slice %arg13[%dma_start3A_100, %dma_start3A_101] : memref<10112x128xf32, #tpu.memory_space<vmem_shared>> -> memref<10112x128xf32, #tpu.memory_space<vmem_shared>>
            tpu.enqueue_indirect_dma source(%arg12 : memref<128x128xf32, #tpu.memory_space<vmem>>) target(%dma_start3A_102 : memref<10112x128xf32, #tpu.memory_space<vmem_shared>>) offsets(%dma_start3A_99 : memref<128xi32, #tpu.memory_space<vmem>>) semaphore(%run_scoped3A_96 : memref<!tpu.dma_semaphore, #tpu.memory_space<semaphore_mem>>) {add = true}
            %dma_wait3A_103 = arith.constant 0 : i32
            %dma_wait3A_104 = tpu.memref_slice %arg10[%add3A_95, %dma_wait3A_103] : memref<32x128xi32, #tpu.memory_space<vmem>> -> memref<1x128xi32, #tpu.memory_space<vmem>>
            %dma_wait3A_105 = tpu.memref_squeeze %dma_wait3A_104 : memref<1x128xi32, #tpu.memory_space<vmem>> -> memref<128xi32, #tpu.memory_space<vmem>>
            %dma_wait3A_106 = arith.constant 0 : i32
            %dma_wait3A_107 = arith.constant 0 : i32
            %dma_wait3A_108 = tpu.memref_slice %arg13[%dma_wait3A_106, %dma_wait3A_107] : memref<10112x128xf32, #tpu.memory_space<vmem_shared>> -> memref<10112x128xf32, #tpu.memory_space<vmem_shared>>
            tpu.wait_indirect_dma semaphore(%run_scoped3A_96 : memref<!tpu.dma_semaphore, #tpu.memory_space<semaphore_mem>>) src(%arg12 : memref<128x128xf32, #tpu.memory_space<vmem>>) dst(%dma_wait3A_108 : memref<10112x128xf32, #tpu.memory_space<vmem_shared>>)
            tpu.yield
          }) : () -> ()
        }
        %scan3A_40 = arith.constant 15 : i32
        %dma_start3A_41 = arith.constant 31 : i32
        %dma_start3A_42 = arith.constant 0 : i32
        %dma_start3A_43 = tpu.memref_slice %arg9[%dma_start3A_41, %dma_start3A_42] : memref<32x128xi32, #tpu.memory_space<vmem>> -> memref<1x128xi32, #tpu.memory_space<vmem>>
        %dma_start3A_44 = tpu.memref_squeeze %dma_start3A_43 : memref<1x128xi32, #tpu.memory_space<vmem>> -> memref<128xi32, #tpu.memory_space<vmem>>
        %dma_start3A_45 = arith.constant 0 : i32
        %dma_start3A_46 = arith.constant 0 : i32
        %dma_start3A_47 = tpu.memref_slice %arg2[%dma_start3A_45, %dma_start3A_46] : memref<10000x128xf32, #tpu.memory_space<hbm>> -> memref<10000x128xf32, #tpu.memory_space<hbm>>
        tpu.enqueue_indirect_dma source(%dma_start3A_47 : memref<10000x128xf32, #tpu.memory_space<hbm>>) target(%arg12 : memref<128x128xf32, #tpu.memory_space<vmem>>) offsets(%dma_start3A_44 : memref<128xi32, #tpu.memory_space<vmem>>) semaphore(%arg15 : memref<!tpu.dma_semaphore, #tpu.memory_space<semaphore_mem>>)
        %dma_wait3A = arith.constant 0 : i32
        %dma_wait3A_48 = arith.constant 0 : i32
        %dma_wait3A_49 = tpu.memref_slice %arg9[%dma_wait3A, %dma_wait3A_48] : memref<32x128xi32, #tpu.memory_space<vmem>> -> memref<1x128xi32, #tpu.memory_space<vmem>>
        %dma_wait3A_50 = tpu.memref_squeeze %dma_wait3A_49 : memref<1x128xi32, #tpu.memory_space<vmem>> -> memref<128xi32, #tpu.memory_space<vmem>>
        %dma_wait3A_51 = arith.constant 0 : i32
        %dma_wait3A_52 = arith.constant 0 : i32
        %dma_wait3A_53 = tpu.memref_slice %arg2[%dma_wait3A_51, %dma_wait3A_52] : memref<10000x128xf32, #tpu.memory_space<hbm>> -> memref<10000x128xf32, #tpu.memory_space<hbm>>
        tpu.wait_indirect_dma semaphore(%arg14 : memref<!tpu.dma_semaphore, #tpu.memory_space<semaphore_mem>>) src(%dma_wait3A_53 : memref<10000x128xf32, #tpu.memory_space<hbm>>) dst(%arg11 : memref<128x128xf32, #tpu.memory_space<vmem>>)
        %run_scoped3A = arith.constant 30 : i32
        "tpu.region"() ({
          %run_scoped3A_62 = tpu.sem_alloc : memref<!tpu.dma_semaphore, #tpu.memory_space<semaphore_mem>>
          %dma_start3A_63 = arith.constant 0 : i32
          %dma_start3A_64 = tpu.memref_slice %arg10[%run_scoped3A, %dma_start3A_63] : memref<32x128xi32, #tpu.memory_space<vmem>> -> memref<1x128xi32, #tpu.memory_space<vmem>>
          %dma_start3A_65 = tpu.memref_squeeze %dma_start3A_64 : memref<1x128xi32, #tpu.memory_space<vmem>> -> memref<128xi32, #tpu.memory_space<vmem>>
          %dma_start3A_66 = arith.constant 0 : i32
          %dma_start3A_67 = arith.constant 0 : i32
          %dma_start3A_68 = tpu.memref_slice %arg13[%dma_start3A_66, %dma_start3A_67] : memref<10112x128xf32, #tpu.memory_space<vmem_shared>> -> memref<10112x128xf32, #tpu.memory_space<vmem_shared>>
          tpu.enqueue_indirect_dma source(%arg11 : memref<128x128xf32, #tpu.memory_space<vmem>>) target(%dma_start3A_68 : memref<10112x128xf32, #tpu.memory_space<vmem_shared>>) offsets(%dma_start3A_65 : memref<128xi32, #tpu.memory_space<vmem>>) semaphore(%run_scoped3A_62 : memref<!tpu.dma_semaphore, #tpu.memory_space<semaphore_mem>>) {add = true}
          %dma_wait3A_69 = arith.constant 0 : i32
          %dma_wait3A_70 = tpu.memref_slice %arg10[%run_scoped3A, %dma_wait3A_69] : memref<32x128xi32, #tpu.memory_space<vmem>> -> memref<1x128xi32, #tpu.memory_space<vmem>>
          %dma_wait3A_71 = tpu.memref_squeeze %dma_wait3A_70 : memref<1x128xi32, #tpu.memory_space<vmem>> -> memref<128xi32, #tpu.memory_space<vmem>>
          %dma_wait3A_72 = arith.constant 0 : i32
          %dma_wait3A_73 = arith.constant 0 : i32
          %dma_wait3A_74 = tpu.memref_slice %arg13[%dma_wait3A_72, %dma_wait3A_73] : memref<10112x128xf32, #tpu.memory_space<vmem_shared>> -> memref<10112x128xf32, #tpu.memory_space<vmem_shared>>
          tpu.wait_indirect_dma semaphore(%run_scoped3A_62 : memref<!tpu.dma_semaphore, #tpu.memory_space<semaphore_mem>>) src(%arg11 : memref<128x128xf32, #tpu.memory_space<vmem>>) dst(%dma_wait3A_74 : memref<10112x128xf32, #tpu.memory_space<vmem_shared>>)
          tpu.yield
        }) : () -> ()
        %dma_wait3A_54 = arith.constant 0 : i32
        %dma_wait3A_55 = arith.constant 0 : i32
        %dma_wait3A_56 = tpu.memref_slice %arg9[%dma_wait3A_54, %dma_wait3A_55] : memref<32x128xi32, #tpu.memory_space<vmem>> -> memref<1x128xi32, #tpu.memory_space<vmem>>
        %dma_wait3A_57 = tpu.memref_squeeze %dma_wait3A_56 : memref<1x128xi32, #tpu.memory_space<vmem>> -> memref<128xi32, #tpu.memory_space<vmem>>
        %dma_wait3A_58 = arith.constant 0 : i32
        %dma_wait3A_59 = arith.constant 0 : i32
        %dma_wait3A_60 = tpu.memref_slice %arg2[%dma_wait3A_58, %dma_wait3A_59] : memref<10000x128xf32, #tpu.memory_space<hbm>> -> memref<10000x128xf32, #tpu.memory_space<hbm>>
        tpu.wait_indirect_dma semaphore(%arg15 : memref<!tpu.dma_semaphore, #tpu.memory_space<semaphore_mem>>) src(%dma_wait3A_60 : memref<10000x128xf32, #tpu.memory_space<hbm>>) dst(%arg12 : memref<128x128xf32, #tpu.memory_space<vmem>>)
        %run_scoped3A_61 = arith.constant 31 : i32
        "tpu.region"() ({
          %run_scoped3A_62 = tpu.sem_alloc : memref<!tpu.dma_semaphore, #tpu.memory_space<semaphore_mem>>
          %dma_start3A_63 = arith.constant 0 : i32
          %dma_start3A_64 = tpu.memref_slice %arg10[%run_scoped3A_61, %dma_start3A_63] : memref<32x128xi32, #tpu.memory_space<vmem>> -> memref<1x128xi32, #tpu.memory_space<vmem>>
          %dma_start3A_65 = tpu.memref_squeeze %dma_start3A_64 : memref<1x128xi32, #tpu.memory_space<vmem>> -> memref<128xi32, #tpu.memory_space<vmem>>
          %dma_start3A_66 = arith.constant 0 : i32
          %dma_start3A_67 = arith.constant 0 : i32
          %dma_start3A_68 = tpu.memref_slice %arg13[%dma_start3A_66, %dma_start3A_67] : memref<10112x128xf32, #tpu.memory_space<vmem_shared>> -> memref<10112x128xf32, #tpu.memory_space<vmem_shared>>
          tpu.enqueue_indirect_dma source(%arg12 : memref<128x128xf32, #tpu.memory_space<vmem>>) target(%dma_start3A_68 : memref<10112x128xf32, #tpu.memory_space<vmem_shared>>) offsets(%dma_start3A_65 : memref<128xi32, #tpu.memory_space<vmem>>) semaphore(%run_scoped3A_62 : memref<!tpu.dma_semaphore, #tpu.memory_space<semaphore_mem>>) {add = true}
          %dma_wait3A_69 = arith.constant 0 : i32
          %dma_wait3A_70 = tpu.memref_slice %arg10[%run_scoped3A_61, %dma_wait3A_69] : memref<32x128xi32, #tpu.memory_space<vmem>> -> memref<1x128xi32, #tpu.memory_space<vmem>>
          %dma_wait3A_71 = tpu.memref_squeeze %dma_wait3A_70 : memref<1x128xi32, #tpu.memory_space<vmem>> -> memref<128xi32, #tpu.memory_space<vmem>>
          %dma_wait3A_72 = arith.constant 0 : i32
          %dma_wait3A_73 = arith.constant 0 : i32
          %dma_wait3A_74 = tpu.memref_slice %arg13[%dma_wait3A_72, %dma_wait3A_73] : memref<10112x128xf32, #tpu.memory_space<vmem_shared>> -> memref<10112x128xf32, #tpu.memory_space<vmem_shared>>
          tpu.wait_indirect_dma semaphore(%run_scoped3A_62 : memref<!tpu.dma_semaphore, #tpu.memory_space<semaphore_mem>>) src(%arg12 : memref<128x128xf32, #tpu.memory_space<vmem>>) dst(%dma_wait3A_74 : memref<10112x128xf32, #tpu.memory_space<vmem_shared>>)
          tpu.yield
        }) : () -> ()
      }
      %scan3A_23 = arith.constant 5 : i32
    } else {
    }
    %eq3A_3 = arith.constant 1 : i32
    %eq3A_4 = arith.cmpi eq, %arg0, %eq3A_3 : i32
    %convert_element_type3A_5 = arith.extui %eq3A_4 : i1 to i32
    %cond3A_6 = arith.constant 0 : i32
    %cond3A_7 = arith.cmpi ne, %convert_element_type3A_5, %cond3A_6 : i32
    scf.if %cond3A_7 {
      %scan3A = arith.constant 0 : i32
      %scan3A_19 = arith.constant 0 : i32
      %scan3A_20 = arith.constant 5 : i32
      %scan3A_21 = arith.addi %scan3A_19, %scan3A_20 : i32
      %scan3A_22 = arith.constant 1 : i32
      scf.for %scan3A_24 = %scan3A_19 to %scan3A_21 step %scan3A_22  : i32 {
        %mul3A_25 = arith.constant 32 : i32
        %mul3A_26 = arith.muli %scan3A_24, %mul3A_25 : i32
        "tpu.region"() ({
          %run_scoped3A_62 = tpu.sem_alloc : memref<!tpu.dma_semaphore, #tpu.memory_space<semaphore_mem>>
          %dma_start3A_63 = arith.constant 0 : i32
          %dma_start3A_64 = arith.constant 0 : i32
          %dma_start3A_65 = tpu.memref_slice %arg4[%arg1, %dma_start3A_63, %dma_start3A_64] : memref<16x160x128xi32, #tpu.memory_space<hbm>> -> memref<1x160x128xi32, #tpu.memory_space<hbm>>
          %dma_start3A_66 = tpu.memref_squeeze %dma_start3A_65 : memref<1x160x128xi32, #tpu.memory_space<hbm>> -> memref<160x128xi32, #tpu.memory_space<hbm>>
          %dma_start3A_67 = arith.constant 0 : i32
          %dma_start3A_68 = tpu.memref_slice %dma_start3A_66[%mul3A_26, %dma_start3A_67] : memref<160x128xi32, #tpu.memory_space<hbm>> -> memref<32x128xi32, #tpu.memory_space<hbm>>
          %dma_start3A_69 = arith.constant 0 : i32
          %dma_start3A_70 = arith.constant 0 : i32
          %dma_start3A_71 = tpu.memref_slice %arg4[%arg1, %dma_start3A_69, %dma_start3A_70] : memref<16x160x128xi32, #tpu.memory_space<hbm>> -> memref<1x160x128xi32, #tpu.memory_space<hbm>>
          %dma_start3A_72 = tpu.memref_squeeze %dma_start3A_71 : memref<1x160x128xi32, #tpu.memory_space<hbm>> -> memref<160x128xi32, #tpu.memory_space<hbm>>
          %dma_start3A_73 = arith.constant 0 : i32
          %dma_start3A_74 = tpu.memref_slice %dma_start3A_72[%mul3A_26, %dma_start3A_73] : memref<160x128xi32, #tpu.memory_space<hbm>> -> memref<32x128xi32, #tpu.memory_space<hbm>>
          tpu.enqueue_dma source(%dma_start3A_74 : memref<32x128xi32, #tpu.memory_space<hbm>>) target(%arg9 : memref<32x128xi32, #tpu.memory_space<vmem>>) target_semaphore(%run_scoped3A_62 : memref<!tpu.dma_semaphore, #tpu.memory_space<semaphore_mem>>)
          %dma_wait3A_75 = arith.constant 0 : i32
          %dma_wait3A_76 = arith.constant 0 : i32
          %dma_wait3A_77 = tpu.memref_slice %arg4[%arg1, %dma_wait3A_75, %dma_wait3A_76] : memref<16x160x128xi32, #tpu.memory_space<hbm>> -> memref<1x160x128xi32, #tpu.memory_space<hbm>>
          %dma_wait3A_78 = tpu.memref_squeeze %dma_wait3A_77 : memref<1x160x128xi32, #tpu.memory_space<hbm>> -> memref<160x128xi32, #tpu.memory_space<hbm>>
          %dma_wait3A_79 = arith.constant 0 : i32
          %dma_wait3A_80 = tpu.memref_slice %dma_wait3A_78[%mul3A_26, %dma_wait3A_79] : memref<160x128xi32, #tpu.memory_space<hbm>> -> memref<32x128xi32, #tpu.memory_space<hbm>>
          %dma_wait3A_81 = arith.constant 0 : i32
          %dma_wait3A_82 = arith.constant 0 : i32
          %dma_wait3A_83 = tpu.memref_slice %arg4[%arg1, %dma_wait3A_81, %dma_wait3A_82] : memref<16x160x128xi32, #tpu.memory_space<hbm>> -> memref<1x160x128xi32, #tpu.memory_space<hbm>>
          %dma_wait3A_84 = tpu.memref_squeeze %dma_wait3A_83 : memref<1x160x128xi32, #tpu.memory_space<hbm>> -> memref<160x128xi32, #tpu.memory_space<hbm>>
          %dma_wait3A_85 = arith.constant 0 : i32
          %dma_wait3A_86 = tpu.memref_slice %dma_wait3A_84[%mul3A_26, %dma_wait3A_85] : memref<160x128xi32, #tpu.memory_space<hbm>> -> memref<32x128xi32, #tpu.memory_space<hbm>>
          tpu.wait_dma2 semaphore(%run_scoped3A_62 : memref<!tpu.dma_semaphore, #tpu.memory_space<semaphore_mem>>) src(%dma_wait3A_86 : memref<32x128xi32, #tpu.memory_space<hbm>>) dst(%arg9 : memref<32x128xi32, #tpu.memory_space<vmem>>)
          tpu.yield
        }) : () -> ()
        %mul3A_27 = arith.constant 32 : i32
        %mul3A_28 = arith.muli %scan3A_24, %mul3A_27 : i32
        "tpu.region"() ({
          %run_scoped3A_62 = tpu.sem_alloc : memref<!tpu.dma_semaphore, #tpu.memory_space<semaphore_mem>>
          %dma_start3A_63 = arith.constant 0 : i32
          %dma_start3A_64 = arith.constant 0 : i32
          %dma_start3A_65 = tpu.memref_slice %arg5[%arg1, %dma_start3A_63, %dma_start3A_64] : memref<16x160x128xi32, #tpu.memory_space<hbm>> -> memref<1x160x128xi32, #tpu.memory_space<hbm>>
          %dma_start3A_66 = tpu.memref_squeeze %dma_start3A_65 : memref<1x160x128xi32, #tpu.memory_space<hbm>> -> memref<160x128xi32, #tpu.memory_space<hbm>>
          %dma_start3A_67 = arith.constant 0 : i32
          %dma_start3A_68 = tpu.memref_slice %dma_start3A_66[%mul3A_28, %dma_start3A_67] : memref<160x128xi32, #tpu.memory_space<hbm>> -> memref<32x128xi32, #tpu.memory_space<hbm>>
          %dma_start3A_69 = arith.constant 0 : i32
          %dma_start3A_70 = arith.constant 0 : i32
          %dma_start3A_71 = tpu.memref_slice %arg5[%arg1, %dma_start3A_69, %dma_start3A_70] : memref<16x160x128xi32, #tpu.memory_space<hbm>> -> memref<1x160x128xi32, #tpu.memory_space<hbm>>
          %dma_start3A_72 = tpu.memref_squeeze %dma_start3A_71 : memref<1x160x128xi32, #tpu.memory_space<hbm>> -> memref<160x128xi32, #tpu.memory_space<hbm>>
          %dma_start3A_73 = arith.constant 0 : i32
          %dma_start3A_74 = tpu.memref_slice %dma_start3A_72[%mul3A_28, %dma_start3A_73] : memref<160x128xi32, #tpu.memory_space<hbm>> -> memref<32x128xi32, #tpu.memory_space<hbm>>
          tpu.enqueue_dma source(%dma_start3A_74 : memref<32x128xi32, #tpu.memory_space<hbm>>) target(%arg10 : memref<32x128xi32, #tpu.memory_space<vmem>>) target_semaphore(%run_scoped3A_62 : memref<!tpu.dma_semaphore, #tpu.memory_space<semaphore_mem>>)
          %dma_wait3A_75 = arith.constant 0 : i32
          %dma_wait3A_76 = arith.constant 0 : i32
          %dma_wait3A_77 = tpu.memref_slice %arg5[%arg1, %dma_wait3A_75, %dma_wait3A_76] : memref<16x160x128xi32, #tpu.memory_space<hbm>> -> memref<1x160x128xi32, #tpu.memory_space<hbm>>
          %dma_wait3A_78 = tpu.memref_squeeze %dma_wait3A_77 : memref<1x160x128xi32, #tpu.memory_space<hbm>> -> memref<160x128xi32, #tpu.memory_space<hbm>>
          %dma_wait3A_79 = arith.constant 0 : i32
          %dma_wait3A_80 = tpu.memref_slice %dma_wait3A_78[%mul3A_28, %dma_wait3A_79] : memref<160x128xi32, #tpu.memory_space<hbm>> -> memref<32x128xi32, #tpu.memory_space<hbm>>
          %dma_wait3A_81 = arith.constant 0 : i32
          %dma_wait3A_82 = arith.constant 0 : i32
          %dma_wait3A_83 = tpu.memref_slice %arg5[%arg1, %dma_wait3A_81, %dma_wait3A_82] : memref<16x160x128xi32, #tpu.memory_space<hbm>> -> memref<1x160x128xi32, #tpu.memory_space<hbm>>
          %dma_wait3A_84 = tpu.memref_squeeze %dma_wait3A_83 : memref<1x160x128xi32, #tpu.memory_space<hbm>> -> memref<160x128xi32, #tpu.memory_space<hbm>>
          %dma_wait3A_85 = arith.constant 0 : i32
          %dma_wait3A_86 = tpu.memref_slice %dma_wait3A_84[%mul3A_28, %dma_wait3A_85] : memref<160x128xi32, #tpu.memory_space<hbm>> -> memref<32x128xi32, #tpu.memory_space<hbm>>
          tpu.wait_dma2 semaphore(%run_scoped3A_62 : memref<!tpu.dma_semaphore, #tpu.memory_space<semaphore_mem>>) src(%dma_wait3A_86 : memref<32x128xi32, #tpu.memory_space<hbm>>) dst(%arg10 : memref<32x128xi32, #tpu.memory_space<vmem>>)
          tpu.yield
        }) : () -> ()
        %dma_start3A = arith.constant 0 : i32
        %dma_start3A_29 = arith.constant 0 : i32
        %dma_start3A_30 = tpu.memref_slice %arg9[%dma_start3A, %dma_start3A_29] : memref<32x128xi32, #tpu.memory_space<vmem>> -> memref<1x128xi32, #tpu.memory_space<vmem>>
        %dma_start3A_31 = tpu.memref_squeeze %dma_start3A_30 : memref<1x128xi32, #tpu.memory_space<vmem>> -> memref<128xi32, #tpu.memory_space<vmem>>
        %dma_start3A_32 = arith.constant 0 : i32
        %dma_start3A_33 = arith.constant 0 : i32
        %dma_start3A_34 = tpu.memref_slice %arg3[%dma_start3A_32, %dma_start3A_33] : memref<10000x128xf32, #tpu.memory_space<hbm>> -> memref<10000x128xf32, #tpu.memory_space<hbm>>
        tpu.enqueue_indirect_dma source(%dma_start3A_34 : memref<10000x128xf32, #tpu.memory_space<hbm>>) target(%arg11 : memref<128x128xf32, #tpu.memory_space<vmem>>) offsets(%dma_start3A_31 : memref<128xi32, #tpu.memory_space<vmem>>) semaphore(%arg14 : memref<!tpu.dma_semaphore, #tpu.memory_space<semaphore_mem>>)
        %scan3A_35 = arith.constant 0 : i32
        %scan3A_36 = arith.constant 0 : i32
        %scan3A_37 = arith.constant 15 : i32
        %scan3A_38 = arith.addi %scan3A_36, %scan3A_37 : i32
        %scan3A_39 = arith.constant 1 : i32
        scf.for %scan3A_62 = %scan3A_36 to %scan3A_38 step %scan3A_39  : i32 {
          %mul3A_63 = arith.constant 2 : i32
          %mul3A_64 = arith.muli %mul3A_63, %scan3A_62 : i32
          %add3A = arith.constant 1 : i32
          %add3A_65 = arith.addi %mul3A_64, %add3A : i32
          %dma_start3A_66 = arith.constant 0 : i32
          %dma_start3A_67 = tpu.memref_slice %arg9[%add3A_65, %dma_start3A_66] : memref<32x128xi32, #tpu.memory_space<vmem>> -> memref<1x128xi32, #tpu.memory_space<vmem>>
          %dma_start3A_68 = tpu.memref_squeeze %dma_start3A_67 : memref<1x128xi32, #tpu.memory_space<vmem>> -> memref<128xi32, #tpu.memory_space<vmem>>
          %dma_start3A_69 = arith.constant 0 : i32
          %dma_start3A_70 = arith.constant 0 : i32
          %dma_start3A_71 = tpu.memref_slice %arg3[%dma_start3A_69, %dma_start3A_70] : memref<10000x128xf32, #tpu.memory_space<hbm>> -> memref<10000x128xf32, #tpu.memory_space<hbm>>
          tpu.enqueue_indirect_dma source(%dma_start3A_71 : memref<10000x128xf32, #tpu.memory_space<hbm>>) target(%arg12 : memref<128x128xf32, #tpu.memory_space<vmem>>) offsets(%dma_start3A_68 : memref<128xi32, #tpu.memory_space<vmem>>) semaphore(%arg15 : memref<!tpu.dma_semaphore, #tpu.memory_space<semaphore_mem>>)
          %dma_wait3A_72 = arith.constant 0 : i32
          %dma_wait3A_73 = arith.constant 0 : i32
          %dma_wait3A_74 = tpu.memref_slice %arg9[%dma_wait3A_72, %dma_wait3A_73] : memref<32x128xi32, #tpu.memory_space<vmem>> -> memref<1x128xi32, #tpu.memory_space<vmem>>
          %dma_wait3A_75 = tpu.memref_squeeze %dma_wait3A_74 : memref<1x128xi32, #tpu.memory_space<vmem>> -> memref<128xi32, #tpu.memory_space<vmem>>
          %dma_wait3A_76 = arith.constant 0 : i32
          %dma_wait3A_77 = arith.constant 0 : i32
          %dma_wait3A_78 = tpu.memref_slice %arg3[%dma_wait3A_76, %dma_wait3A_77] : memref<10000x128xf32, #tpu.memory_space<hbm>> -> memref<10000x128xf32, #tpu.memory_space<hbm>>
          tpu.wait_indirect_dma semaphore(%arg14 : memref<!tpu.dma_semaphore, #tpu.memory_space<semaphore_mem>>) src(%dma_wait3A_78 : memref<10000x128xf32, #tpu.memory_space<hbm>>) dst(%arg11 : memref<128x128xf32, #tpu.memory_space<vmem>>)
          "tpu.region"() ({
            %run_scoped3A_96 = tpu.sem_alloc : memref<!tpu.dma_semaphore, #tpu.memory_space<semaphore_mem>>
            %dma_start3A_97 = arith.constant 0 : i32
            %dma_start3A_98 = tpu.memref_slice %arg10[%mul3A_64, %dma_start3A_97] : memref<32x128xi32, #tpu.memory_space<vmem>> -> memref<1x128xi32, #tpu.memory_space<vmem>>
            %dma_start3A_99 = tpu.memref_squeeze %dma_start3A_98 : memref<1x128xi32, #tpu.memory_space<vmem>> -> memref<128xi32, #tpu.memory_space<vmem>>
            %dma_start3A_100 = arith.constant 0 : i32
            %dma_start3A_101 = arith.constant 0 : i32
            %dma_start3A_102 = tpu.memref_slice %arg13[%dma_start3A_100, %dma_start3A_101] : memref<10112x128xf32, #tpu.memory_space<vmem_shared>> -> memref<10112x128xf32, #tpu.memory_space<vmem_shared>>
            tpu.enqueue_indirect_dma source(%arg11 : memref<128x128xf32, #tpu.memory_space<vmem>>) target(%dma_start3A_102 : memref<10112x128xf32, #tpu.memory_space<vmem_shared>>) offsets(%dma_start3A_99 : memref<128xi32, #tpu.memory_space<vmem>>) semaphore(%run_scoped3A_96 : memref<!tpu.dma_semaphore, #tpu.memory_space<semaphore_mem>>) {add = true}
            %dma_wait3A_103 = arith.constant 0 : i32
            %dma_wait3A_104 = tpu.memref_slice %arg10[%mul3A_64, %dma_wait3A_103] : memref<32x128xi32, #tpu.memory_space<vmem>> -> memref<1x128xi32, #tpu.memory_space<vmem>>
            %dma_wait3A_105 = tpu.memref_squeeze %dma_wait3A_104 : memref<1x128xi32, #tpu.memory_space<vmem>> -> memref<128xi32, #tpu.memory_space<vmem>>
            %dma_wait3A_106 = arith.constant 0 : i32
            %dma_wait3A_107 = arith.constant 0 : i32
            %dma_wait3A_108 = tpu.memref_slice %arg13[%dma_wait3A_106, %dma_wait3A_107] : memref<10112x128xf32, #tpu.memory_space<vmem_shared>> -> memref<10112x128xf32, #tpu.memory_space<vmem_shared>>
            tpu.wait_indirect_dma semaphore(%run_scoped3A_96 : memref<!tpu.dma_semaphore, #tpu.memory_space<semaphore_mem>>) src(%arg11 : memref<128x128xf32, #tpu.memory_space<vmem>>) dst(%dma_wait3A_108 : memref<10112x128xf32, #tpu.memory_space<vmem_shared>>)
            tpu.yield
          }) : () -> ()
          %add3A_79 = arith.constant 2 : i32
          %add3A_80 = arith.addi %mul3A_64, %add3A_79 : i32
          %dma_start3A_81 = arith.constant 0 : i32
          %dma_start3A_82 = tpu.memref_slice %arg9[%add3A_80, %dma_start3A_81] : memref<32x128xi32, #tpu.memory_space<vmem>> -> memref<1x128xi32, #tpu.memory_space<vmem>>
          %dma_start3A_83 = tpu.memref_squeeze %dma_start3A_82 : memref<1x128xi32, #tpu.memory_space<vmem>> -> memref<128xi32, #tpu.memory_space<vmem>>
          %dma_start3A_84 = arith.constant 0 : i32
          %dma_start3A_85 = arith.constant 0 : i32
          %dma_start3A_86 = tpu.memref_slice %arg3[%dma_start3A_84, %dma_start3A_85] : memref<10000x128xf32, #tpu.memory_space<hbm>> -> memref<10000x128xf32, #tpu.memory_space<hbm>>
          tpu.enqueue_indirect_dma source(%dma_start3A_86 : memref<10000x128xf32, #tpu.memory_space<hbm>>) target(%arg11 : memref<128x128xf32, #tpu.memory_space<vmem>>) offsets(%dma_start3A_83 : memref<128xi32, #tpu.memory_space<vmem>>) semaphore(%arg14 : memref<!tpu.dma_semaphore, #tpu.memory_space<semaphore_mem>>)
          %dma_wait3A_87 = arith.constant 0 : i32
          %dma_wait3A_88 = arith.constant 0 : i32
          %dma_wait3A_89 = tpu.memref_slice %arg9[%dma_wait3A_87, %dma_wait3A_88] : memref<32x128xi32, #tpu.memory_space<vmem>> -> memref<1x128xi32, #tpu.memory_space<vmem>>
          %dma_wait3A_90 = tpu.memref_squeeze %dma_wait3A_89 : memref<1x128xi32, #tpu.memory_space<vmem>> -> memref<128xi32, #tpu.memory_space<vmem>>
          %dma_wait3A_91 = arith.constant 0 : i32
          %dma_wait3A_92 = arith.constant 0 : i32
          %dma_wait3A_93 = tpu.memref_slice %arg3[%dma_wait3A_91, %dma_wait3A_92] : memref<10000x128xf32, #tpu.memory_space<hbm>> -> memref<10000x128xf32, #tpu.memory_space<hbm>>
          tpu.wait_indirect_dma semaphore(%arg15 : memref<!tpu.dma_semaphore, #tpu.memory_space<semaphore_mem>>) src(%dma_wait3A_93 : memref<10000x128xf32, #tpu.memory_space<hbm>>) dst(%arg12 : memref<128x128xf32, #tpu.memory_space<vmem>>)
          %add3A_94 = arith.constant 1 : i32
          %add3A_95 = arith.addi %mul3A_64, %add3A_94 : i32
          "tpu.region"() ({
            %run_scoped3A_96 = tpu.sem_alloc : memref<!tpu.dma_semaphore, #tpu.memory_space<semaphore_mem>>
            %dma_start3A_97 = arith.constant 0 : i32
            %dma_start3A_98 = tpu.memref_slice %arg10[%add3A_95, %dma_start3A_97] : memref<32x128xi32, #tpu.memory_space<vmem>> -> memref<1x128xi32, #tpu.memory_space<vmem>>
            %dma_start3A_99 = tpu.memref_squeeze %dma_start3A_98 : memref<1x128xi32, #tpu.memory_space<vmem>> -> memref<128xi32, #tpu.memory_space<vmem>>
            %dma_start3A_100 = arith.constant 0 : i32
            %dma_start3A_101 = arith.constant 0 : i32
            %dma_start3A_102 = tpu.memref_slice %arg13[%dma_start3A_100, %dma_start3A_101] : memref<10112x128xf32, #tpu.memory_space<vmem_shared>> -> memref<10112x128xf32, #tpu.memory_space<vmem_shared>>
            tpu.enqueue_indirect_dma source(%arg12 : memref<128x128xf32, #tpu.memory_space<vmem>>) target(%dma_start3A_102 : memref<10112x128xf32, #tpu.memory_space<vmem_shared>>) offsets(%dma_start3A_99 : memref<128xi32, #tpu.memory_space<vmem>>) semaphore(%run_scoped3A_96 : memref<!tpu.dma_semaphore, #tpu.memory_space<semaphore_mem>>) {add = true}
            %dma_wait3A_103 = arith.constant 0 : i32
            %dma_wait3A_104 = tpu.memref_slice %arg10[%add3A_95, %dma_wait3A_103] : memref<32x128xi32, #tpu.memory_space<vmem>> -> memref<1x128xi32, #tpu.memory_space<vmem>>
            %dma_wait3A_105 = tpu.memref_squeeze %dma_wait3A_104 : memref<1x128xi32, #tpu.memory_space<vmem>> -> memref<128xi32, #tpu.memory_space<vmem>>
            %dma_wait3A_106 = arith.constant 0 : i32
            %dma_wait3A_107 = arith.constant 0 : i32
            %dma_wait3A_108 = tpu.memref_slice %arg13[%dma_wait3A_106, %dma_wait3A_107] : memref<10112x128xf32, #tpu.memory_space<vmem_shared>> -> memref<10112x128xf32, #tpu.memory_space<vmem_shared>>
            tpu.wait_indirect_dma semaphore(%run_scoped3A_96 : memref<!tpu.dma_semaphore, #tpu.memory_space<semaphore_mem>>) src(%arg12 : memref<128x128xf32, #tpu.memory_space<vmem>>) dst(%dma_wait3A_108 : memref<10112x128xf32, #tpu.memory_space<vmem_shared>>)
            tpu.yield
          }) : () -> ()
        }
        %scan3A_40 = arith.constant 15 : i32
        %dma_start3A_41 = arith.constant 31 : i32
        %dma_start3A_42 = arith.constant 0 : i32
        %dma_start3A_43 = tpu.memref_slice %arg9[%dma_start3A_41, %dma_start3A_42] : memref<32x128xi32, #tpu.memory_space<vmem>> -> memref<1x128xi32, #tpu.memory_space<vmem>>
        %dma_start3A_44 = tpu.memref_squeeze %dma_start3A_43 : memref<1x128xi32, #tpu.memory_space<vmem>> -> memref<128xi32, #tpu.memory_space<vmem>>
        %dma_start3A_45 = arith.constant 0 : i32
        %dma_start3A_46 = arith.constant 0 : i32
        %dma_start3A_47 = tpu.memref_slice %arg3[%dma_start3A_45, %dma_start3A_46] : memref<10000x128xf32, #tpu.memory_space<hbm>> -> memref<10000x128xf32, #tpu.memory_space<hbm>>
        tpu.enqueue_indirect_dma source(%dma_start3A_47 : memref<10000x128xf32, #tpu.memory_space<hbm>>) target(%arg12 : memref<128x128xf32, #tpu.memory_space<vmem>>) offsets(%dma_start3A_44 : memref<128xi32, #tpu.memory_space<vmem>>) semaphore(%arg15 : memref<!tpu.dma_semaphore, #tpu.memory_space<semaphore_mem>>)
        %dma_wait3A = arith.constant 0 : i32
        %dma_wait3A_48 = arith.constant 0 : i32
        %dma_wait3A_49 = tpu.memref_slice %arg9[%dma_wait3A, %dma_wait3A_48] : memref<32x128xi32, #tpu.memory_space<vmem>> -> memref<1x128xi32, #tpu.memory_space<vmem>>
        %dma_wait3A_50 = tpu.memref_squeeze %dma_wait3A_49 : memref<1x128xi32, #tpu.memory_space<vmem>> -> memref<128xi32, #tpu.memory_space<vmem>>
        %dma_wait3A_51 = arith.constant 0 : i32
        %dma_wait3A_52 = arith.constant 0 : i32
        %dma_wait3A_53 = tpu.memref_slice %arg3[%dma_wait3A_51, %dma_wait3A_52] : memref<10000x128xf32, #tpu.memory_space<hbm>> -> memref<10000x128xf32, #tpu.memory_space<hbm>>
        tpu.wait_indirect_dma semaphore(%arg14 : memref<!tpu.dma_semaphore, #tpu.memory_space<semaphore_mem>>) src(%dma_wait3A_53 : memref<10000x128xf32, #tpu.memory_space<hbm>>) dst(%arg11 : memref<128x128xf32, #tpu.memory_space<vmem>>)
        %run_scoped3A = arith.constant 30 : i32
        "tpu.region"() ({
          %run_scoped3A_62 = tpu.sem_alloc : memref<!tpu.dma_semaphore, #tpu.memory_space<semaphore_mem>>
          %dma_start3A_63 = arith.constant 0 : i32
          %dma_start3A_64 = tpu.memref_slice %arg10[%run_scoped3A, %dma_start3A_63] : memref<32x128xi32, #tpu.memory_space<vmem>> -> memref<1x128xi32, #tpu.memory_space<vmem>>
          %dma_start3A_65 = tpu.memref_squeeze %dma_start3A_64 : memref<1x128xi32, #tpu.memory_space<vmem>> -> memref<128xi32, #tpu.memory_space<vmem>>
          %dma_start3A_66 = arith.constant 0 : i32
          %dma_start3A_67 = arith.constant 0 : i32
          %dma_start3A_68 = tpu.memref_slice %arg13[%dma_start3A_66, %dma_start3A_67] : memref<10112x128xf32, #tpu.memory_space<vmem_shared>> -> memref<10112x128xf32, #tpu.memory_space<vmem_shared>>
          tpu.enqueue_indirect_dma source(%arg11 : memref<128x128xf32, #tpu.memory_space<vmem>>) target(%dma_start3A_68 : memref<10112x128xf32, #tpu.memory_space<vmem_shared>>) offsets(%dma_start3A_65 : memref<128xi32, #tpu.memory_space<vmem>>) semaphore(%run_scoped3A_62 : memref<!tpu.dma_semaphore, #tpu.memory_space<semaphore_mem>>) {add = true}
          %dma_wait3A_69 = arith.constant 0 : i32
          %dma_wait3A_70 = tpu.memref_slice %arg10[%run_scoped3A, %dma_wait3A_69] : memref<32x128xi32, #tpu.memory_space<vmem>> -> memref<1x128xi32, #tpu.memory_space<vmem>>
          %dma_wait3A_71 = tpu.memref_squeeze %dma_wait3A_70 : memref<1x128xi32, #tpu.memory_space<vmem>> -> memref<128xi32, #tpu.memory_space<vmem>>
          %dma_wait3A_72 = arith.constant 0 : i32
          %dma_wait3A_73 = arith.constant 0 : i32
          %dma_wait3A_74 = tpu.memref_slice %arg13[%dma_wait3A_72, %dma_wait3A_73] : memref<10112x128xf32, #tpu.memory_space<vmem_shared>> -> memref<10112x128xf32, #tpu.memory_space<vmem_shared>>
          tpu.wait_indirect_dma semaphore(%run_scoped3A_62 : memref<!tpu.dma_semaphore, #tpu.memory_space<semaphore_mem>>) src(%arg11 : memref<128x128xf32, #tpu.memory_space<vmem>>) dst(%dma_wait3A_74 : memref<10112x128xf32, #tpu.memory_space<vmem_shared>>)
          tpu.yield
        }) : () -> ()
        %dma_wait3A_54 = arith.constant 0 : i32
        %dma_wait3A_55 = arith.constant 0 : i32
        %dma_wait3A_56 = tpu.memref_slice %arg9[%dma_wait3A_54, %dma_wait3A_55] : memref<32x128xi32, #tpu.memory_space<vmem>> -> memref<1x128xi32, #tpu.memory_space<vmem>>
        %dma_wait3A_57 = tpu.memref_squeeze %dma_wait3A_56 : memref<1x128xi32, #tpu.memory_space<vmem>> -> memref<128xi32, #tpu.memory_space<vmem>>
        %dma_wait3A_58 = arith.constant 0 : i32
        %dma_wait3A_59 = arith.constant 0 : i32
        %dma_wait3A_60 = tpu.memref_slice %arg3[%dma_wait3A_58, %dma_wait3A_59] : memref<10000x128xf32, #tpu.memory_space<hbm>> -> memref<10000x128xf32, #tpu.memory_space<hbm>>
        tpu.wait_indirect_dma semaphore(%arg15 : memref<!tpu.dma_semaphore, #tpu.memory_space<semaphore_mem>>) src(%dma_wait3A_60 : memref<10000x128xf32, #tpu.memory_space<hbm>>) dst(%arg12 : memref<128x128xf32, #tpu.memory_space<vmem>>)
        %run_scoped3A_61 = arith.constant 31 : i32
        "tpu.region"() ({
          %run_scoped3A_62 = tpu.sem_alloc : memref<!tpu.dma_semaphore, #tpu.memory_space<semaphore_mem>>
          %dma_start3A_63 = arith.constant 0 : i32
          %dma_start3A_64 = tpu.memref_slice %arg10[%run_scoped3A_61, %dma_start3A_63] : memref<32x128xi32, #tpu.memory_space<vmem>> -> memref<1x128xi32, #tpu.memory_space<vmem>>
          %dma_start3A_65 = tpu.memref_squeeze %dma_start3A_64 : memref<1x128xi32, #tpu.memory_space<vmem>> -> memref<128xi32, #tpu.memory_space<vmem>>
          %dma_start3A_66 = arith.constant 0 : i32
          %dma_start3A_67 = arith.constant 0 : i32
          %dma_start3A_68 = tpu.memref_slice %arg13[%dma_start3A_66, %dma_start3A_67] : memref<10112x128xf32, #tpu.memory_space<vmem_shared>> -> memref<10112x128xf32, #tpu.memory_space<vmem_shared>>
          tpu.enqueue_indirect_dma source(%arg12 : memref<128x128xf32, #tpu.memory_space<vmem>>) target(%dma_start3A_68 : memref<10112x128xf32, #tpu.memory_space<vmem_shared>>) offsets(%dma_start3A_65 : memref<128xi32, #tpu.memory_space<vmem>>) semaphore(%run_scoped3A_62 : memref<!tpu.dma_semaphore, #tpu.memory_space<semaphore_mem>>) {add = true}
          %dma_wait3A_69 = arith.constant 0 : i32
          %dma_wait3A_70 = tpu.memref_slice %arg10[%run_scoped3A_61, %dma_wait3A_69] : memref<32x128xi32, #tpu.memory_space<vmem>> -> memref<1x128xi32, #tpu.memory_space<vmem>>
          %dma_wait3A_71 = tpu.memref_squeeze %dma_wait3A_70 : memref<1x128xi32, #tpu.memory_space<vmem>> -> memref<128xi32, #tpu.memory_space<vmem>>
          %dma_wait3A_72 = arith.constant 0 : i32
          %dma_wait3A_73 = arith.constant 0 : i32
          %dma_wait3A_74 = tpu.memref_slice %arg13[%dma_wait3A_72, %dma_wait3A_73] : memref<10112x128xf32, #tpu.memory_space<vmem_shared>> -> memref<10112x128xf32, #tpu.memory_space<vmem_shared>>
          tpu.wait_indirect_dma semaphore(%run_scoped3A_62 : memref<!tpu.dma_semaphore, #tpu.memory_space<semaphore_mem>>) src(%arg12 : memref<128x128xf32, #tpu.memory_space<vmem>>) dst(%dma_wait3A_74 : memref<10112x128xf32, #tpu.memory_space<vmem_shared>>)
          tpu.yield
        }) : () -> ()
      }
      %scan3A_23 = arith.constant 5 : i32
    } else {
    }
    %barrier3A_8 = arith.constant 0 : index
    tpu.barrier barrier_id(%barrier3A_8)
    %eq3A_9 = arith.constant 0 : i32
    %eq3A_10 = arith.cmpi eq, %arg0, %eq3A_9 : i32
    %convert_element_type3A_11 = arith.extui %eq3A_10 : i1 to i32
    %cond3A_12 = arith.constant 0 : i32
    %cond3A_13 = arith.cmpi ne, %convert_element_type3A_11, %cond3A_12 : i32
    scf.if %cond3A_13 {
      "tpu.region"() ({
        %run_scoped3A = tpu.sem_alloc : memref<!tpu.dma_semaphore, #tpu.memory_space<semaphore_mem>>
        %dma_start3A = arith.constant 0 : i32
        %dma_start3A_19 = tpu.memref_slice %arg7[%mul3A_0, %dma_start3A] : memref<10112x128xf32, #tpu.memory_space<hbm>> -> memref<632x128xf32, #tpu.memory_space<hbm>>
        %dma_start3A_20 = arith.constant 0 : i32
        %dma_start3A_21 = tpu.memref_slice %arg13[%mul3A_0, %dma_start3A_20] : memref<10112x128xf32, #tpu.memory_space<vmem_shared>> -> memref<632x128xf32, #tpu.memory_space<vmem_shared>>
        tpu.enqueue_dma source(%dma_start3A_21 : memref<632x128xf32, #tpu.memory_space<vmem_shared>>) target(%dma_start3A_19 : memref<632x128xf32, #tpu.memory_space<hbm>>) target_semaphore(%run_scoped3A : memref<!tpu.dma_semaphore, #tpu.memory_space<semaphore_mem>>)
        %dma_wait3A = arith.constant 0 : i32
        %dma_wait3A_22 = tpu.memref_slice %arg7[%mul3A_0, %dma_wait3A] : memref<10112x128xf32, #tpu.memory_space<hbm>> -> memref<632x128xf32, #tpu.memory_space<hbm>>
        %dma_wait3A_23 = arith.constant 0 : i32
        %dma_wait3A_24 = tpu.memref_slice %arg13[%mul3A_0, %dma_wait3A_23] : memref<10112x128xf32, #tpu.memory_space<vmem_shared>> -> memref<632x128xf32, #tpu.memory_space<vmem_shared>>
        tpu.wait_dma2 semaphore(%run_scoped3A : memref<!tpu.dma_semaphore, #tpu.memory_space<semaphore_mem>>) src(%dma_wait3A_24 : memref<632x128xf32, #tpu.memory_space<vmem_shared>>) dst(%dma_wait3A_22 : memref<632x128xf32, #tpu.memory_space<hbm>>)
        tpu.yield
      }) : () -> ()
    } else {
    }
    %eq3A_14 = arith.constant 1 : i32
    %eq3A_15 = arith.cmpi eq, %arg0, %eq3A_14 : i32
    %convert_element_type3A_16 = arith.extui %eq3A_15 : i1 to i32
    %cond3A_17 = arith.constant 0 : i32
    %cond3A_18 = arith.cmpi ne, %convert_element_type3A_16, %cond3A_17 : i32
    scf.if %cond3A_18 {
      "tpu.region"() ({
        %run_scoped3A = tpu.sem_alloc : memref<!tpu.dma_semaphore, #tpu.memory_space<semaphore_mem>>
        %dma_start3A = arith.constant 0 : i32
        %dma_start3A_19 = tpu.memref_slice %arg8[%mul3A_0, %dma_start3A] : memref<10112x128xf32, #tpu.memory_space<hbm>> -> memref<632x128xf32, #tpu.memory_space<hbm>>
        %dma_start3A_20 = arith.constant 0 : i32
        %dma_start3A_21 = tpu.memref_slice %arg13[%mul3A_0, %dma_start3A_20] : memref<10112x128xf32, #tpu.memory_space<vmem_shared>> -> memref<632x128xf32, #tpu.memory_space<vmem_shared>>
        tpu.enqueue_dma source(%dma_start3A_21 : memref<632x128xf32, #tpu.memory_space<vmem_shared>>) target(%dma_start3A_19 : memref<632x128xf32, #tpu.memory_space<hbm>>) target_semaphore(%run_scoped3A : memref<!tpu.dma_semaphore, #tpu.memory_space<semaphore_mem>>)
        %dma_wait3A = arith.constant 0 : i32
        %dma_wait3A_22 = tpu.memref_slice %arg8[%mul3A_0, %dma_wait3A] : memref<10112x128xf32, #tpu.memory_space<hbm>> -> memref<632x128xf32, #tpu.memory_space<hbm>>
        %dma_wait3A_23 = arith.constant 0 : i32
        %dma_wait3A_24 = tpu.memref_slice %arg13[%mul3A_0, %dma_wait3A_23] : memref<10112x128xf32, #tpu.memory_space<vmem_shared>> -> memref<632x128xf32, #tpu.memory_space<vmem_shared>>
        tpu.wait_dma2 semaphore(%run_scoped3A : memref<!tpu.dma_semaphore, #tpu.memory_space<semaphore_mem>>) src(%dma_wait3A_24 : memref<632x128xf32, #tpu.memory_space<vmem_shared>>) dst(%dma_wait3A_22 : memref<632x128xf32, #tpu.memory_space<hbm>>)
        tpu.yield
      }) : () -> ()
    } else {
    }
    return
  }
}

module attributes {stable_mosaic.version = 14 : i64} {
  func.func @_mm_in_body(%arg0: i32, %arg1: memref<1000x128xf32, #tpu.memory_space<vmem>>, %arg2: memref<128x256xf32, #tpu.memory_space<vmem>>, %arg3: memref<1x256xf32, #tpu.memory_space<vmem>>, %arg4: memref<1000x256xf32, #tpu.memory_space<vmem>>, %arg5: memref<1000x128xf32, #tpu.memory_space<vmem>>, %arg6: memref<1000x128xf32, #tpu.memory_space<vmem>>) attributes {dimension_semantics = [#tpu.dimension_semantics<arbitrary>], iteration_bounds = array<i64: 10>, scalar_prefetch = 0 : i64, scratch_operands = 0 : i64, tpu.core_type = #tpu.core_type<tc>, window_params = [{transform_indices = @transform_0, window_bounds = array<i64: 1000, 128>}, {pipeline_mode = #tpu.pipeline_mode<synchronous>, transform_indices = @transform_1, window_bounds = array<i64: 128, 256>}, {pipeline_mode = #tpu.pipeline_mode<synchronous>, transform_indices = @transform_2, window_bounds = array<i64: 1, 256>}, {transform_indices = @transform_3, window_bounds = array<i64: 1000, 256>}, {transform_indices = @transform_4, window_bounds = array<i64: 1000, 128>}, {transform_indices = @transform_5, window_bounds = array<i64: 1000, 128>}]} {
    %get3A = arith.constant 0 : index
    %get3A_0 = arith.constant 0 : index
    %get3A_1 = vector.load %arg1[%get3A, %get3A_0] : memref<1000x128xf32, #tpu.memory_space<vmem>>, vector<1000x128xf32>
    %get3A_2 = arith.constant 0 : index
    %get3A_3 = arith.constant 0 : index
    %get3A_4 = vector.load %arg2[%get3A_2, %get3A_3] : memref<128x256xf32, #tpu.memory_space<vmem>>, vector<128x256xf32>
    %dot_general3A = arith.constant dense<0.000000e+00> : vector<1000x256xf32>
    %dot_general3A_5 = tpu.matmul %get3A_1, %get3A_4, %dot_general3A {dimension_numbers = #tpu.dot_dimension_numbers<[1], [0], [0], [1], [0, 0, 1, 1], [], []>, transpose_lhs_hint = false} : vector<1000x128xf32>, vector<128x256xf32>, vector<1000x256xf32> -> vector<1000x256xf32>
    %get3A_6 = arith.constant 0 : index
    %get3A_7 = arith.constant 0 : index
    %get3A_8 = vector.load %arg3[%get3A_6, %get3A_7] : memref<1x256xf32, #tpu.memory_space<vmem>>, vector<1x256xf32>
    %add3A = vector.broadcast %get3A_8 : vector<1x256xf32> to vector<1000x256xf32>
    %add3A_9 = arith.addf %dot_general3A_5, %add3A : vector<1000x256xf32>
    %swap3A = arith.constant 0 : index
    %swap3A_10 = arith.constant 0 : index
    %swap3A_11 = vector.load %arg4[%swap3A, %swap3A_10] : memref<1000x256xf32, #tpu.memory_space<vmem>>, vector<1000x256xf32>
    tpu.vector_store %arg4[%swap3A, %swap3A_10], %add3A_9 {strides = array<i32>} : memref<1000x256xf32, #tpu.memory_space<vmem>>, vector<1000x256xf32>,
    %max3A = arith.constant 0.000000e+00 : f32
    %max3A_12 = vector.broadcast %max3A : f32 to vector<1000x256xf32>
    %max3A_13 = arith.maximumf %add3A_9, %max3A_12 : vector<1000x256xf32>
    %slice3A = vector.extract_strided_slice %max3A_13 {offsets = [0, 0], sizes = [1000, 128], strides = [1, 1]} : vector<1000x256xf32> to vector<1000x128xf32>
    %swap3A_14 = arith.constant 0 : index
    %swap3A_15 = arith.constant 0 : index
    %swap3A_16 = vector.load %arg5[%swap3A_14, %swap3A_15] : memref<1000x128xf32, #tpu.memory_space<vmem>>, vector<1000x128xf32>
    tpu.vector_store %arg5[%swap3A_14, %swap3A_15], %slice3A {strides = array<i32>} : memref<1000x128xf32, #tpu.memory_space<vmem>>, vector<1000x128xf32>,
    %slice3A_17 = vector.extract_strided_slice %max3A_13 {offsets = [0, 128], sizes = [1000, 128], strides = [1, 1]} : vector<1000x256xf32> to vector<1000x128xf32>
    %swap3A_18 = arith.constant 0 : index
    %swap3A_19 = arith.constant 0 : index
    %swap3A_20 = vector.load %arg6[%swap3A_18, %swap3A_19] : memref<1000x128xf32, #tpu.memory_space<vmem>>, vector<1000x128xf32>
    tpu.vector_store %arg6[%swap3A_18, %swap3A_19], %slice3A_17 {strides = array<i32>} : memref<1000x128xf32, #tpu.memory_space<vmem>>, vector<1000x128xf32>,
    return
  }
  func.func @transform_0(%arg0: i32) -> (i32, i32) {
    %c0_i32 = arith.constant 0 : i32
    %c0_i32_0 = arith.constant 0 : i32
    return %arg0, %c0_i32 : i32, i32
  }
  func.func @transform_1(%arg0: i32) -> (i32, i32) {
    %c0_i32 = arith.constant 0 : i32
    %c0_i32_0 = arith.constant 0 : i32
    %c0_i32_1 = arith.constant 0 : i32
    return %c0_i32, %c0_i32_0 : i32, i32
  }
  func.func @transform_2(%arg0: i32) -> (i32, i32) {
    %c0_i32 = arith.constant 0 : i32
    %c0_i32_0 = arith.constant 0 : i32
    %c0_i32_1 = arith.constant 0 : i32
    return %c0_i32, %c0_i32_0 : i32, i32
  }
  func.func @transform_3(%arg0: i32) -> (i32, i32) {
    %c0_i32 = arith.constant 0 : i32
    %c0_i32_0 = arith.constant 0 : i32
    return %arg0, %c0_i32 : i32, i32
  }
  func.func @transform_4(%arg0: i32) -> (i32, i32) {
    %c0_i32 = arith.constant 0 : i32
    %c0_i32_0 = arith.constant 0 : i32
    return %arg0, %c0_i32 : i32, i32
  }
  func.func @transform_5(%arg0: i32) -> (i32, i32) {
    %c0_i32 = arith.constant 0 : i32
    %c0_i32_0 = arith.constant 0 : i32
    return %arg0, %c0_i32 : i32, i32
  }
}

module attributes {stable_mosaic.version = 14 : i64} {
  func.func @_layer_a_body(%arg0: i32, %arg1: memref<1000x256xf32, #tpu.memory_space<vmem>>, %arg2: memref<1000x128xf32, #tpu.memory_space<vmem>>, %arg3: memref<1000x128xf32, #tpu.memory_space<vmem>>, %arg4: memref<1x1xf32, #tpu.memory_space<vmem>>, %arg5: memref<256x512xf32, #tpu.memory_space<vmem>>, %arg6: memref<1x512xf32, #tpu.memory_space<vmem>>, %arg7: memref<1000x512xf32, #tpu.memory_space<vmem>>, %arg8: memref<2x512xf32, #tpu.memory_space<vmem>>) attributes {dimension_semantics = [#tpu.dimension_semantics<arbitrary>], iteration_bounds = array<i64: 10>, scalar_prefetch = 0 : i64, scratch_operands = 0 : i64, tpu.core_type = #tpu.core_type<tc>, window_params = [{transform_indices = @transform_0, window_bounds = array<i64: 1000, 256>}, {transform_indices = @transform_1, window_bounds = array<i64: 1000, 128>}, {transform_indices = @transform_2, window_bounds = array<i64: 1000, 128>}, {pipeline_mode = #tpu.pipeline_mode<synchronous>, transform_indices = @transform_3, window_bounds = array<i64: 1, 1>}, {pipeline_mode = #tpu.pipeline_mode<synchronous>, transform_indices = @transform_4, window_bounds = array<i64: 256, 512>}, {pipeline_mode = #tpu.pipeline_mode<synchronous>, transform_indices = @transform_5, window_bounds = array<i64: 1, 512>}, {transform_indices = @transform_6, window_bounds = array<i64: 1000, 512>}, {pipeline_mode = #tpu.pipeline_mode<synchronous>, transform_indices = @transform_7, window_bounds = array<i64: 2, 512>}]} {
    %get3A = arith.constant 0 : index
    %get3A_0 = arith.constant 0 : index
    %get3A_1 = vector.load %arg2[%get3A, %get3A_0] : memref<1000x128xf32, #tpu.memory_space<vmem>>, vector<1000x128xf32>
    %get3A_2 = arith.constant 0 : index
    %get3A_3 = arith.constant 0 : index
    %get3A_4 = vector.load %arg3[%get3A_2, %get3A_3] : memref<1000x128xf32, #tpu.memory_space<vmem>>, vector<1000x128xf32>
    %concatenate3A = tpu.concatenate %get3A_1, %get3A_4 in 1 : vector<1000x128xf32>, vector<1000x128xf32> -> vector<1000x256xf32>
    %get3A_5 = arith.constant 0 : index
    %get3A_6 = arith.constant 0 : index
    %get3A_7 = vector.load %arg1[%get3A_5, %get3A_6] : memref<1000x256xf32, #tpu.memory_space<vmem>>, vector<1000x256xf32>
    %get3A_8 = arith.constant 0 : index
    %get3A_9 = arith.constant 0 : index
    %get3A_10 = vector.load %arg4[%get3A_8, %get3A_9] : memref<1x1xf32, #tpu.memory_space<vmem>>, vector<1x1xf32>
    %get3A_11 = vector.extract %get3A_10[0, 0] : f32 from vector<1x1xf32>
    %mul3A = vector.broadcast %get3A_11 : f32 to vector<1000x256xf32>
    %mul3A_12 = arith.mulf %get3A_7, %mul3A : vector<1000x256xf32>
    %add3A = arith.addf %mul3A_12, %concatenate3A : vector<1000x256xf32>
    %get3A_13 = arith.constant 0 : index
    %get3A_14 = arith.constant 0 : index
    %get3A_15 = vector.load %arg5[%get3A_13, %get3A_14] : memref<256x512xf32, #tpu.memory_space<vmem>>, vector<256x512xf32>
    %dot_general3A = arith.constant dense<0.000000e+00> : vector<1000x512xf32>
    %dot_general3A_16 = tpu.matmul %add3A, %get3A_15, %dot_general3A {dimension_numbers = #tpu.dot_dimension_numbers<[1], [0], [0], [1], [0, 0, 1, 1], [], []>, transpose_lhs_hint = false} : vector<1000x256xf32>, vector<256x512xf32>, vector<1000x512xf32> -> vector<1000x512xf32>
    %get3A_17 = arith.constant 0 : index
    %get3A_18 = arith.constant 0 : index
    %get3A_19 = vector.load %arg6[%get3A_17, %get3A_18] : memref<1x512xf32, #tpu.memory_space<vmem>>, vector<1x512xf32>
    %add3A_20 = vector.broadcast %get3A_19 : vector<1x512xf32> to vector<1000x512xf32>
    %add3A_21 = arith.addf %dot_general3A_16, %add3A_20 : vector<1000x512xf32>
    %swap3A = arith.constant 0 : index
    %swap3A_22 = arith.constant 0 : index
    %swap3A_23 = vector.load %arg7[%swap3A, %swap3A_22] : memref<1000x512xf32, #tpu.memory_space<vmem>>, vector<1000x512xf32>
    tpu.vector_store %arg7[%swap3A, %swap3A_22], %add3A_21 {strides = array<i32>} : memref<1000x512xf32, #tpu.memory_space<vmem>>, vector<1000x512xf32>,
    %reduce_sum3A = arith.constant dense<0.000000e+00> : vector<512xf32>
    %reduce_sum3A_24 = vector.multi_reduction <add>, %add3A_21, %reduce_sum3A [0] : vector<1000x512xf32> to vector<512xf32>
    %broadcast_in_dim3A = vector.shape_cast %reduce_sum3A_24 : vector<512xf32> to vector<1x512xf32>
    %mul3A_25 = arith.mulf %add3A_21, %add3A_21 : vector<1000x512xf32>
    %reduce_sum3A_26 = arith.constant dense<0.000000e+00> : vector<512xf32>
    %reduce_sum3A_27 = vector.multi_reduction <add>, %mul3A_25, %reduce_sum3A_26 [0] : vector<1000x512xf32> to vector<512xf32>
    %broadcast_in_dim3A_28 = vector.shape_cast %reduce_sum3A_27 : vector<512xf32> to vector<1x512xf32>
    %concatenate3A_29 = tpu.concatenate %broadcast_in_dim3A, %broadcast_in_dim3A_28 in 0 : vector<1x512xf32>, vector<1x512xf32> -> vector<2x512xf32>
    %eq3A = arith.constant 0 : i32
    %eq3A_30 = arith.cmpi eq, %arg0, %eq3A : i32
    %convert_element_type3A = arith.extui %eq3A_30 : i1 to i32
    %cond3A = arith.constant 0 : i32
    %cond3A_31 = arith.cmpi ne, %convert_element_type3A, %cond3A : i32
    scf.if %cond3A_31 {
      %swap3A_36 = arith.constant 0 : index
      %swap3A_37 = arith.constant 0 : index
      %swap3A_38 = vector.load %arg8[%swap3A_36, %swap3A_37] : memref<2x512xf32, #tpu.memory_space<vmem>>, vector<2x512xf32>
      tpu.vector_store %arg8[%swap3A_36, %swap3A_37], %concatenate3A_29 {strides = array<i32>} : memref<2x512xf32, #tpu.memory_space<vmem>>, vector<2x512xf32>,
    } else {
    }
    %ne3A = arith.constant 0 : i32
    %ne3A_32 = arith.cmpi ne, %arg0, %ne3A : i32
    %convert_element_type3A_33 = arith.extui %ne3A_32 : i1 to i32
    %cond3A_34 = arith.constant 0 : i32
    %cond3A_35 = arith.cmpi ne, %convert_element_type3A_33, %cond3A_34 : i32
    scf.if %cond3A_35 {
      %get3A_36 = arith.constant 0 : index
      %get3A_37 = arith.constant 0 : index
      %get3A_38 = vector.load %arg8[%get3A_36, %get3A_37] : memref<2x512xf32, #tpu.memory_space<vmem>>, vector<2x512xf32>
      %add3A_39 = arith.addf %get3A_38, %concatenate3A_29 : vector<2x512xf32>
      %swap3A_40 = arith.constant 0 : index
      %swap3A_41 = arith.constant 0 : index
      %swap3A_42 = vector.load %arg8[%swap3A_40, %swap3A_41] : memref<2x512xf32, #tpu.memory_space<vmem>>, vector<2x512xf32>
      tpu.vector_store %arg8[%swap3A_40, %swap3A_41], %add3A_39 {strides = array<i32>} : memref<2x512xf32, #tpu.memory_space<vmem>>, vector<2x512xf32>,
    } else {
    }
    return
  }
  func.func @transform_0(%arg0: i32) -> (i32, i32) {
    %c0_i32 = arith.constant 0 : i32
    %c0_i32_0 = arith.constant 0 : i32
    return %arg0, %c0_i32 : i32, i32
  }
  func.func @transform_1(%arg0: i32) -> (i32, i32) {
    %c0_i32 = arith.constant 0 : i32
    %c0_i32_0 = arith.constant 0 : i32
    return %arg0, %c0_i32 : i32, i32
  }
  func.func @transform_2(%arg0: i32) -> (i32, i32) {
    %c0_i32 = arith.constant 0 : i32
    %c0_i32_0 = arith.constant 0 : i32
    return %arg0, %c0_i32 : i32, i32
  }
  func.func @transform_3(%arg0: i32) -> (i32, i32) {
    %c0_i32 = arith.constant 0 : i32
    %c0_i32_0 = arith.constant 0 : i32
    %c0_i32_1 = arith.constant 0 : i32
    return %c0_i32, %c0_i32_0 : i32, i32
  }
  func.func @transform_4(%arg0: i32) -> (i32, i32) {
    %c0_i32 = arith.constant 0 : i32
    %c0_i32_0 = arith.constant 0 : i32
    %c0_i32_1 = arith.constant 0 : i32
    return %c0_i32, %c0_i32_0 : i32, i32
  }
  func.func @transform_5(%arg0: i32) -> (i32, i32) {
    %c0_i32 = arith.constant 0 : i32
    %c0_i32_0 = arith.constant 0 : i32
    %c0_i32_1 = arith.constant 0 : i32
    return %c0_i32, %c0_i32_0 : i32, i32
  }
  func.func @transform_6(%arg0: i32) -> (i32, i32) {
    %c0_i32 = arith.constant 0 : i32
    %c0_i32_0 = arith.constant 0 : i32
    return %arg0, %c0_i32 : i32, i32
  }
  func.func @transform_7(%arg0: i32) -> (i32, i32) {
    %c0_i32 = arith.constant 0 : i32
    %c0_i32_0 = arith.constant 0 : i32
    %c0_i32_1 = arith.constant 0 : i32
    return %c0_i32, %c0_i32_0 : i32, i32
  }
}

module attributes {stable_mosaic.version = 14 : i64} {
  func.func @_layer_b_body(%arg0: i32, %arg1: memref<1000x512xf32, #tpu.memory_space<vmem>>, %arg2: memref<1x512xf32, #tpu.memory_space<vmem>>, %arg3: memref<1x512xf32, #tpu.memory_space<vmem>>, %arg4: memref<512x256xf32, #tpu.memory_space<vmem>>, %arg5: memref<1x256xf32, #tpu.memory_space<vmem>>, %arg6: memref<1000x256xf32, #tpu.memory_space<vmem>>, %arg7: memref<2x256xf32, #tpu.memory_space<vmem>>) attributes {dimension_semantics = [#tpu.dimension_semantics<arbitrary>], iteration_bounds = array<i64: 10>, scalar_prefetch = 0 : i64, scratch_operands = 0 : i64, tpu.core_type = #tpu.core_type<tc>, window_params = [{transform_indices = @transform_0, window_bounds = array<i64: 1000, 512>}, {pipeline_mode = #tpu.pipeline_mode<synchronous>, transform_indices = @transform_1, window_bounds = array<i64: 1, 512>}, {pipeline_mode = #tpu.pipeline_mode<synchronous>, transform_indices = @transform_2, window_bounds = array<i64: 1, 512>}, {pipeline_mode = #tpu.pipeline_mode<synchronous>, transform_indices = @transform_3, window_bounds = array<i64: 512, 256>}, {pipeline_mode = #tpu.pipeline_mode<synchronous>, transform_indices = @transform_4, window_bounds = array<i64: 1, 256>}, {transform_indices = @transform_5, window_bounds = array<i64: 1000, 256>}, {pipeline_mode = #tpu.pipeline_mode<synchronous>, transform_indices = @transform_6, window_bounds = array<i64: 2, 256>}]} {
    %get3A = arith.constant 0 : index
    %get3A_0 = arith.constant 0 : index
    %get3A_1 = vector.load %arg1[%get3A, %get3A_0] : memref<1000x512xf32, #tpu.memory_space<vmem>>, vector<1000x512xf32>
    %get3A_2 = arith.constant 0 : index
    %get3A_3 = arith.constant 0 : index
    %get3A_4 = vector.load %arg2[%get3A_2, %get3A_3] : memref<1x512xf32, #tpu.memory_space<vmem>>, vector<1x512xf32>
    %mul3A = vector.broadcast %get3A_4 : vector<1x512xf32> to vector<1000x512xf32>
    %mul3A_5 = arith.mulf %get3A_1, %mul3A : vector<1000x512xf32>
    %get3A_6 = arith.constant 0 : index
    %get3A_7 = arith.constant 0 : index
    %get3A_8 = vector.load %arg3[%get3A_6, %get3A_7] : memref<1x512xf32, #tpu.memory_space<vmem>>, vector<1x512xf32>
    %add3A = vector.broadcast %get3A_8 : vector<1x512xf32> to vector<1000x512xf32>
    %add3A_9 = arith.addf %mul3A_5, %add3A : vector<1000x512xf32>
    %max3A = arith.constant 0.000000e+00 : f32
    %max3A_10 = vector.broadcast %max3A : f32 to vector<1000x512xf32>
    %max3A_11 = arith.maximumf %add3A_9, %max3A_10 : vector<1000x512xf32>
    %get3A_12 = arith.constant 0 : index
    %get3A_13 = arith.constant 0 : index
    %get3A_14 = vector.load %arg4[%get3A_12, %get3A_13] : memref<512x256xf32, #tpu.memory_space<vmem>>, vector<512x256xf32>
    %dot_general3A = arith.constant dense<0.000000e+00> : vector<1000x256xf32>
    %dot_general3A_15 = tpu.matmul %max3A_11, %get3A_14, %dot_general3A {dimension_numbers = #tpu.dot_dimension_numbers<[1], [0], [0], [1], [0, 0, 1, 1], [], []>, transpose_lhs_hint = false} : vector<1000x512xf32>, vector<512x256xf32>, vector<1000x256xf32> -> vector<1000x256xf32>
    %get3A_16 = arith.constant 0 : index
    %get3A_17 = arith.constant 0 : index
    %get3A_18 = vector.load %arg5[%get3A_16, %get3A_17] : memref<1x256xf32, #tpu.memory_space<vmem>>, vector<1x256xf32>
    %add3A_19 = vector.broadcast %get3A_18 : vector<1x256xf32> to vector<1000x256xf32>
    %add3A_20 = arith.addf %dot_general3A_15, %add3A_19 : vector<1000x256xf32>
    %swap3A = arith.constant 0 : index
    %swap3A_21 = arith.constant 0 : index
    %swap3A_22 = vector.load %arg6[%swap3A, %swap3A_21] : memref<1000x256xf32, #tpu.memory_space<vmem>>, vector<1000x256xf32>
    tpu.vector_store %arg6[%swap3A, %swap3A_21], %add3A_20 {strides = array<i32>} : memref<1000x256xf32, #tpu.memory_space<vmem>>, vector<1000x256xf32>,
    %reduce_sum3A = arith.constant dense<0.000000e+00> : vector<256xf32>
    %reduce_sum3A_23 = vector.multi_reduction <add>, %add3A_20, %reduce_sum3A [0] : vector<1000x256xf32> to vector<256xf32>
    %broadcast_in_dim3A = vector.shape_cast %reduce_sum3A_23 : vector<256xf32> to vector<1x256xf32>
    %mul3A_24 = arith.mulf %add3A_20, %add3A_20 : vector<1000x256xf32>
    %reduce_sum3A_25 = arith.constant dense<0.000000e+00> : vector<256xf32>
    %reduce_sum3A_26 = vector.multi_reduction <add>, %mul3A_24, %reduce_sum3A_25 [0] : vector<1000x256xf32> to vector<256xf32>
    %broadcast_in_dim3A_27 = vector.shape_cast %reduce_sum3A_26 : vector<256xf32> to vector<1x256xf32>
    %concatenate3A = tpu.concatenate %broadcast_in_dim3A, %broadcast_in_dim3A_27 in 0 : vector<1x256xf32>, vector<1x256xf32> -> vector<2x256xf32>
    %eq3A = arith.constant 0 : i32
    %eq3A_28 = arith.cmpi eq, %arg0, %eq3A : i32
    %convert_element_type3A = arith.extui %eq3A_28 : i1 to i32
    %cond3A = arith.constant 0 : i32
    %cond3A_29 = arith.cmpi ne, %convert_element_type3A, %cond3A : i32
    scf.if %cond3A_29 {
      %swap3A_34 = arith.constant 0 : index
      %swap3A_35 = arith.constant 0 : index
      %swap3A_36 = vector.load %arg7[%swap3A_34, %swap3A_35] : memref<2x256xf32, #tpu.memory_space<vmem>>, vector<2x256xf32>
      tpu.vector_store %arg7[%swap3A_34, %swap3A_35], %concatenate3A {strides = array<i32>} : memref<2x256xf32, #tpu.memory_space<vmem>>, vector<2x256xf32>,
    } else {
    }
    %ne3A = arith.constant 0 : i32
    %ne3A_30 = arith.cmpi ne, %arg0, %ne3A : i32
    %convert_element_type3A_31 = arith.extui %ne3A_30 : i1 to i32
    %cond3A_32 = arith.constant 0 : i32
    %cond3A_33 = arith.cmpi ne, %convert_element_type3A_31, %cond3A_32 : i32
    scf.if %cond3A_33 {
      %get3A_34 = arith.constant 0 : index
      %get3A_35 = arith.constant 0 : index
      %get3A_36 = vector.load %arg7[%get3A_34, %get3A_35] : memref<2x256xf32, #tpu.memory_space<vmem>>, vector<2x256xf32>
      %add3A_37 = arith.addf %get3A_36, %concatenate3A : vector<2x256xf32>
      %swap3A_38 = arith.constant 0 : index
      %swap3A_39 = arith.constant 0 : index
      %swap3A_40 = vector.load %arg7[%swap3A_38, %swap3A_39] : memref<2x256xf32, #tpu.memory_space<vmem>>, vector<2x256xf32>
      tpu.vector_store %arg7[%swap3A_38, %swap3A_39], %add3A_37 {strides = array<i32>} : memref<2x256xf32, #tpu.memory_space<vmem>>, vector<2x256xf32>,
    } else {
    }
    return
  }
  func.func @transform_0(%arg0: i32) -> (i32, i32) {
    %c0_i32 = arith.constant 0 : i32
    %c0_i32_0 = arith.constant 0 : i32
    return %arg0, %c0_i32 : i32, i32
  }
  func.func @transform_1(%arg0: i32) -> (i32, i32) {
    %c0_i32 = arith.constant 0 : i32
    %c0_i32_0 = arith.constant 0 : i32
    %c0_i32_1 = arith.constant 0 : i32
    return %c0_i32, %c0_i32_0 : i32, i32
  }
  func.func @transform_2(%arg0: i32) -> (i32, i32) {
    %c0_i32 = arith.constant 0 : i32
    %c0_i32_0 = arith.constant 0 : i32
    %c0_i32_1 = arith.constant 0 : i32
    return %c0_i32, %c0_i32_0 : i32, i32
  }
  func.func @transform_3(%arg0: i32) -> (i32, i32) {
    %c0_i32 = arith.constant 0 : i32
    %c0_i32_0 = arith.constant 0 : i32
    %c0_i32_1 = arith.constant 0 : i32
    return %c0_i32, %c0_i32_0 : i32, i32
  }
  func.func @transform_4(%arg0: i32) -> (i32, i32) {
    %c0_i32 = arith.constant 0 : i32
    %c0_i32_0 = arith.constant 0 : i32
    %c0_i32_1 = arith.constant 0 : i32
    return %c0_i32, %c0_i32_0 : i32, i32
  }
  func.func @transform_5(%arg0: i32) -> (i32, i32) {
    %c0_i32 = arith.constant 0 : i32
    %c0_i32_0 = arith.constant 0 : i32
    return %arg0, %c0_i32 : i32, i32
  }
  func.func @transform_6(%arg0: i32) -> (i32, i32) {
    %c0_i32 = arith.constant 0 : i32
    %c0_i32_0 = arith.constant 0 : i32
    %c0_i32_1 = arith.constant 0 : i32
    return %c0_i32, %c0_i32_0 : i32, i32
  }
}

module attributes {stable_mosaic.version = 14 : i64} {
  func.func @_layer_c_body(%arg0: i32, %arg1: memref<1000x256xf32, #tpu.memory_space<vmem>>, %arg2: memref<1x256xf32, #tpu.memory_space<vmem>>, %arg3: memref<1x256xf32, #tpu.memory_space<vmem>>, %arg4: memref<1000x256xf32, #tpu.memory_space<vmem>>, %arg5: memref<1000x128xf32, #tpu.memory_space<vmem>>, %arg6: memref<1000x128xf32, #tpu.memory_space<vmem>>) attributes {dimension_semantics = [#tpu.dimension_semantics<arbitrary>], iteration_bounds = array<i64: 10>, scalar_prefetch = 0 : i64, scratch_operands = 0 : i64, tpu.core_type = #tpu.core_type<tc>, window_params = [{transform_indices = @transform_0, window_bounds = array<i64: 1000, 256>}, {pipeline_mode = #tpu.pipeline_mode<synchronous>, transform_indices = @transform_1, window_bounds = array<i64: 1, 256>}, {pipeline_mode = #tpu.pipeline_mode<synchronous>, transform_indices = @transform_2, window_bounds = array<i64: 1, 256>}, {transform_indices = @transform_3, window_bounds = array<i64: 1000, 256>}, {transform_indices = @transform_4, window_bounds = array<i64: 1000, 128>}, {transform_indices = @transform_5, window_bounds = array<i64: 1000, 128>}]} {
    %get3A = arith.constant 0 : index
    %get3A_0 = arith.constant 0 : index
    %get3A_1 = vector.load %arg1[%get3A, %get3A_0] : memref<1000x256xf32, #tpu.memory_space<vmem>>, vector<1000x256xf32>
    %get3A_2 = arith.constant 0 : index
    %get3A_3 = arith.constant 0 : index
    %get3A_4 = vector.load %arg2[%get3A_2, %get3A_3] : memref<1x256xf32, #tpu.memory_space<vmem>>, vector<1x256xf32>
    %mul3A = vector.broadcast %get3A_4 : vector<1x256xf32> to vector<1000x256xf32>
    %mul3A_5 = arith.mulf %get3A_1, %mul3A : vector<1000x256xf32>
    %get3A_6 = arith.constant 0 : index
    %get3A_7 = arith.constant 0 : index
    %get3A_8 = vector.load %arg3[%get3A_6, %get3A_7] : memref<1x256xf32, #tpu.memory_space<vmem>>, vector<1x256xf32>
    %add3A = vector.broadcast %get3A_8 : vector<1x256xf32> to vector<1000x256xf32>
    %add3A_9 = arith.addf %mul3A_5, %add3A : vector<1000x256xf32>
    %gt3A = arith.constant 0.000000e+00 : f32
    %gt3A_10 = vector.broadcast %gt3A : f32 to vector<1000x256xf32>
    %gt3A_11 = arith.cmpf ogt, %add3A_9, %gt3A_10 : vector<1000x256xf32>
    %min3A = arith.constant 0.000000e+00 : f32
    %min3A_12 = vector.broadcast %min3A : f32 to vector<1000x256xf32>
    %min3A_13 = arith.minimumf %add3A_9, %min3A_12 : vector<1000x256xf32>
    %exp3A = math.exp %min3A_13 : vector<1000x256xf32>
    %sub3A = arith.constant 1.000000e+00 : f32
    %sub3A_14 = vector.broadcast %sub3A : f32 to vector<1000x256xf32>
    %sub3A_15 = arith.subf %exp3A, %sub3A_14 : vector<1000x256xf32>
    %select_n3A = arith.select %gt3A_11, %add3A_9, %sub3A_15 : vector<1000x256xi1>, vector<1000x256xf32>
    %swap3A = arith.constant 0 : index
    %swap3A_16 = arith.constant 0 : index
    %swap3A_17 = vector.load %arg4[%swap3A, %swap3A_16] : memref<1000x256xf32, #tpu.memory_space<vmem>>, vector<1000x256xf32>
    tpu.vector_store %arg4[%swap3A, %swap3A_16], %select_n3A {strides = array<i32>} : memref<1000x256xf32, #tpu.memory_space<vmem>>, vector<1000x256xf32>,
    %max3A = arith.constant 0.000000e+00 : f32
    %max3A_18 = vector.broadcast %max3A : f32 to vector<1000x256xf32>
    %max3A_19 = arith.maximumf %select_n3A, %max3A_18 : vector<1000x256xf32>
    %slice3A = vector.extract_strided_slice %max3A_19 {offsets = [0, 0], sizes = [1000, 128], strides = [1, 1]} : vector<1000x256xf32> to vector<1000x128xf32>
    %swap3A_20 = arith.constant 0 : index
    %swap3A_21 = arith.constant 0 : index
    %swap3A_22 = vector.load %arg5[%swap3A_20, %swap3A_21] : memref<1000x128xf32, #tpu.memory_space<vmem>>, vector<1000x128xf32>
    tpu.vector_store %arg5[%swap3A_20, %swap3A_21], %slice3A {strides = array<i32>} : memref<1000x128xf32, #tpu.memory_space<vmem>>, vector<1000x128xf32>,
    %slice3A_23 = vector.extract_strided_slice %max3A_19 {offsets = [0, 128], sizes = [1000, 128], strides = [1, 1]} : vector<1000x256xf32> to vector<1000x128xf32>
    %swap3A_24 = arith.constant 0 : index
    %swap3A_25 = arith.constant 0 : index
    %swap3A_26 = vector.load %arg6[%swap3A_24, %swap3A_25] : memref<1000x128xf32, #tpu.memory_space<vmem>>, vector<1000x128xf32>
    tpu.vector_store %arg6[%swap3A_24, %swap3A_25], %slice3A_23 {strides = array<i32>} : memref<1000x128xf32, #tpu.memory_space<vmem>>, vector<1000x128xf32>,
    return
  }
  func.func @transform_0(%arg0: i32) -> (i32, i32) {
    %c0_i32 = arith.constant 0 : i32
    %c0_i32_0 = arith.constant 0 : i32
    return %arg0, %c0_i32 : i32, i32
  }
  func.func @transform_1(%arg0: i32) -> (i32, i32) {
    %c0_i32 = arith.constant 0 : i32
    %c0_i32_0 = arith.constant 0 : i32
    %c0_i32_1 = arith.constant 0 : i32
    return %c0_i32, %c0_i32_0 : i32, i32
  }
  func.func @transform_2(%arg0: i32) -> (i32, i32) {
    %c0_i32 = arith.constant 0 : i32
    %c0_i32_0 = arith.constant 0 : i32
    %c0_i32_1 = arith.constant 0 : i32
    return %c0_i32, %c0_i32_0 : i32, i32
  }
  func.func @transform_3(%arg0: i32) -> (i32, i32) {
    %c0_i32 = arith.constant 0 : i32
    %c0_i32_0 = arith.constant 0 : i32
    return %arg0, %c0_i32 : i32, i32
  }
  func.func @transform_4(%arg0: i32) -> (i32, i32) {
    %c0_i32 = arith.constant 0 : i32
    %c0_i32_0 = arith.constant 0 : i32
    return %arg0, %c0_i32 : i32, i32
  }
  func.func @transform_5(%arg0: i32) -> (i32, i32) {
    %c0_i32 = arith.constant 0 : i32
    %c0_i32_0 = arith.constant 0 : i32
    return %arg0, %c0_i32 : i32, i32
  }
}

module attributes {stable_mosaic.version = 14 : i64} {
  func.func @_layer_c_body(%arg0: i32, %arg1: memref<1000x256xf32, #tpu.memory_space<vmem>>, %arg2: memref<1x256xf32, #tpu.memory_space<vmem>>, %arg3: memref<1x256xf32, #tpu.memory_space<vmem>>, %arg4: memref<1000x256xf32, #tpu.memory_space<vmem>>, %arg5: memref<1000x128xf32, #tpu.memory_space<vmem>>, %arg6: memref<1000x128xf32, #tpu.memory_space<vmem>>) attributes {dimension_semantics = [#tpu.dimension_semantics<arbitrary>], iteration_bounds = array<i64: 10>, scalar_prefetch = 0 : i64, scratch_operands = 0 : i64, tpu.core_type = #tpu.core_type<tc>, window_params = [{transform_indices = @transform_0, window_bounds = array<i64: 1000, 256>}, {pipeline_mode = #tpu.pipeline_mode<synchronous>, transform_indices = @transform_1, window_bounds = array<i64: 1, 256>}, {pipeline_mode = #tpu.pipeline_mode<synchronous>, transform_indices = @transform_2, window_bounds = array<i64: 1, 256>}, {transform_indices = @transform_3, window_bounds = array<i64: 1000, 256>}, {transform_indices = @transform_4, window_bounds = array<i64: 1000, 128>}, {transform_indices = @transform_5, window_bounds = array<i64: 1000, 128>}]} {
    %get3A = arith.constant 0 : index
    %get3A_0 = arith.constant 0 : index
    %get3A_1 = vector.load %arg1[%get3A, %get3A_0] : memref<1000x256xf32, #tpu.memory_space<vmem>>, vector<1000x256xf32>
    %get3A_2 = arith.constant 0 : index
    %get3A_3 = arith.constant 0 : index
    %get3A_4 = vector.load %arg2[%get3A_2, %get3A_3] : memref<1x256xf32, #tpu.memory_space<vmem>>, vector<1x256xf32>
    %mul3A = vector.broadcast %get3A_4 : vector<1x256xf32> to vector<1000x256xf32>
    %mul3A_5 = arith.mulf %get3A_1, %mul3A : vector<1000x256xf32>
    %get3A_6 = arith.constant 0 : index
    %get3A_7 = arith.constant 0 : index
    %get3A_8 = vector.load %arg3[%get3A_6, %get3A_7] : memref<1x256xf32, #tpu.memory_space<vmem>>, vector<1x256xf32>
    %add3A = vector.broadcast %get3A_8 : vector<1x256xf32> to vector<1000x256xf32>
    %add3A_9 = arith.addf %mul3A_5, %add3A : vector<1000x256xf32>
    %gt3A = arith.constant 0.000000e+00 : f32
    %gt3A_10 = vector.broadcast %gt3A : f32 to vector<1000x256xf32>
    %gt3A_11 = arith.cmpf ogt, %add3A_9, %gt3A_10 : vector<1000x256xf32>
    %min3A = arith.constant 0.000000e+00 : f32
    %min3A_12 = vector.broadcast %min3A : f32 to vector<1000x256xf32>
    %min3A_13 = arith.minimumf %add3A_9, %min3A_12 : vector<1000x256xf32>
    %exp3A = math.exp %min3A_13 : vector<1000x256xf32>
    %sub3A = arith.constant 1.000000e+00 : f32
    %sub3A_14 = vector.broadcast %sub3A : f32 to vector<1000x256xf32>
    %sub3A_15 = arith.subf %exp3A, %sub3A_14 : vector<1000x256xf32>
    %select_n3A = arith.select %gt3A_11, %add3A_9, %sub3A_15 : vector<1000x256xi1>, vector<1000x256xf32>
    %swap3A = arith.constant 0 : index
    %swap3A_16 = arith.constant 0 : index
    %swap3A_17 = vector.load %arg4[%swap3A, %swap3A_16] : memref<1000x256xf32, #tpu.memory_space<vmem>>, vector<1000x256xf32>
    tpu.vector_store %arg4[%swap3A, %swap3A_16], %select_n3A {strides = array<i32>} : memref<1000x256xf32, #tpu.memory_space<vmem>>, vector<1000x256xf32>,
    %max3A = arith.constant 0.000000e+00 : f32
    %max3A_18 = vector.broadcast %max3A : f32 to vector<1000x256xf32>
    %max3A_19 = arith.maximumf %select_n3A, %max3A_18 : vector<1000x256xf32>
    %slice3A = vector.extract_strided_slice %max3A_19 {offsets = [0, 0], sizes = [1000, 128], strides = [1, 1]} : vector<1000x256xf32> to vector<1000x128xf32>
    %swap3A_20 = arith.constant 0 : index
    %swap3A_21 = arith.constant 0 : index
    %swap3A_22 = vector.load %arg5[%swap3A_20, %swap3A_21] : memref<1000x128xf32, #tpu.memory_space<vmem>>, vector<1000x128xf32>
    tpu.vector_store %arg5[%swap3A_20, %swap3A_21], %slice3A {strides = array<i32>} : memref<1000x128xf32, #tpu.memory_space<vmem>>, vector<1000x128xf32>,
    %slice3A_23 = vector.extract_strided_slice %max3A_19 {offsets = [0, 128], sizes = [1000, 128], strides = [1, 1]} : vector<1000x256xf32> to vector<1000x128xf32>
    %swap3A_24 = arith.constant 0 : index
    %swap3A_25 = arith.constant 0 : index
    %swap3A_26 = vector.load %arg6[%swap3A_24, %swap3A_25] : memref<1000x128xf32, #tpu.memory_space<vmem>>, vector<1000x128xf32>
    tpu.vector_store %arg6[%swap3A_24, %swap3A_25], %slice3A_23 {strides = array<i32>} : memref<1000x128xf32, #tpu.memory_space<vmem>>, vector<1000x128xf32>,
    return
  }
  func.func @transform_0(%arg0: i32) -> (i32, i32) {
    %c0_i32 = arith.constant 0 : i32
    %c0_i32_0 = arith.constant 0 : i32
    return %arg0, %c0_i32 : i32, i32
  }
  func.func @transform_1(%arg0: i32) -> (i32, i32) {
    %c0_i32 = arith.constant 0 : i32
    %c0_i32_0 = arith.constant 0 : i32
    %c0_i32_1 = arith.constant 0 : i32
    return %c0_i32, %c0_i32_0 : i32, i32
  }
  func.func @transform_2(%arg0: i32) -> (i32, i32) {
    %c0_i32 = arith.constant 0 : i32
    %c0_i32_0 = arith.constant 0 : i32
    %c0_i32_1 = arith.constant 0 : i32
    return %c0_i32, %c0_i32_0 : i32, i32
  }
  func.func @transform_3(%arg0: i32) -> (i32, i32) {
    %c0_i32 = arith.constant 0 : i32
    %c0_i32_0 = arith.constant 0 : i32
    return %arg0, %c0_i32 : i32, i32
  }
  func.func @transform_4(%arg0: i32) -> (i32, i32) {
    %c0_i32 = arith.constant 0 : i32
    %c0_i32_0 = arith.constant 0 : i32
    return %arg0, %c0_i32 : i32, i32
  }
  func.func @transform_5(%arg0: i32) -> (i32, i32) {
    %c0_i32 = arith.constant 0 : i32
    %c0_i32_0 = arith.constant 0 : i32
    return %arg0, %c0_i32 : i32, i32
  }
}

module attributes {stable_mosaic.version = 14 : i64} {
  func.func @_pool_body(%arg0: i32, %arg1: memref<1000x256xf32, #tpu.memory_space<vmem>>, %arg2: memref<1x1x1000xi32, #tpu.memory_space<vmem>>, %arg3: memref<256x128xf32, #tpu.memory_space<vmem>>, %arg4: memref<1x128xf32, #tpu.memory_space<vmem>>, %arg5: memref<512x128xf32, #tpu.memory_space<vmem>>, %arg6: memref<512x256xf32, #tpu.memory_space<vmem>>) attributes {dimension_semantics = [#tpu.dimension_semantics<arbitrary>], iteration_bounds = array<i64: 10>, scalar_prefetch = 0 : i64, scratch_operands = 1 : i64, tpu.core_type = #tpu.core_type<tc>, window_params = [{transform_indices = @transform_0, window_bounds = array<i64: 1000, 256>}, {transform_indices = @transform_1, window_bounds = array<i64: 1, 1, 1000>}, {pipeline_mode = #tpu.pipeline_mode<synchronous>, transform_indices = @transform_2, window_bounds = array<i64: 256, 128>}, {pipeline_mode = #tpu.pipeline_mode<synchronous>, transform_indices = @transform_3, window_bounds = array<i64: 1, 128>}, {pipeline_mode = #tpu.pipeline_mode<synchronous>, transform_indices = @transform_4, window_bounds = array<i64: 512, 128>}]} {
    %get3A = arith.constant 0 : index
    %get3A_0 = arith.constant 0 : index
    %get3A_1 = arith.constant 0 : index
    %get3A_2 = vector.load %arg2[%get3A, %get3A_0, %get3A_1] : memref<1x1x1000xi32, #tpu.memory_space<vmem>>, vector<1x1x1000xi32>
    %get3A_3 = vector.shape_cast %get3A_2 : vector<1x1x1000xi32> to vector<1x1000xi32>
    %iota3A = tpu.iota {dimensions = array<i32: 0>} : vector<512x1000xi32>
    %eq3A = vector.broadcast %get3A_3 : vector<1x1000xi32> to vector<512x1000xi32>
    %eq3A_4 = arith.cmpi eq, %iota3A, %eq3A : vector<512x1000xi32>
    %convert_element_type3A = arith.extui %eq3A_4 : vector<512x1000xi1> to vector<512x1000xi32>
    %convert_element_type3A_5 = arith.sitofp %convert_element_type3A : vector<512x1000xi32> to vector<512x1000xf32>
    %get3A_6 = arith.constant 0 : index
    %get3A_7 = arith.constant 0 : index
    %get3A_8 = vector.load %arg1[%get3A_6, %get3A_7] : memref<1000x256xf32, #tpu.memory_space<vmem>>, vector<1000x256xf32>
    %dot_general3A = arith.constant dense<0.000000e+00> : vector<512x256xf32>
    %dot_general3A_9 = tpu.matmul %convert_element_type3A_5, %get3A_8, %dot_general3A {dimension_numbers = #tpu.dot_dimension_numbers<[1], [0], [0], [1], [0, 0, 1, 1], [], []>, precision = #tpu.contract_precision<fp32>, transpose_lhs_hint = false} : vector<512x1000xf32>, vector<1000x256xf32>, vector<512x256xf32> -> vector<512x256xf32>
    %eq3A_10 = arith.constant 0 : i32
    %eq3A_11 = arith.cmpi eq, %arg0, %eq3A_10 : i32
    %convert_element_type3A_12 = arith.extui %eq3A_11 : i1 to i32
    %cond3A = arith.constant 0 : i32
    %cond3A_13 = arith.cmpi ne, %convert_element_type3A_12, %cond3A : i32
    scf.if %cond3A_13 {
      %swap3A = arith.constant 0 : index
      %swap3A_23 = arith.constant 0 : index
      %swap3A_24 = vector.load %arg6[%swap3A, %swap3A_23] : memref<512x256xf32, #tpu.memory_space<vmem>>, vector<512x256xf32>
      tpu.vector_store %arg6[%swap3A, %swap3A_23], %dot_general3A_9 {strides = array<i32>} : memref<512x256xf32, #tpu.memory_space<vmem>>, vector<512x256xf32>,
    } else {
    }
    %ne3A = arith.constant 0 : i32
    %ne3A_14 = arith.cmpi ne, %arg0, %ne3A : i32
    %convert_element_type3A_15 = arith.extui %ne3A_14 : i1 to i32
    %cond3A_16 = arith.constant 0 : i32
    %cond3A_17 = arith.cmpi ne, %convert_element_type3A_15, %cond3A_16 : i32
    scf.if %cond3A_17 {
      %get3A_23 = arith.constant 0 : index
      %get3A_24 = arith.constant 0 : index
      %get3A_25 = vector.load %arg6[%get3A_23, %get3A_24] : memref<512x256xf32, #tpu.memory_space<vmem>>, vector<512x256xf32>
      %add3A = arith.addf %get3A_25, %dot_general3A_9 : vector<512x256xf32>
      %swap3A = arith.constant 0 : index
      %swap3A_26 = arith.constant 0 : index
      %swap3A_27 = vector.load %arg6[%swap3A, %swap3A_26] : memref<512x256xf32, #tpu.memory_space<vmem>>, vector<512x256xf32>
      tpu.vector_store %arg6[%swap3A, %swap3A_26], %add3A {strides = array<i32>} : memref<512x256xf32, #tpu.memory_space<vmem>>, vector<512x256xf32>,
    } else {
    }
    %eq3A_18 = arith.constant 9 : i32
    %eq3A_19 = arith.cmpi eq, %arg0, %eq3A_18 : i32
    %convert_element_type3A_20 = arith.extui %eq3A_19 : i1 to i32
    %cond3A_21 = arith.constant 0 : i32
    %cond3A_22 = arith.cmpi ne, %convert_element_type3A_20, %cond3A_21 : i32
    scf.if %cond3A_22 {
      %get3A_23 = arith.constant 0 : index
      %get3A_24 = arith.constant 0 : index
      %get3A_25 = vector.load %arg6[%get3A_23, %get3A_24] : memref<512x256xf32, #tpu.memory_space<vmem>>, vector<512x256xf32>
      %get3A_26 = arith.constant 0 : index
      %get3A_27 = arith.constant 0 : index
      %get3A_28 = vector.load %arg3[%get3A_26, %get3A_27] : memref<256x128xf32, #tpu.memory_space<vmem>>, vector<256x128xf32>
      %dot_general3A_29 = arith.constant dense<0.000000e+00> : vector<512x128xf32>
      %dot_general3A_30 = tpu.matmul %get3A_25, %get3A_28, %dot_general3A_29 {dimension_numbers = #tpu.dot_dimension_numbers<[1], [0], [0], [1], [0, 0, 1, 1], [], []>, transpose_lhs_hint = false} : vector<512x256xf32>, vector<256x128xf32>, vector<512x128xf32> -> vector<512x128xf32>
      %get3A_31 = arith.constant 0 : index
      %get3A_32 = arith.constant 0 : index
      %get3A_33 = vector.load %arg4[%get3A_31, %get3A_32] : memref<1x128xf32, #tpu.memory_space<vmem>>, vector<1x128xf32>
      %add3A = vector.broadcast %get3A_33 : vector<1x128xf32> to vector<512x128xf32>
      %add3A_34 = arith.addf %dot_general3A_30, %add3A : vector<512x128xf32>
      %swap3A = arith.constant 0 : index
      %swap3A_35 = arith.constant 0 : index
      %swap3A_36 = vector.load %arg5[%swap3A, %swap3A_35] : memref<512x128xf32, #tpu.memory_space<vmem>>, vector<512x128xf32>
      tpu.vector_store %arg5[%swap3A, %swap3A_35], %add3A_34 {strides = array<i32>} : memref<512x128xf32, #tpu.memory_space<vmem>>, vector<512x128xf32>,
    } else {
    }
    return
  }
  func.func @transform_0(%arg0: i32) -> (i32, i32) {
    %c0_i32 = arith.constant 0 : i32
    %c0_i32_0 = arith.constant 0 : i32
    return %arg0, %c0_i32 : i32, i32
  }
  func.func @transform_1(%arg0: i32) -> (i32, i32, i32) {
    %c0_i32 = arith.constant 0 : i32
    %c0_i32_0 = arith.constant 0 : i32
    %c0_i32_1 = arith.constant 0 : i32
    return %arg0, %c0_i32, %c0_i32_0 : i32, i32, i32
  }
  func.func @transform_2(%arg0: i32) -> (i32, i32) {
    %c0_i32 = arith.constant 0 : i32
    %c0_i32_0 = arith.constant 0 : i32
    %c0_i32_1 = arith.constant 0 : i32
    return %c0_i32, %c0_i32_0 : i32, i32
  }
  func.func @transform_3(%arg0: i32) -> (i32, i32) {
    %c0_i32 = arith.constant 0 : i32
    %c0_i32_0 = arith.constant 0 : i32
    %c0_i32_1 = arith.constant 0 : i32
    return %c0_i32, %c0_i32_0 : i32, i32
  }
  func.func @transform_4(%arg0: i32) -> (i32, i32) {
    %c0_i32 = arith.constant 0 : i32
    %c0_i32_0 = arith.constant 0 : i32
    %c0_i32_1 = arith.constant 0 : i32
    return %c0_i32, %c0_i32_0 : i32, i32
  }
}

</mosaic_0001>

<sc_bundles>
// kernel: kernel.16.cloned.1.call-start
scs
__scs_entry_jumppad:
0x0: {  	(pc) =	sbr.rel $0x88, $3  }
0x1: {  	(tag) =	ssettag $0x0;
	lr =	simm.s32 $0x1  }
0x2: {  	[smem:$0x3F7F] =	sst lr;
	_ =	strace $0xD0000000  }
0x3: {  	_ = 	snop  }
0x4: {  	_ = 	snop  }
0x5: {  	_ = 	snop  }
0x6: {  	_ = 	snop  }
0x7: {  	_ = 	snop  }
__scs_overlays_trampoline_lowered:
0x8: {  	[smem:$0x3F8E] =	sst s0  }
0x9: {  	[smem:$0x3F8F] =	sst s1  }
0xa: {  	[smem:$0x3F90] =	sst s2  }
0xb: {  	[smem:$0x3F91] =	sst s3  }
0xc: {  	[smem:$0x3F92] =	sst s4  }
0xd: {  	[smem:$0x3F93] =	sst s5  }
0xe: {  	[smem:$0x3F94] =	sst s6  }
0xf: {  	[smem:$0x3F95] =	sst s7  }
0x10: {  	[smem:$0x3F96] =	sst s8  }
0x11: {  	[smem:$0x3F97] =	sst s9;
	s0 =	simm.s32 @!p0 $0x0  }
0x12: {  	s1 =	sld [smem:$0x3F7D];
	s0 =	simm.s32 @p0 $0x1  }
0x13: {  	[smem:$0x3F98] =	sst s0;
	s0 =	simm.s32 @!p1 $0x0  }
0x14: {  	s2 =	sld [smem:$0x3F7C];
	s0 =	simm.s32 @p1 $0x1  }
0x15: {  	[smem:$0x3F99] =	sst s0;
	s0 =	simm.s32 @!p2 $0x0  }
0x16: {  	s3 =	sld [smem:$0x3FDB];
	s0 =	simm.s32 @p2 $0x1  }
0x17: {  	s4 =	simm.s32 $0x1BF5;
	[smem:$0x3F9B] =	sst s0  }
0x18: {  	s0 =	sld [smem:$0x3F7E];
	_ =	swait.ge [sflag:s4], $0x0  }
0x19: {  	s7 =	sld [smem:$0x3F7F]  }
0x1a: {  	s8 =	sadd.s32 $0xFFFFE003, lr  }
0x1b: {  	s9 =	sadd.s32 $0xFFFFFEF7, lr;
	s5 =	simm.s32 $0xFFFFFFFF;
	p2 =	slt.u32 s8, $0xFFFFF086  }
0x1c: {  	p1 =	slt.u32 s9, $0xF7A;
	s5 =	simm.s32 @!p2 $0x0  }
0x1d: {  	s5 =	simm.s32 @p1 $0x1;
	p0 =	seq.s32 s7, s2  }
0x1e: {  	s7 =	smul.u32 @!p0 $0xF7A, s2;
	p2 =	seq.s32 @!p0 s5, $0x0  }
0x1f: {  	s9 =	smul.u32 $0xF7A, s1;
	s8 =	simm.s32 @!p0 $0x1BF5;
	p2 =	por !p2, p0  }
0x20: {  	[sflag:s8] =	ssyncset.s32 @!p0 $0xFFFFF086;
	s6 =	sadd.s32 @!p0 s3, s7;
	s7 =	simm.s32 @!p0 $0x108  }
0x21: {  	s3 =	sadd.s32 s3, s9;
	s6 =	sadd.s32 @!p0 $0x88, s6;
	s7 =	simm.s32 @p2 $0x1082  }
0x22: {  	[simem:s7], [sflag:s8] =	dma.local @!p0 [hbm:s6], $0xF7A  }
0x23: {  	s9 =	sor.u32 $0xD0000000, s2;
	s6 =	simm.s32 $0x108;
	_ =	swait.ge @!p0 [sflag:s8], $0x0  }
0x24: {  	s3 =	sadd.s32 $0x88, s3;
	s6 =	simm.s32 @!p1 $0x1082;
	[sflag:s4] =	ssyncset.s32 $0xFFFFF086  }
0x25: {  	[simem:s6], [sflag:s4] =	dma.local [hbm:s3], $0xF7A  }
0x26: {  	[smem:$0x3F7F] =	sst s1;
	(tag) =	ssettag s2;
	_ =	strace s9  }
0x27: {  	s1 =	sld [smem:$0x3F8F]  }
0x28: {  	s2 =	sld [smem:$0x3F90]  }
0x29: {  	s4 =	sld [smem:$0x3F92]  }
0x2a: {  	p0 =	seq.s32 s5, $0x0;
	s5 =	sld [smem:$0x3F93]  }
0x2b: {  	s6 =	sld [smem:$0x3F94]  }
0x2c: {  	s7 =	sld [smem:$0x3F95]  }
0x2d: {  	s3 =	simm.s32 $0x108;
	s8 =	sld [smem:$0x3F96]  }
0x2e: {  	s3 =	simm.s32 @!p0 $0x1082;
	s9 =	sld [smem:$0x3F97]  }
0x2f: {  	lr =	sadd.s32 s0, s3;
	s0 =	sld [smem:$0x3F8E]  }
0x30: {  	s3 =	sld [smem:$0x3F91]  }
0x31: {  	[smem:$0x3F9A] =	sst s10  }
0x32: {  	s10 =	sld [smem:$0x3F98];
	_ =	sdelay $0x3  }
0x33: {  	p0 =	seq.s32 s10, $0x1;
	s10 =	sld [smem:$0x3F9A];
	_ =	sdelay $0x3  }
0x34: {  	[smem:$0x3F9A] =	sst s10  }
0x35: {  	s10 =	sld [smem:$0x3F99];
	_ =	sdelay $0x3  }
0x36: {  	p1 =	seq.s32 s10, $0x1;
	s10 =	sld [smem:$0x3F9A];
	_ =	sdelay $0x3  }
0x37: {  	[smem:$0x3F9A] =	sst s10  }
0x38: {  	s10 =	sld [smem:$0x3F9B]  }
0x39: {  	_ = 	snop;
	(pc) =	sbr.ind lr, $3  }
0x3a: {  	_ = 	snop  }
0x3b: {  	_ = 	snop  }
0x3c: {  	p2 =	seq.s32 s10, $0x1;
	s10 =	sld [smem:$0x3F9A]  }
0x3d: {  	_ =	shalt  }
0x3e: {  	_ =	shalt  }
0x3f: {  	_ =	shalt  }
0x40: {  	_ =	shalt  }
0x41: {  	_ =	shalt  }
0x42: {  	_ =	shalt  }
0x43: {  	_ =	shalt  }
0x44: {  	_ =	shalt  }
0x45: {  	_ =	shalt  }
0x46: {  	_ =	shalt  }
0x47: {  	_ =	shalt  }
0x48: {  	_ =	shalt  }
0x49: {  	_ =	shalt  }
0x4a: {  	_ =	shalt  }
0x4b: {  	_ =	shalt  }
0x4c: {  	_ =	shalt  }
0x4d: {  	_ =	shalt  }
0x4e: {  	_ =	shalt  }
0x4f: {  	_ =	shalt  }
0x50: {  	_ =	shalt  }
0x51: {  	_ =	shalt  }
0x52: {  	_ =	shalt  }
0x53: {  	_ =	shalt  }
0x54: {  	_ =	shalt  }
0x55: {  	_ =	shalt  }
0x56: {  	_ =	shalt  }
0x57: {  	_ =	shalt  }
0x58: {  	_ =	shalt  }
0x59: {  	_ =	shalt  }
0x5a: {  	_ =	shalt  }
0x5b: {  	_ =	shalt  }
0x5c: {  	_ =	shalt  }
0x5d: {  	_ =	shalt  }
0x5e: {  	_ =	shalt  }
0x5f: {  	_ =	shalt  }
0x60: {  	_ =	shalt  }
0x61: {  	_ =	shalt  }
0x62: {  	_ =	shalt  }
0x63: {  	_ =	shalt  }
0x64: {  	_ =	shalt  }
0x65: {  	_ =	shalt  }
0x66: {  	_ =	shalt  }
0x67: {  	_ =	shalt  }
0x68: {  	_ =	shalt  }
0x69: {  	_ =	shalt  }
0x6a: {  	_ =	shalt  }
0x6b: {  	_ =	shalt  }
0x6c: {  	_ =	shalt  }
0x6d: {  	_ =	shalt  }
0x6e: {  	_ =	shalt  }
0x6f: {  	_ =	shalt  }
0x70: {  	_ =	shalt  }
0x71: {  	_ =	shalt  }
0x72: {  	_ =	shalt  }
0x73: {  	_ =	shalt  }
0x74: {  	_ =	shalt  }
0x75: {  	_ =	shalt  }
0x76: {  	_ =	shalt  }
0x77: {  	_ =	shalt  }
0x78: {  	_ =	shalt  }
0x79: {  	_ =	shalt  }
0x7a: {  	_ =	shalt  }
0x7b: {  	_ =	shalt  }
0x7c: {  	_ =	shalt  }
0x7d: {  	_ =	shalt  }
0x7e: {  	_ =	shalt  }
0x7f: {  	_ =	shalt  }
0x80: {  	_ =	shalt  }
0x81: {  	_ =	shalt  }
0x82: {  	_ =	shalt  }
0x83: {  	_ =	shalt  }
0x84: {  	_ =	shalt  }
0x85: {  	_ =	shalt  }
0x86: {  	_ =	shalt  }
0x87: {  	_ =	shalt  }
.Lfunc_end0:
.L_simem_size_0:
called_computation_lowered:
.L_overlay_start_0:
0x88: {  	s2 =	sld [smem:$0x3FD9]  }
0x89: {  	s3 =	sld [smem:$0x3FFE];
	_ =	sdelay $0x1  }
0x8a: {  	s1 =	srdreg.scid  }
0x8b: {  	s0 =	sand.u32 $0x1, s1  }
0x8c: {  	s16 =	sshll.u32 s0, $0xA;
	s2 =	sadd.s32 s3, s2  }
0x8d: {  	s2 =	sadd.s32 s2, s16  }
0x8e: {  	[smem:$0x3FA6] =	sst s2  }
0x8f: {  	_ = 	snop  }
0x90: {  	(tm) =	ssettm $0x1  }
0x91: {  	s17 =	sld [smem:$0x3FFB];
	_ =	sdelay $0x3  }
0x92: {  	_ =	strace s17  }
0x93: {  	s2 =	sld [smem:$0x3FFC];
	_ =	sdelay $0x3  }
0x94: {  	_ =	strace s2  }
0x95: {  	s2 =	sld [smem:$0x3FFD];
	_ =	sdelay $0x3  }
0x96: {  	_ =	strace s2  }
0x97: {  	_ =	strace $0x8FFFFFFF  }
0x98: {  	s18 =	sld [smem:$0x3FDB];
	_ =	sdelay $0x1  }
0x99: {  	s19 =	simm.s32 $_scs_section_size  }
0x9a: {  	s4 =	simm.s32 $_size__tile_overlayer_lowered;
	s5 =	simm.s32 $_tile_overlayer_lowered  }
0x9b: {  	s22 =	simm.s32 $0x1BFF;
	s21 =	sshll.u32 s5, $0x1;
	s2 =	sadd.s32 s19, s18  }
0x9c: {  	s6 =	simm.s32 $0x0;
	s20 =	sshll.u32 s4, $0x1;
	s4 =	sadd.s32 s21, s2  }
0x9d: {  	[timem:s6], [sflag:s22] =	dma.local [hbm:s4], s20  }
0x9e: {  	_ =	swait.ge [sflag:s22], s20  }
0x9f: {  	s3 =	ssub.s32 $0x0, s20;
	[sflag:s22] =	ssyncset.done $0x0  }
0xa0: {  	[sflag:s22] =	ssyncadd.s32 s3;
	_ =	sdelay $0x1  }
0xa1: {  	s23 =	simm.s32 $0x1B8B  }
0xa2: {  	_ =	swait.ge [sflag:s23], $0x1  }
0xa3: {  	[sflag:s23] =	ssyncset.done $0x0  }
0xa4: {  	s25 =	simm.s32 $0x1B8E;
	s24 =	sld [smem:$0x3FFE];
	[sflag:s23] =	ssyncadd.s32 $0xFFFFFFFF  }
0xa5: {  	s26 =	simm.s32 $execute0_lowered;
	[smem:$0x3FD2] =	sst s25  }
0xa6: {  	s4 =	sshll.u32 s26, $0x1;
	_ =	strace $0x80000046;
	[dreg:$0x1] =	wrdreg $0xFFFFFFFF  }
0xa7: {  	s28 =	simm.s32 $_size_execute0_lowered;
	s2 =	sadd.s32 s2, s4;
	[dreg:$0x0] =	wrdreg $0x0  }
0xa8: {  	s4 =	sshll.u32 s28, $0x1;
	[dreg:$0x2] =	wrdreg s2  }
0xa9: {  	[dreg:$0x3] =	wrdreg s4  }
0xaa: {  	[dreg:$0x4] =	wrdreg $0xC0  }
0xab: {  	_ =	task [dreg:s6], $0x5FFFF  }
0xac: {  	[dreg:$0x1] =	wrdreg $0xFFFFFFFF  }
0xad: {  	[dreg:$0x0] =	wrdreg $0x60  }
0xae: {  	[dreg:$0x2] =	wrdreg s24  }
0xaf: {  	[dreg:$0x3] =	wrdreg $0xA0000  }
0xb0: {  	[dreg:$0x4] =	wrdreg $0x9  }
0xb1: {  	_ =	task.clear_ibuf [dreg:s6], $0x5FFFF;
	_ =	strace $0x90000046  }
0xb2: {  	s29 =	simm.s32 $0x9;
	_ =	strace $0x80000048  }
0xb3: {  	_ =	swait.ge [sflag:s29], $0x1  }
0xb4: {  	[sflag:s29] =	ssyncadd.s32 $0xFFFFFFFF  }
0xb5: {  	_ =	strace $0x90000048  }
0xb6: {  	_ =	sfence  }
0xb7: {  	s30 =	sld [smem:$0x0];
	_ =	sdelay $0x2  }
0xb8: {  	s31 =	sshll.u32 s1, $0xD;
	s1 =	sshrl.u32 s1, $0x2  }
0xb9: {  	s3 =	sand.u32 $0x4000, s31;
	s1 =	sadd.s32 s1, s30  }
0xba: {  	s0 =	sor.u32 s3, s0;
	s1 =	sshll.u32 s1, $0x11  }
0xbb: {  	s0 =	sor.u32 s1, s0  }
0xbc: {  	s0 =	sadd.s32 $0x8F2B, s0  }
0xbd: {  	[sflag:s0] =	ssyncadd.remote.s32 $0x1  }
0xbe: {  	_ =	sfence.sel $0xFFFF  }
0xbf: {  	[dreg:$0x0] =	wrdreg $0xFFFFFFFF;
	(pc) =	sbr.abs _section_cstart, $3  }
0xc0: {  	[dreg:$0x1] =	wrdreg $0xFFFFFFFF  }
0xc1: {  	_ =	task.clear_ibuf [dreg:s6], $0x2FFFF;
	_ =	strace $0x9FFFFFFF  }
0xc2: {  	(tm) =	ssettm $0x7FFFFFFF  }
0xc3: {  	_ =	shalt  }
tec
execute0_lowered:
.L_overlay_start_1:
0x0: {  	(tag) =	ssettag $0x1  }
0x1: {  	s8 =	rddreg [dreg:$0x0]  }
0x2: {  	s2 =	rddreg [dreg:$0x1]  }
0x3: {  	s0 =	rddreg [dreg:$0x2];
	s3 =	simm.s32 $0x0;
	s1 =	stileid.u32  }
0x4: {  	s7 =	srdreg.scid;
	s16 =	simm.s32 $0x1000;
	s17 =	simm.s32 $0x80  }
0x5: {  	s18 =	simm.s32 $0x2000;
	s19 =	simm.s32 $0x6000;
	s20 =	simm.s32 $0x1  }
0x6: {  	s21 =	simm.s32 $0x2;
	s22 =	simm.s32 $0xF80;
	s23 =	simm.s32 $0x1F00  }
0x7: {  	s24 =	simm.s32 $0x1F80;
	[smem:$0x7FF] =	sst s3;
	s6 =	smul.u32 $0xA00, s1  }
0x8: {  	s4 =	sadd.s32 $0x6C400, s8;
	s5 =	sadd.s32 $0x93600, s8;
	s14 =	sand.u32 $0x1, s7  }
0x9: {  	s10 =	smul.u32 $0x4F000, s1;
	s7 =	sadd.s32 $0xBD000, s8;
	s31 =	sshll.u32 s1, $0x6  }
0xa: {  	_ =	strace $0x80000047;
	s9 =	ssub.s32 $0x2, s14;
	p0 =	sne.s32 s14, $0x0  }
.Ltmp0:
0xb: {  	s11 =	sadd.s32 s6, s8;
	s6 =	sadd.s32 $0xBA800, s8;
	(pc) =	sbr.rel .LBB2_1-.Ltmp0, $4  }
0xc: {  	s8 =	sadd.s32 $0xE4800, s8;
	s12 =	sshrl.u32 s9, $0x1;
	s30 =	sshrl.u32 s10, $0x2  }
0xd: {  	s13 =	ssub.s32 s9, s12;
	s15 =	sadd.s32 s30, s2;
	s9 =	sor.u32 $0x1C03, s31  }
0xe: {  	s10 =	sadd.s32 $0xA200, s11;
	s11 =	sadd.s32 $0x14200, s11;
	s12 =	smul.u32 $0x2780, s1  }
0xf: {  	s13 =	smax.u32 s13, $0x1;
	s14 =	sshrl.u32 s15, $0x3;
	s15 =	simm.s32 $0x3  }
.LBB2_10:
0x10: {  	s3 =	sadd.s32 $0x1, s3  }
0x11: {  	p1 =	sne.s32 s3, s13  }
.Ltmp1:
0x12: {  	s25 =	sadd.s32 s25, s12;
	[bflag:$0x0] =	sbarrier.arrive $0xFFFF;
	(pc) =	sbr.rel @!p1 .LBB2_11-.Ltmp1, $4  }
0x13: {  	[hbm:s25], [sflag:s9] =	dma.local [spmem:s14], $0x2780  }
0x14: {  	_ =	swait.ge [sflag:s15], $0x2780  }
0x15: {  	[sflag:s15] =	ssyncset.done $0x0  }
0x16: {  	[sflag:s15] =	ssyncadd.s32 $0xFFFFD880  }
.LBB2_1:
0x17: {  	[spmem:s14], [sflag:s9] =	dma.local [hbm:s6], $0x2780  }
.Ltmp2:
0x18: {  	_ =	swait.ge [sflag:s15], $0x2780;
	(pc) =	sbr.rel @p0 .LBB2_6-.Ltmp2, $4  }
0x19: {  	[sflag:s15] =	ssyncset.done $0x0  }
0x1a: {  	[sflag:s15] =	ssyncadd.s32 $0xFFFFD880  }
0x1b: {  	[bflag:$0x0] =	sbarrier.arrive $0xFFFF  }
0x1c: {  	s25 =	simm.s32 $0x0;
	s26 =	simm.s32 $0x0  }
.LBB2_2:
0x1d: {  	s26 =	sshll.u32 s25, $0x9  }
0x1e: {  	s29 =	simm.s32 $0x0;
	s28 =	sadd.s32 s26, s10  }
0x1f: {  	[tilespmem:s29], [sflag:$0x3] =	stream.linear.gather [hbm4b:s28+s29], $0x1000, $0x38;
	[tilespmem:$0x1DC00] =	vst v63  }
0x20: {  	_ =	swait.ge [sflag:s15], $0x1000  }
0x21: {  	[sflag:s15] =	ssyncset.done $0x0  }
0x22: {  	s26 =	sadd.s32 s26, s11;
	[sflag:s15] =	ssyncadd.s32 $0xFFFFF000  }
0x23: {  	[tilespmem:s16], [sflag:$0x3] =	stream.linear.gather [hbm4b:s26+s29], $0x1000, $0x38;
	[tilespmem:$0x1DC00] =	vst v63  }
0x24: {  	_ =	swait.ge [sflag:s15], $0x1000  }
0x25: {  	[sflag:s15] =	ssyncset.done $0x0  }
0x26: {  	[sflag:s15] =	ssyncadd.s32 $0xFFFFF000  }
0x27: {  	[tilespmem:s18], [sflag:$0x1] =	stream.indirect.gather [hbm4b:s4+s17], $0x80, s29, s17, $0xb8;
	[tilespmem:$0x1DC00] =	vst v63  }
0x28: {  	s31 =	simm.s32 $0x80  }
0x29: {  	[tilespmem:s19], [sflag:$0x2] =	stream.indirect.gather [hbm4b:s4+s17], $0x80, s31, s17, $0xb8;
	[tilespmem:$0x1DC00] =	vst v63  }
0x2a: {  	_ =	swait.ge [sflag:s20], $0x4000  }
0x2b: {  	[sflag:s20] =	ssyncset.done $0x0  }
0x2c: {  	s29 =	simm.s32 $0x1000;
	[sflag:s20] =	ssyncadd.s32 $0xFFFFC000  }
0x2d: {  	[spmem:s2] =	stream.indirect.scatter.add.f32 [tilespmem:s18], [sflag:$0x3], $0x80, s29, s17, $0xb8;
	[tilespmem:$0x1DC00] =	vst v63  }
0x2e: {  	_ =	swait.ge [sflag:s15], $0x4000  }
0x2f: {  	[sflag:s15] =	ssyncset.done $0x0  }
0x30: {  	s30 =	simm.s32 $0x100;
	[sflag:s15] =	ssyncadd.s32 $0xFFFFC000  }
0x31: {  	[tilespmem:s18], [sflag:$0x1] =	stream.indirect.gather [hbm4b:s4+s17], $0x80, s30, s17, $0xb8;
	[tilespmem:$0x1DC00] =	vst v63  }
0x32: {  	_ =	swait.ge [sflag:s21], $0x4000  }
0x33: {  	[sflag:s21] =	ssyncset.done $0x0  }
0x34: {  	s31 =	simm.s32 $0x1080;
	[sflag:s21] =	ssyncadd.s32 $0xFFFFC000  }
0x35: {  	[spmem:s2] =	stream.indirect.scatter.add.f32 [tilespmem:s19], [sflag:$0x3], $0x80, s31, s17, $0xb8;
	[tilespmem:$0x1DC00] =	vst v63  }
0x36: {  	_ =	swait.ge [sflag:s15], $0x4000  }
0x37: {  	s28 =	simm.s32 $0x800;
	s26 =	simm.s32 $0x100;
	[sflag:s15] =	ssyncset.done $0x0  }
.LBB2_3:
0x38: {  	s29 =	sadd.s32 $0x80, s26  }
0x39: {  	[sflag:s15] =	ssyncadd.s32 $0xFFFFC000;
	s30 =	smov.u32 s28;
	s31 =	sadd.s32 $0x400, s28  }
0x3a: {  	[tilespmem:s19], [sflag:$0x2] =	stream.indirect.gather [hbm4b:s4+s17], $0x80, s29, s17, $0xb8;
	[tilespmem:$0x1DC00] =	vst v63  }
0x3b: {  	p1 =	sne.s32 s28, $0x3800;
	_ =	swait.ge [sflag:s20], $0x4000  }
0x3c: {  	[sflag:s20] =	ssyncset.done $0x0  }
0x3d: {  	s28 =	sadd.s32 $0x1000, s26;
	[sflag:s20] =	ssyncadd.s32 $0xFFFFC000  }
0x3e: {  	[spmem:s2] =	stream.indirect.scatter.add.f32 [tilespmem:s18], [sflag:$0x3], $0x80, s28, s17, $0xb8;
	[tilespmem:$0x1DC00] =	vst v63  }
0x3f: {  	_ =	swait.ge [sflag:s15], $0x4000  }
0x40: {  	[sflag:s15] =	ssyncset.done $0x0  }
0x41: {  	s28 =	sadd.s32 $0x100, s26;
	[sflag:s15] =	ssyncadd.s32 $0xFFFFC000  }
0x42: {  	[tilespmem:s18], [sflag:$0x1] =	stream.indirect.gather [hbm4b:s4+s17], $0x80, s28, s17, $0xb8;
	[tilespmem:$0x1DC00] =	vst v63  }
0x43: {  	_ =	swait.ge [sflag:s21], $0x4000  }
.Ltmp3:
0x44: {  	[sflag:s21] =	ssyncset.done $0x0;
	(pc) =	sbr.rel @p1 .LBB2_3-.Ltmp3, $4  }
0x45: {  	s26 =	sadd.s32 $0x1080, s26;
	[sflag:s21] =	ssyncadd.s32 $0xFFFFC000  }
0x46: {  	[spmem:s2] =	stream.indirect.scatter.add.f32 [tilespmem:s19], [sflag:$0x3], $0x80, s26, s17, $0xb8;
	[tilespmem:$0x1DC00] =	vst v63  }
0x47: {  	_ =	swait.ge [sflag:s15], $0x4000  }
0x48: {  	s28 =	smov.u32 s31;
	s26 =	sshra.s32 s30, $0x2;
	[sflag:s15] =	ssyncset.done $0x0  }
0x49: {  	s28 =	sadd.s32 $0x80, s26;
	[sflag:s15] =	ssyncadd.s32 $0xFFFFC000  }
0x4a: {  	[tilespmem:s19], [sflag:$0x2] =	stream.indirect.gather [hbm4b:s4+s17], $0x80, s28, s17, $0xb8;
	[tilespmem:$0x1DC00] =	vst v63  }
0x4b: {  	_ =	swait.ge [sflag:s20], $0x4000  }
0x4c: {  	[sflag:s20] =	ssyncset.done $0x0  }
0x4d: {  	s29 =	sadd.s32 $0x1000, s26;
	[sflag:s20] =	ssyncadd.s32 $0xFFFFC000  }
0x4e: {  	[spmem:s2] =	stream.indirect.scatter.add.f32 [tilespmem:s18], [sflag:$0x3], $0x80, s29, s17, $0xb8;
	[tilespmem:$0x1DC00] =	vst v63  }
0x4f: {  	_ =	swait.ge [sflag:s15], $0x4000  }
0x50: {  	[sflag:s15] =	ssyncset.done $0x0  }
0x51: {  	s30 =	sadd.s32 $0x100, s26;
	[sflag:s15] =	ssyncadd.s32 $0xFFFFC000  }
0x52: {  	[tilespmem:s18], [sflag:$0x1] =	stream.indirect.gather [hbm4b:s4+s17], $0x80, s30, s17, $0xb8;
	[tilespmem:$0x1DC00] =	vst v63  }
0x53: {  	_ =	swait.ge [sflag:s21], $0x4000  }
0x54: {  	[sflag:s21] =	ssyncset.done $0x0  }
0x55: {  	s31 =	sadd.s32 $0x1080, s26;
	[sflag:s21] =	ssyncadd.s32 $0xFFFFC000  }
0x56: {  	[spmem:s2] =	stream.indirect.scatter.add.f32 [tilespmem:s19], [sflag:$0x3], $0x80, s31, s17, $0xb8;
	[tilespmem:$0x1DC00] =	vst v63  }
0x57: {  	_ =	swait.ge [sflag:s15], $0x4000  }
0x58: {  	[sflag:s15] =	ssyncset.done $0x0  }
0x59: {  	[sflag:s15] =	ssyncadd.s32 $0xFFFFC000  }
0x5a: {  	[tilespmem:s19], [sflag:$0x2] =	stream.indirect.gather [hbm4b:s4+s17], $0x80, s22, s17, $0xb8;
	[tilespmem:$0x1DC00] =	vst v63  }
0x5b: {  	_ =	swait.ge [sflag:s20], $0x4000  }
0x5c: {  	[sflag:s20] =	ssyncset.done $0x0  }
0x5d: {  	[sflag:s20] =	ssyncadd.s32 $0xFFFFC000  }
0x5e: {  	[spmem:s2] =	stream.indirect.scatter.add.f32 [tilespmem:s18], [sflag:$0x3], $0x80, s23, s17, $0xb8;
	[tilespmem:$0x1DC00] =	vst v63  }
0x5f: {  	_ =	swait.ge [sflag:s15], $0x4000  }
0x60: {  	[sflag:s15] =	ssyncset.done $0x0  }
0x61: {  	[sflag:s15] =	ssyncadd.s32 $0xFFFFC000  }
0x62: {  	s25 =	sadd.s32 $0x1, s25;
	_ =	swait.ge [sflag:s21], $0x4000  }
0x63: {  	p1 =	seq.s32 s25, $0x5;
	[sflag:s21] =	ssyncset.done $0x0  }
.Ltmp4:
0x64: {  	[sflag:s21] =	ssyncadd.s32 $0xFFFFC000;
	(pc) =	sbr.rel @!p1 .LBB2_2-.Ltmp4, $4  }
0x65: {  	[spmem:s2] =	stream.indirect.scatter.add.f32 [tilespmem:s19], [sflag:$0x3], $0x80, s24, s17, $0xb8;
	[tilespmem:$0x1DC00] =	vst v63  }
0x66: {  	_ =	swait.ge [sflag:s15], $0x4000  }
0x67: {  	[sflag:s15] =	ssyncset.done $0x0  }
0x68: {  	[sflag:s15] =	ssyncadd.s32 $0xFFFFC000  }
.Ltmp5:
0x69: {  	(pc) =	sbr.rel .LBB2_10-.Ltmp5, $2  }
0x6a: {  	_ =	sdelay $0x2  }
0x6b: {  	s25 =	smov.u32 s7  }
.LBB2_6:
0x6c: {  	s25 =	sshll.u32 s26, $0x9  }
0x6d: {  	s29 =	simm.s32 $0x0;
	s28 =	sadd.s32 s25, s10  }
0x6e: {  	[tilespmem:s29], [sflag:$0x3] =	stream.linear.gather [hbm4b:s28+s29], $0x1000, $0x38;
	[tilespmem:$0x1DC00] =	vst v63  }
0x6f: {  	_ =	swait.ge [sflag:s15], $0x1000  }
0x70: {  	[sflag:s15] =	ssyncset.done $0x0  }
0x71: {  	s25 =	sadd.s32 s25, s11;
	[sflag:s15] =	ssyncadd.s32 $0xFFFFF000  }
0x72: {  	[tilespmem:s16], [sflag:$0x3] =	stream.linear.gather [hbm4b:s25+s29], $0x1000, $0x38;
	[tilespmem:$0x1DC00] =	vst v63  }
0x73: {  	_ =	swait.ge [sflag:s15], $0x1000  }
0x74: {  	[sflag:s15] =	ssyncset.done $0x0  }
0x75: {  	[sflag:s15] =	ssyncadd.s32 $0xFFFFF000  }
0x76: {  	[tilespmem:s18], [sflag:$0x1] =	stream.indirect.gather [hbm4b:s5+s17], $0x80, s29, s17, $0xb8;
	[tilespmem:$0x1DC00] =	vst v63  }
0x77: {  	s31 =	simm.s32 $0x80  }
0x78: {  	[tilespmem:s19], [sflag:$0x2] =	stream.indirect.gather [hbm4b:s5+s17], $0x80, s31, s17, $0xb8;
	[tilespmem:$0x1DC00] =	vst v63  }
0x79: {  	_ =	swait.ge [sflag:s20], $0x4000  }
0x7a: {  	[sflag:s20] =	ssyncset.done $0x0  }
0x7b: {  	s29 =	simm.s32 $0x1000;
	[sflag:s20] =	ssyncadd.s32 $0xFFFFC000  }
0x7c: {  	[spmem:s2] =	stream.indirect.scatter.add.f32 [tilespmem:s18], [sflag:$0x3], $0x80, s29, s17, $0xb8;
	[tilespmem:$0x1DC00] =	vst v63  }
0x7d: {  	_ =	swait.ge [sflag:s15], $0x4000  }
0x7e: {  	[sflag:s15] =	ssyncset.done $0x0  }
0x7f: {  	s30 =	simm.s32 $0x100;
	[sflag:s15] =	ssyncadd.s32 $0xFFFFC000  }
0x80: {  	[tilespmem:s18], [sflag:$0x1] =	stream.indirect.gather [hbm4b:s5+s17], $0x80, s30, s17, $0xb8;
	[tilespmem:$0x1DC00] =	vst v63  }
0x81: {  	_ =	swait.ge [sflag:s21], $0x4000  }
0x82: {  	[sflag:s21] =	ssyncset.done $0x0  }
0x83: {  	s31 =	simm.s32 $0x1080;
	[sflag:s21] =	ssyncadd.s32 $0xFFFFC000  }
0x84: {  	[spmem:s2] =	stream.indirect.scatter.add.f32 [tilespmem:s19], [sflag:$0x3], $0x80, s31, s17, $0xb8;
	[tilespmem:$0x1DC00] =	vst v63  }
0x85: {  	_ =	swait.ge [sflag:s15], $0x4000  }
0x86: {  	s28 =	simm.s32 $0x800;
	s25 =	simm.s32 $0x100;
	[sflag:s15] =	ssyncset.done $0x0  }
.LBB2_7:
0x87: {  	s29 =	sadd.s32 $0x80, s25  }
0x88: {  	[sflag:s15] =	ssyncadd.s32 $0xFFFFC000;
	s30 =	smov.u32 s28;
	s31 =	sadd.s32 $0x400, s28  }
0x89: {  	[tilespmem:s19], [sflag:$0x2] =	stream.indirect.gather [hbm4b:s5+s17], $0x80, s29, s17, $0xb8;
	[tilespmem:$0x1DC00] =	vst v63  }
0x8a: {  	p1 =	sne.s32 s28, $0x3800;
	_ =	swait.ge [sflag:s20], $0x4000  }
0x8b: {  	[sflag:s20] =	ssyncset.done $0x0  }
0x8c: {  	s28 =	sadd.s32 $0x1000, s25;
	[sflag:s20] =	ssyncadd.s32 $0xFFFFC000  }
0x8d: {  	[spmem:s2] =	stream.indirect.scatter.add.f32 [tilespmem:s18], [sflag:$0x3], $0x80, s28, s17, $0xb8;
	[tilespmem:$0x1DC00] =	vst v63  }
0x8e: {  	_ =	swait.ge [sflag:s15], $0x4000  }
0x8f: {  	[sflag:s15] =	ssyncset.done $0x0  }
0x90: {  	s28 =	sadd.s32 $0x100, s25;
	[sflag:s15] =	ssyncadd.s32 $0xFFFFC000  }
0x91: {  	[tilespmem:s18], [sflag:$0x1] =	stream.indirect.gather [hbm4b:s5+s17], $0x80, s28, s17, $0xb8;
	[tilespmem:$0x1DC00] =	vst v63  }
0x92: {  	_ =	swait.ge [sflag:s21], $0x4000  }
.Ltmp6:
0x93: {  	[sflag:s21] =	ssyncset.done $0x0;
	(pc) =	sbr.rel @p1 .LBB2_7-.Ltmp6, $4  }
0x94: {  	s25 =	sadd.s32 $0x1080, s25;
	[sflag:s21] =	ssyncadd.s32 $0xFFFFC000  }
0x95: {  	[spmem:s2] =	stream.indirect.scatter.add.f32 [tilespmem:s19], [sflag:$0x3], $0x80, s25, s17, $0xb8;
	[tilespmem:$0x1DC00] =	vst v63  }
0x96: {  	_ =	swait.ge [sflag:s15], $0x4000  }
0x97: {  	s28 =	smov.u32 s31;
	s25 =	sshra.s32 s30, $0x2;
	[sflag:s15] =	ssyncset.done $0x0  }
0x98: {  	s28 =	sadd.s32 $0x80, s25;
	[sflag:s15] =	ssyncadd.s32 $0xFFFFC000  }
0x99: {  	[tilespmem:s19], [sflag:$0x2] =	stream.indirect.gather [hbm4b:s5+s17], $0x80, s28, s17, $0xb8;
	[tilespmem:$0x1DC00] =	vst v63  }
0x9a: {  	_ =	swait.ge [sflag:s20], $0x4000  }
0x9b: {  	[sflag:s20] =	ssyncset.done $0x0  }
0x9c: {  	s29 =	sadd.s32 $0x1000, s25;
	[sflag:s20] =	ssyncadd.s32 $0xFFFFC000  }
0x9d: {  	[spmem:s2] =	stream.indirect.scatter.add.f32 [tilespmem:s18], [sflag:$0x3], $0x80, s29, s17, $0xb8;
	[tilespmem:$0x1DC00] =	vst v63  }
0x9e: {  	_ =	swait.ge [sflag:s15], $0x4000  }
0x9f: {  	[sflag:s15] =	ssyncset.done $0x0  }
0xa0: {  	s30 =	sadd.s32 $0x100, s25;
	[sflag:s15] =	ssyncadd.s32 $0xFFFFC000  }
0xa1: {  	[tilespmem:s18], [sflag:$0x1] =	stream.indirect.gather [hbm4b:s5+s17], $0x80, s30, s17, $0xb8;
	[tilespmem:$0x1DC00] =	vst v63  }
0xa2: {  	_ =	swait.ge [sflag:s21], $0x4000  }
0xa3: {  	[sflag:s21] =	ssyncset.done $0x0  }
0xa4: {  	s31 =	sadd.s32 $0x1080, s25;
	[sflag:s21] =	ssyncadd.s32 $0xFFFFC000  }
0xa5: {  	[spmem:s2] =	stream.indirect.scatter.add.f32 [tilespmem:s19], [sflag:$0x3], $0x80, s31, s17, $0xb8;
	[tilespmem:$0x1DC00] =	vst v63  }
0xa6: {  	_ =	swait.ge [sflag:s15], $0x4000  }
0xa7: {  	[sflag:s15] =	ssyncset.done $0x0  }
0xa8: {  	[sflag:s15] =	ssyncadd.s32 $0xFFFFC000  }
0xa9: {  	[tilespmem:s19], [sflag:$0x2] =	stream.indirect.gather [hbm4b:s5+s17], $0x80, s22, s17, $0xb8;
	[tilespmem:$0x1DC00] =	vst v63  }
0xaa: {  	_ =	swait.ge [sflag:s20], $0x4000  }
0xab: {  	[sflag:s20] =	ssyncset.done $0x0  }
0xac: {  	[sflag:s20] =	ssyncadd.s32 $0xFFFFC000  }
0xad: {  	[spmem:s2] =	stream.indirect.scatter.add.f32 [tilespmem:s18], [sflag:$0x3], $0x80, s23, s17, $0xb8;
	[tilespmem:$0x1DC00] =	vst v63  }
0xae: {  	_ =	swait.ge [sflag:s15], $0x4000  }
0xaf: {  	[sflag:s15] =	ssyncset.done $0x0  }
0xb0: {  	[sflag:s15] =	ssyncadd.s32 $0xFFFFC000  }
0xb1: {  	s26 =	sadd.s32 $0x1, s26;
	_ =	swait.ge [sflag:s21], $0x4000  }
0xb2: {  	p1 =	sne.s32 s26, $0x5;
	[sflag:s21] =	ssyncset.done $0x0  }
.Ltmp7:
0xb3: {  	[sflag:s21] =	ssyncadd.s32 $0xFFFFC000;
	(pc) =	sbr.rel @p1 .LBB2_6-.Ltmp7, $4  }
0xb4: {  	[spmem:s2] =	stream.indirect.scatter.add.f32 [tilespmem:s19], [sflag:$0x3], $0x80, s24, s17, $0xb8;
	[tilespmem:$0x1DC00] =	vst v63  }
0xb5: {  	_ =	swait.ge [sflag:s15], $0x4000  }
0xb6: {  	[sflag:s15] =	ssyncset.done $0x0  }
0xb7: {  	[sflag:s15] =	ssyncadd.s32 $0xFFFFC000  }
.Ltmp8:
0xb8: {  	(pc) =	sbr.rel .LBB2_10-.Ltmp8, $2  }
0xb9: {  	_ =	sdelay $0x2  }
0xba: {  	s25 =	smov.u32 s8  }
.LBB2_11:
0xbb: {  	_ =	sfence.sel $0x180000  }
0xbc: {  	[bflag:$0x0] =	sbarrier.arrive $0xFFFF  }
0xbd: {  	p0 =	sne.s32 s1, $0x0;
	_ =	strace $0x90000047  }
0xbe: {  	s0 =	sadd.s32 @!p0 $0x100000, s0;
	[bflag:$0x2] =	sbarrier.arrive $0xFFFF  }
0xbf: {  	[sflag:s0] =	ssyncadd.tile.s32 @!p0 $0x1;
	_ =	shalt  }
.Lfunc_end2:
_tile_overlayer_lowered:
.L_overlay_start_2:
0xc0: {  	(tag) =	ssettag $0x2  }
0xc1: {  	s0 =	rddreg [dreg:$0x0];
	s2 =	stileid.u32  }
0xc2: {  	s1 =	rddreg [dreg:$0x1];
	p0 =	sne.s32 s2, $0x0  }
0xc3: {  	s3 =	rddreg [dreg:$0x2];
	[bflag:$0x3] =	sbarrier.arrive $0xFFFF;
	s2 =	simm.s32 @!p0 $0x1C03  }
0xc4: {  	[timem:s3], [sflag:s2] =	dma.local @!p0 [hbm:s0], s1  }
0xc5: {  	s0 =	simm.s32 @!p0 $0x3  }
0xc6: {  	_ =	swait.ge @!p0 [sflag:s0], s1  }
0xc7: {  	s1 =	ssub.s32 @!p0 $0x0, s1;
	[sflag:s0] =	ssyncset.done @!p0 $0x0  }
0xc8: {  	[sflag:s0] =	ssyncadd.s32 @!p0 s1  }
0xc9: {  	[bflag:$0x3] =	sbarrier.arrive $0xFFFF  }
0xca: {  	_ =	shalt  }

// kernel: kernel.19.cloned.1.call-start
scs
__scs_entry_jumppad:
0x0: {  	(pc) =	sbr.rel $0x88, $3  }
0x1: {  	(tag) =	ssettag $0x0;
	lr =	simm.s32 $0x1  }
0x2: {  	[smem:$0x3F7F] =	sst lr;
	_ =	strace $0xD0000000  }
0x3: {  	_ = 	snop  }
0x4: {  	_ = 	snop  }
0x5: {  	_ = 	snop  }
0x6: {  	_ = 	snop  }
0x7: {  	_ = 	snop  }
__scs_overlays_trampoline_lowered:
0x8: {  	[smem:$0x3F8E] =	sst s0  }
0x9: {  	[smem:$0x3F8F] =	sst s1  }
0xa: {  	[smem:$0x3F90] =	sst s2  }
0xb: {  	[smem:$0x3F91] =	sst s3  }
0xc: {  	[smem:$0x3F92] =	sst s4  }
0xd: {  	[smem:$0x3F93] =	sst s5  }
0xe: {  	[smem:$0x3F94] =	sst s6  }
0xf: {  	[smem:$0x3F95] =	sst s7  }
0x10: {  	[smem:$0x3F96] =	sst s8  }
0x11: {  	[smem:$0x3F97] =	sst s9;
	s0 =	simm.s32 @!p0 $0x0  }
0x12: {  	s1 =	sld [smem:$0x3F7D];
	s0 =	simm.s32 @p0 $0x1  }
0x13: {  	[smem:$0x3F98] =	sst s0;
	s0 =	simm.s32 @!p1 $0x0  }
0x14: {  	s2 =	sld [smem:$0x3F7C];
	s0 =	simm.s32 @p1 $0x1  }
0x15: {  	[smem:$0x3F99] =	sst s0;
	s0 =	simm.s32 @!p2 $0x0  }
0x16: {  	s3 =	sld [smem:$0x3FDB];
	s0 =	simm.s32 @p2 $0x1  }
0x17: {  	s4 =	simm.s32 $0x1BF5;
	[smem:$0x3F9B] =	sst s0  }
0x18: {  	s0 =	sld [smem:$0x3F7E];
	_ =	swait.ge [sflag:s4], $0x0  }
0x19: {  	s7 =	sld [smem:$0x3F7F]  }
0x1a: {  	s8 =	sadd.s32 $0xFFFFE003, lr  }
0x1b: {  	s9 =	sadd.s32 $0xFFFFFEF7, lr;
	s5 =	simm.s32 $0xFFFFFFFF;
	p2 =	slt.u32 s8, $0xFFFFF086  }
0x1c: {  	p1 =	slt.u32 s9, $0xF7A;
	s5 =	simm.s32 @!p2 $0x0  }
0x1d: {  	s5 =	simm.s32 @p1 $0x1;
	p0 =	seq.s32 s7, s2  }
0x1e: {  	s7 =	smul.u32 @!p0 $0xF7A, s2;
	p2 =	seq.s32 @!p0 s5, $0x0  }
0x1f: {  	s9 =	smul.u32 $0xF7A, s1;
	s8 =	simm.s32 @!p0 $0x1BF5;
	p2 =	por !p2, p0  }
0x20: {  	[sflag:s8] =	ssyncset.s32 @!p0 $0xFFFFF086;
	s6 =	sadd.s32 @!p0 s3, s7;
	s7 =	simm.s32 @!p0 $0x108  }
0x21: {  	s3 =	sadd.s32 s3, s9;
	s6 =	sadd.s32 @!p0 $0x88, s6;
	s7 =	simm.s32 @p2 $0x1082  }
0x22: {  	[simem:s7], [sflag:s8] =	dma.local @!p0 [hbm:s6], $0xF7A  }
0x23: {  	s9 =	sor.u32 $0xD0000000, s2;
	s6 =	simm.s32 $0x108;
	_ =	swait.ge @!p0 [sflag:s8], $0x0  }
0x24: {  	s3 =	sadd.s32 $0x88, s3;
	s6 =	simm.s32 @!p1 $0x1082;
	[sflag:s4] =	ssyncset.s32 $0xFFFFF086  }
0x25: {  	[simem:s6], [sflag:s4] =	dma.local [hbm:s3], $0xF7A  }
0x26: {  	[smem:$0x3F7F] =	sst s1;
	(tag) =	ssettag s2;
	_ =	strace s9  }
0x27: {  	s1 =	sld [smem:$0x3F8F]  }
0x28: {  	s2 =	sld [smem:$0x3F90]  }
0x29: {  	s4 =	sld [smem:$0x3F92]  }
0x2a: {  	p0 =	seq.s32 s5, $0x0;
	s5 =	sld [smem:$0x3F93]  }
0x2b: {  	s6 =	sld [smem:$0x3F94]  }
0x2c: {  	s7 =	sld [smem:$0x3F95]  }
0x2d: {  	s3 =	simm.s32 $0x108;
	s8 =	sld [smem:$0x3F96]  }
0x2e: {  	s3 =	simm.s32 @!p0 $0x1082;
	s9 =	sld [smem:$0x3F97]  }
0x2f: {  	lr =	sadd.s32 s0, s3;
	s0 =	sld [smem:$0x3F8E]  }
0x30: {  	s3 =	sld [smem:$0x3F91]  }
0x31: {  	[smem:$0x3F9A] =	sst s10  }
0x32: {  	s10 =	sld [smem:$0x3F98];
	_ =	sdelay $0x3  }
0x33: {  	p0 =	seq.s32 s10, $0x1;
	s10 =	sld [smem:$0x3F9A];
	_ =	sdelay $0x3  }
0x34: {  	[smem:$0x3F9A] =	sst s10  }
0x35: {  	s10 =	sld [smem:$0x3F99];
	_ =	sdelay $0x3  }
0x36: {  	p1 =	seq.s32 s10, $0x1;
	s10 =	sld [smem:$0x3F9A];
	_ =	sdelay $0x3  }
0x37: {  	[smem:$0x3F9A] =	sst s10  }
0x38: {  	s10 =	sld [smem:$0x3F9B]  }
0x39: {  	_ = 	snop;
	(pc) =	sbr.ind lr, $3  }
0x3a: {  	_ = 	snop  }
0x3b: {  	_ = 	snop  }
0x3c: {  	p2 =	seq.s32 s10, $0x1;
	s10 =	sld [smem:$0x3F9A]  }
0x3d: {  	_ =	shalt  }
0x3e: {  	_ =	shalt  }
0x3f: {  	_ =	shalt  }
0x40: {  	_ =	shalt  }
0x41: {  	_ =	shalt  }
0x42: {  	_ =	shalt  }
0x43: {  	_ =	shalt  }
0x44: {  	_ =	shalt  }
0x45: {  	_ =	shalt  }
0x46: {  	_ =	shalt  }
0x47: {  	_ =	shalt  }
0x48: {  	_ =	shalt  }
0x49: {  	_ =	shalt  }
0x4a: {  	_ =	shalt  }
0x4b: {  	_ =	shalt  }
0x4c: {  	_ =	shalt  }
0x4d: {  	_ =	shalt  }
0x4e: {  	_ =	shalt  }
0x4f: {  	_ =	shalt  }
0x50: {  	_ =	shalt  }
0x51: {  	_ =	shalt  }
0x52: {  	_ =	shalt  }
0x53: {  	_ =	shalt  }
0x54: {  	_ =	shalt  }
0x55: {  	_ =	shalt  }
0x56: {  	_ =	shalt  }
0x57: {  	_ =	shalt  }
0x58: {  	_ =	shalt  }
0x59: {  	_ =	shalt  }
0x5a: {  	_ =	shalt  }
0x5b: {  	_ =	shalt  }
0x5c: {  	_ =	shalt  }
0x5d: {  	_ =	shalt  }
0x5e: {  	_ =	shalt  }
0x5f: {  	_ =	shalt  }
0x60: {  	_ =	shalt  }
0x61: {  	_ =	shalt  }
0x62: {  	_ =	shalt  }
0x63: {  	_ =	shalt  }
0x64: {  	_ =	shalt  }
0x65: {  	_ =	shalt  }
0x66: {  	_ =	shalt  }
0x67: {  	_ =	shalt  }
0x68: {  	_ =	shalt  }
0x69: {  	_ =	shalt  }
0x6a: {  	_ =	shalt  }
0x6b: {  	_ =	shalt  }
0x6c: {  	_ =	shalt  }
0x6d: {  	_ =	shalt  }
0x6e: {  	_ =	shalt  }
0x6f: {  	_ =	shalt  }
0x70: {  	_ =	shalt  }
0x71: {  	_ =	shalt  }
0x72: {  	_ =	shalt  }
0x73: {  	_ =	shalt  }
0x74: {  	_ =	shalt  }
0x75: {  	_ =	shalt  }
0x76: {  	_ =	shalt  }
0x77: {  	_ =	shalt  }
0x78: {  	_ =	shalt  }
0x79: {  	_ =	shalt  }
0x7a: {  	_ =	shalt  }
0x7b: {  	_ =	shalt  }
0x7c: {  	_ =	shalt  }
0x7d: {  	_ =	shalt  }
0x7e: {  	_ =	shalt  }
0x7f: {  	_ =	shalt  }
0x80: {  	_ =	shalt  }
0x81: {  	_ =	shalt  }
0x82: {  	_ =	shalt  }
0x83: {  	_ =	shalt  }
0x84: {  	_ =	shalt  }
0x85: {  	_ =	shalt  }
0x86: {  	_ =	shalt  }
0x87: {  	_ =	shalt  }
.Lfunc_end0:
.L_simem_size_0:
called_computation.1_lowered:
.L_overlay_start_0:
0x88: {  	s2 =	sld [smem:$0x3FD9]  }
0x89: {  	s3 =	sld [smem:$0x3FFE];
	_ =	sdelay $0x1  }
0x8a: {  	s1 =	srdreg.scid  }
0x8b: {  	s0 =	sand.u32 $0x1, s1  }
0x8c: {  	s16 =	sshll.u32 s0, $0xA;
	s2 =	sadd.s32 s3, s2  }
0x8d: {  	s2 =	sadd.s32 s2, s16  }
0x8e: {  	[smem:$0x3FA6] =	sst s2  }
0x8f: {  	_ = 	snop  }
0x90: {  	(tm) =	ssettm $0x1  }
0x91: {  	s17 =	sld [smem:$0x3FFB];
	_ =	sdelay $0x3  }
0x92: {  	_ =	strace s17  }
0x93: {  	s2 =	sld [smem:$0x3FFC];
	_ =	sdelay $0x3  }
0x94: {  	_ =	strace s2  }
0x95: {  	s2 =	sld [smem:$0x3FFD];
	_ =	sdelay $0x3  }
0x96: {  	_ =	strace s2  }
0x97: {  	_ =	strace $0x8FFFFFFF  }
0x98: {  	s18 =	sld [smem:$0x3FDB];
	_ =	sdelay $0x1  }
0x99: {  	s19 =	simm.s32 $_scs_section_size  }
0x9a: {  	s4 =	simm.s32 $_size__tile_overlayer_lowered;
	s5 =	simm.s32 $_tile_overlayer_lowered  }
0x9b: {  	s22 =	simm.s32 $0x1BFF;
	s21 =	sshll.u32 s5, $0x1;
	s2 =	sadd.s32 s19, s18  }
0x9c: {  	s6 =	simm.s32 $0x0;
	s20 =	sshll.u32 s4, $0x1;
	s4 =	sadd.s32 s21, s2  }
0x9d: {  	[timem:s6], [sflag:s22] =	dma.local [hbm:s4], s20  }
0x9e: {  	_ =	swait.ge [sflag:s22], s20  }
0x9f: {  	s3 =	ssub.s32 $0x0, s20;
	[sflag:s22] =	ssyncset.done $0x0  }
0xa0: {  	[sflag:s22] =	ssyncadd.s32 s3;
	_ =	sdelay $0x1  }
0xa1: {  	s23 =	simm.s32 $0x1B8B  }
0xa2: {  	_ =	swait.ge [sflag:s23], $0x1  }
0xa3: {  	[sflag:s23] =	ssyncset.done $0x0  }
0xa4: {  	s25 =	simm.s32 $0x1B8E;
	s24 =	sld [smem:$0x3FFE];
	[sflag:s23] =	ssyncadd.s32 $0xFFFFFFFF  }
0xa5: {  	s26 =	simm.s32 $execute0_lowered;
	[smem:$0x3FD2] =	sst s25  }
0xa6: {  	s4 =	sshll.u32 s26, $0x1;
	_ =	strace $0x80000049;
	[dreg:$0x1] =	wrdreg $0xFFFFFFFF  }
0xa7: {  	s28 =	simm.s32 $_size_execute0_lowered;
	s2 =	sadd.s32 s2, s4;
	[dreg:$0x0] =	wrdreg $0x0  }
0xa8: {  	s4 =	sshll.u32 s28, $0x1;
	[dreg:$0x2] =	wrdreg s2  }
0xa9: {  	[dreg:$0x3] =	wrdreg s4  }
0xaa: {  	[dreg:$0x4] =	wrdreg $0xC0  }
0xab: {  	_ =	task [dreg:s6], $0x5FFFF  }
0xac: {  	[dreg:$0x1] =	wrdreg $0xFFFFFFFF  }
0xad: {  	[dreg:$0x0] =	wrdreg $0x60  }
0xae: {  	[dreg:$0x2] =	wrdreg s24  }
0xaf: {  	[dreg:$0x3] =	wrdreg $0xA0000  }
0xb0: {  	[dreg:$0x4] =	wrdreg $0x9  }
0xb1: {  	_ =	task.clear_ibuf [dreg:s6], $0x5FFFF;
	_ =	strace $0x90000049  }
0xb2: {  	s29 =	simm.s32 $0x9;
	_ =	strace $0x8000004B  }
0xb3: {  	_ =	swait.ge [sflag:s29], $0x1  }
0xb4: {  	[sflag:s29] =	ssyncadd.s32 $0xFFFFFFFF  }
0xb5: {  	_ =	strace $0x9000004B  }
0xb6: {  	_ =	sfence  }
0xb7: {  	s30 =	sld [smem:$0x0];
	_ =	sdelay $0x2  }
0xb8: {  	s31 =	sshll.u32 s1, $0xD;
	s1 =	sshrl.u32 s1, $0x2  }
0xb9: {  	s3 =	sand.u32 $0x4000, s31;
	s1 =	sadd.s32 s1, s30  }
0xba: {  	s0 =	sor.u32 s3, s0;
	s1 =	sshll.u32 s1, $0x11  }
0xbb: {  	s0 =	sor.u32 s1, s0  }
0xbc: {  	s0 =	sadd.s32 $0x8F2B, s0  }
0xbd: {  	[sflag:s0] =	ssyncadd.remote.s32 $0x1  }
0xbe: {  	_ =	sfence.sel $0xFFFF  }
0xbf: {  	[dreg:$0x0] =	wrdreg $0xFFFFFFFF;
	(pc) =	sbr.abs _section_cstart, $3  }
0xc0: {  	[dreg:$0x1] =	wrdreg $0xFFFFFFFF  }
0xc1: {  	_ =	task.clear_ibuf [dreg:s6], $0x2FFFF;
	_ =	strace $0x9FFFFFFF  }
0xc2: {  	(tm) =	ssettm $0x7FFFFFFF  }
0xc3: {  	_ =	shalt  }
tec
execute0_lowered:
.L_overlay_start_1:
0x0: {  	(tag) =	ssettag $0x1  }
0x1: {  	s8 =	rddreg [dreg:$0x0]  }
0x2: {  	s2 =	rddreg [dreg:$0x1]  }
0x3: {  	s0 =	rddreg [dreg:$0x2];
	s3 =	simm.s32 $0x0;
	s1 =	stileid.u32  }
0x4: {  	s7 =	srdreg.scid;
	s16 =	simm.s32 $0x1000;
	s17 =	simm.s32 $0x80  }
0x5: {  	s18 =	simm.s32 $0x2000;
	s19 =	simm.s32 $0x6000;
	s20 =	simm.s32 $0x1  }
0x6: {  	s21 =	simm.s32 $0x2;
	s22 =	simm.s32 $0xF80;
	s23 =	simm.s32 $0x1F00  }
0x7: {  	s24 =	simm.s32 $0x1F80;
	[smem:$0x7FF] =	sst s3;
	s6 =	smul.u32 $0xA00, s1  }
0x8: {  	s4 =	sadd.s32 $0x1E200, s8;
	s5 =	sadd.s32 $0x45400, s8;
	s14 =	sand.u32 $0x1, s7  }
0x9: {  	s10 =	smul.u32 $0x4F000, s1;
	s7 =	sadd.s32 $0x6C600, s8;
	s31 =	sshll.u32 s1, $0x6  }
0xa: {  	_ =	strace $0x8000004A;
	s9 =	ssub.s32 $0x2, s14;
	p0 =	sne.s32 s14, $0x0  }
.Ltmp0:
0xb: {  	s11 =	sadd.s32 s6, s8;
	s6 =	sadd.s32 $0xBA800, s8;
	(pc) =	sbr.rel .LBB2_1-.Ltmp0, $4  }
0xc: {  	s8 =	sadd.s32 $0xBD000, s8;
	s12 =	sshrl.u32 s9, $0x1;
	s30 =	sshrl.u32 s10, $0x2  }
0xd: {  	s13 =	ssub.s32 s9, s12;
	s15 =	sadd.s32 s30, s2;
	s9 =	sor.u32 $0x1C03, s31  }
0xe: {  	s10 =	sadd.s32 $0xA200, s11;
	s11 =	sadd.s32 $0x14200, s11;
	s12 =	smul.u32 $0x2780, s1  }
0xf: {  	s13 =	smax.u32 s13, $0x1;
	s14 =	sshrl.u32 s15, $0x3;
	s15 =	simm.s32 $0x3  }
.LBB2_10:
0x10: {  	s3 =	sadd.s32 $0x1, s3  }
0x11: {  	p1 =	sne.s32 s3, s13  }
.Ltmp1:
0x12: {  	s25 =	sadd.s32 s25, s12;
	[bflag:$0x0] =	sbarrier.arrive $0xFFFF;
	(pc) =	sbr.rel @!p1 .LBB2_11-.Ltmp1, $4  }
0x13: {  	[hbm:s25], [sflag:s9] =	dma.local [spmem:s14], $0x2780  }
0x14: {  	_ =	swait.ge [sflag:s15], $0x2780  }
0x15: {  	[sflag:s15] =	ssyncset.done $0x0  }
0x16: {  	[sflag:s15] =	ssyncadd.s32 $0xFFFFD880  }
.LBB2_1:
0x17: {  	[spmem:s14], [sflag:s9] =	dma.local [hbm:s6], $0x2780  }
.Ltmp2:
0x18: {  	_ =	swait.ge [sflag:s15], $0x2780;
	(pc) =	sbr.rel @p0 .LBB2_6-.Ltmp2, $4  }
0x19: {  	[sflag:s15] =	ssyncset.done $0x0  }
0x1a: {  	[sflag:s15] =	ssyncadd.s32 $0xFFFFD880  }
0x1b: {  	[bflag:$0x0] =	sbarrier.arrive $0xFFFF  }
0x1c: {  	s25 =	simm.s32 $0x0;
	s26 =	simm.s32 $0x0  }
.LBB2_2:
0x1d: {  	s26 =	sshll.u32 s25, $0x9  }
0x1e: {  	s29 =	simm.s32 $0x0;
	s28 =	sadd.s32 s26, s10  }
0x1f: {  	[tilespmem:s29], [sflag:$0x3] =	stream.linear.gather [hbm4b:s28+s29], $0x1000, $0x38;
	[tilespmem:$0x1DC00] =	vst v63  }
0x20: {  	_ =	swait.ge [sflag:s15], $0x1000  }
0x21: {  	[sflag:s15] =	ssyncset.done $0x0  }
0x22: {  	s26 =	sadd.s32 s26, s11;
	[sflag:s15] =	ssyncadd.s32 $0xFFFFF000  }
0x23: {  	[tilespmem:s16], [sflag:$0x3] =	stream.linear.gather [hbm4b:s26+s29], $0x1000, $0x38;
	[tilespmem:$0x1DC00] =	vst v63  }
0x24: {  	_ =	swait.ge [sflag:s15], $0x1000  }
0x25: {  	[sflag:s15] =	ssyncset.done $0x0  }
0x26: {  	[sflag:s15] =	ssyncadd.s32 $0xFFFFF000  }
0x27: {  	[tilespmem:s18], [sflag:$0x1] =	stream.indirect.gather [hbm4b:s4+s17], $0x80, s29, s17, $0xb8;
	[tilespmem:$0x1DC00] =	vst v63  }
0x28: {  	s31 =	simm.s32 $0x80  }
0x29: {  	[tilespmem:s19], [sflag:$0x2] =	stream.indirect.gather [hbm4b:s4+s17], $0x80, s31, s17, $0xb8;
	[tilespmem:$0x1DC00] =	vst v63  }
0x2a: {  	_ =	swait.ge [sflag:s20], $0x4000  }
0x2b: {  	[sflag:s20] =	ssyncset.done $0x0  }
0x2c: {  	s29 =	simm.s32 $0x1000;
	[sflag:s20] =	ssyncadd.s32 $0xFFFFC000  }
0x2d: {  	[spmem:s2] =	stream.indirect.scatter.add.f32 [tilespmem:s18], [sflag:$0x3], $0x80, s29, s17, $0xb8;
	[tilespmem:$0x1DC00] =	vst v63  }
0x2e: {  	_ =	swait.ge [sflag:s15], $0x4000  }
0x2f: {  	[sflag:s15] =	ssyncset.done $0x0  }
0x30: {  	s30 =	simm.s32 $0x100;
	[sflag:s15] =	ssyncadd.s32 $0xFFFFC000  }
0x31: {  	[tilespmem:s18], [sflag:$0x1] =	stream.indirect.gather [hbm4b:s4+s17], $0x80, s30, s17, $0xb8;
	[tilespmem:$0x1DC00] =	vst v63  }
0x32: {  	_ =	swait.ge [sflag:s21], $0x4000  }
0x33: {  	[sflag:s21] =	ssyncset.done $0x0  }
0x34: {  	s31 =	simm.s32 $0x1080;
	[sflag:s21] =	ssyncadd.s32 $0xFFFFC000  }
0x35: {  	[spmem:s2] =	stream.indirect.scatter.add.f32 [tilespmem:s19], [sflag:$0x3], $0x80, s31, s17, $0xb8;
	[tilespmem:$0x1DC00] =	vst v63  }
0x36: {  	_ =	swait.ge [sflag:s15], $0x4000  }
0x37: {  	s28 =	simm.s32 $0x800;
	s26 =	simm.s32 $0x100;
	[sflag:s15] =	ssyncset.done $0x0  }
.LBB2_3:
0x38: {  	s29 =	sadd.s32 $0x80, s26  }
0x39: {  	[sflag:s15] =	ssyncadd.s32 $0xFFFFC000;
	s30 =	smov.u32 s28;
	s31 =	sadd.s32 $0x400, s28  }
0x3a: {  	[tilespmem:s19], [sflag:$0x2] =	stream.indirect.gather [hbm4b:s4+s17], $0x80, s29, s17, $0xb8;
	[tilespmem:$0x1DC00] =	vst v63  }
0x3b: {  	p1 =	sne.s32 s28, $0x3800;
	_ =	swait.ge [sflag:s20], $0x4000  }
0x3c: {  	[sflag:s20] =	ssyncset.done $0x0  }
0x3d: {  	s28 =	sadd.s32 $0x1000, s26;
	[sflag:s20] =	ssyncadd.s32 $0xFFFFC000  }
0x3e: {  	[spmem:s2] =	stream.indirect.scatter.add.f32 [tilespmem:s18], [sflag:$0x3], $0x80, s28, s17, $0xb8;
	[tilespmem:$0x1DC00] =	vst v63  }
0x3f: {  	_ =	swait.ge [sflag:s15], $0x4000  }
0x40: {  	[sflag:s15] =	ssyncset.done $0x0  }
0x41: {  	s28 =	sadd.s32 $0x100, s26;
	[sflag:s15] =	ssyncadd.s32 $0xFFFFC000  }
0x42: {  	[tilespmem:s18], [sflag:$0x1] =	stream.indirect.gather [hbm4b:s4+s17], $0x80, s28, s17, $0xb8;
	[tilespmem:$0x1DC00] =	vst v63  }
0x43: {  	_ =	swait.ge [sflag:s21], $0x4000  }
.Ltmp3:
0x44: {  	[sflag:s21] =	ssyncset.done $0x0;
	(pc) =	sbr.rel @p1 .LBB2_3-.Ltmp3, $4  }
0x45: {  	s26 =	sadd.s32 $0x1080, s26;
	[sflag:s21] =	ssyncadd.s32 $0xFFFFC000  }
0x46: {  	[spmem:s2] =	stream.indirect.scatter.add.f32 [tilespmem:s19], [sflag:$0x3], $0x80, s26, s17, $0xb8;
	[tilespmem:$0x1DC00] =	vst v63  }
0x47: {  	_ =	swait.ge [sflag:s15], $0x4000  }
0x48: {  	s28 =	smov.u32 s31;
	s26 =	sshra.s32 s30, $0x2;
	[sflag:s15] =	ssyncset.done $0x0  }
0x49: {  	s28 =	sadd.s32 $0x80, s26;
	[sflag:s15] =	ssyncadd.s32 $0xFFFFC000  }
0x4a: {  	[tilespmem:s19], [sflag:$0x2] =	stream.indirect.gather [hbm4b:s4+s17], $0x80, s28, s17, $0xb8;
	[tilespmem:$0x1DC00] =	vst v63  }
0x4b: {  	_ =	swait.ge [sflag:s20], $0x4000  }
0x4c: {  	[sflag:s20] =	ssyncset.done $0x0  }
0x4d: {  	s29 =	sadd.s32 $0x1000, s26;
	[sflag:s20] =	ssyncadd.s32 $0xFFFFC000  }
0x4e: {  	[spmem:s2] =	stream.indirect.scatter.add.f32 [tilespmem:s18], [sflag:$0x3], $0x80, s29, s17, $0xb8;
	[tilespmem:$0x1DC00] =	vst v63  }
0x4f: {  	_ =	swait.ge [sflag:s15], $0x4000  }
0x50: {  	[sflag:s15] =	ssyncset.done $0x0  }
0x51: {  	s30 =	sadd.s32 $0x100, s26;
	[sflag:s15] =	ssyncadd.s32 $0xFFFFC000  }
0x52: {  	[tilespmem:s18], [sflag:$0x1] =	stream.indirect.gather [hbm4b:s4+s17], $0x80, s30, s17, $0xb8;
	[tilespmem:$0x1DC00] =	vst v63  }
0x53: {  	_ =	swait.ge [sflag:s21], $0x4000  }
0x54: {  	[sflag:s21] =	ssyncset.done $0x0  }
0x55: {  	s31 =	sadd.s32 $0x1080, s26;
	[sflag:s21] =	ssyncadd.s32 $0xFFFFC000  }
0x56: {  	[spmem:s2] =	stream.indirect.scatter.add.f32 [tilespmem:s19], [sflag:$0x3], $0x80, s31, s17, $0xb8;
	[tilespmem:$0x1DC00] =	vst v63  }
0x57: {  	_ =	swait.ge [sflag:s15], $0x4000  }
0x58: {  	[sflag:s15] =	ssyncset.done $0x0  }
0x59: {  	[sflag:s15] =	ssyncadd.s32 $0xFFFFC000  }
0x5a: {  	[tilespmem:s19], [sflag:$0x2] =	stream.indirect.gather [hbm4b:s4+s17], $0x80, s22, s17, $0xb8;
	[tilespmem:$0x1DC00] =	vst v63  }
0x5b: {  	_ =	swait.ge [sflag:s20], $0x4000  }
0x5c: {  	[sflag:s20] =	ssyncset.done $0x0  }
0x5d: {  	[sflag:s20] =	ssyncadd.s32 $0xFFFFC000  }
0x5e: {  	[spmem:s2] =	stream.indirect.scatter.add.f32 [tilespmem:s18], [sflag:$0x3], $0x80, s23, s17, $0xb8;
	[tilespmem:$0x1DC00] =	vst v63  }
0x5f: {  	_ =	swait.ge [sflag:s15], $0x4000  }
0x60: {  	[sflag:s15] =	ssyncset.done $0x0  }
0x61: {  	[sflag:s15] =	ssyncadd.s32 $0xFFFFC000  }
0x62: {  	s25 =	sadd.s32 $0x1, s25;
	_ =	swait.ge [sflag:s21], $0x4000  }
0x63: {  	p1 =	seq.s32 s25, $0x5;
	[sflag:s21] =	ssyncset.done $0x0  }
.Ltmp4:
0x64: {  	[sflag:s21] =	ssyncadd.s32 $0xFFFFC000;
	(pc) =	sbr.rel @!p1 .LBB2_2-.Ltmp4, $4  }
0x65: {  	[spmem:s2] =	stream.indirect.scatter.add.f32 [tilespmem:s19], [sflag:$0x3], $0x80, s24, s17, $0xb8;
	[tilespmem:$0x1DC00] =	vst v63  }
0x66: {  	_ =	swait.ge [sflag:s15], $0x4000  }
0x67: {  	[sflag:s15] =	ssyncset.done $0x0  }
0x68: {  	[sflag:s15] =	ssyncadd.s32 $0xFFFFC000  }
.Ltmp5:
0x69: {  	(pc) =	sbr.rel .LBB2_10-.Ltmp5, $2  }
0x6a: {  	_ =	sdelay $0x2  }
0x6b: {  	s25 =	smov.u32 s7  }
.LBB2_6:
0x6c: {  	s25 =	sshll.u32 s26, $0x9  }
0x6d: {  	s29 =	simm.s32 $0x0;
	s28 =	sadd.s32 s25, s10  }
0x6e: {  	[tilespmem:s29], [sflag:$0x3] =	stream.linear.gather [hbm4b:s28+s29], $0x1000, $0x38;
	[tilespmem:$0x1DC00] =	vst v63  }
0x6f: {  	_ =	swait.ge [sflag:s15], $0x1000  }
0x70: {  	[sflag:s15] =	ssyncset.done $0x0  }
0x71: {  	s25 =	sadd.s32 s25, s11;
	[sflag:s15] =	ssyncadd.s32 $0xFFFFF000  }
0x72: {  	[tilespmem:s16], [sflag:$0x3] =	stream.linear.gather [hbm4b:s25+s29], $0x1000, $0x38;
	[tilespmem:$0x1DC00] =	vst v63  }
0x73: {  	_ =	swait.ge [sflag:s15], $0x1000  }
0x74: {  	[sflag:s15] =	ssyncset.done $0x0  }
0x75: {  	[sflag:s15] =	ssyncadd.s32 $0xFFFFF000  }
0x76: {  	[tilespmem:s18], [sflag:$0x1] =	stream.indirect.gather [hbm4b:s5+s17], $0x80, s29, s17, $0xb8;
	[tilespmem:$0x1DC00] =	vst v63  }
0x77: {  	s31 =	simm.s32 $0x80  }
0x78: {  	[tilespmem:s19], [sflag:$0x2] =	stream.indirect.gather [hbm4b:s5+s17], $0x80, s31, s17, $0xb8;
	[tilespmem:$0x1DC00] =	vst v63  }
0x79: {  	_ =	swait.ge [sflag:s20], $0x4000  }
0x7a: {  	[sflag:s20] =	ssyncset.done $0x0  }
0x7b: {  	s29 =	simm.s32 $0x1000;
	[sflag:s20] =	ssyncadd.s32 $0xFFFFC000  }
0x7c: {  	[spmem:s2] =	stream.indirect.scatter.add.f32 [tilespmem:s18], [sflag:$0x3], $0x80, s29, s17, $0xb8;
	[tilespmem:$0x1DC00] =	vst v63  }
0x7d: {  	_ =	swait.ge [sflag:s15], $0x4000  }
0x7e: {  	[sflag:s15] =	ssyncset.done $0x0  }
0x7f: {  	s30 =	simm.s32 $0x100;
	[sflag:s15] =	ssyncadd.s32 $0xFFFFC000  }
0x80: {  	[tilespmem:s18], [sflag:$0x1] =	stream.indirect.gather [hbm4b:s5+s17], $0x80, s30, s17, $0xb8;
	[tilespmem:$0x1DC00] =	vst v63  }
0x81: {  	_ =	swait.ge [sflag:s21], $0x4000  }
0x82: {  	[sflag:s21] =	ssyncset.done $0x0  }
0x83: {  	s31 =	simm.s32 $0x1080;
	[sflag:s21] =	ssyncadd.s32 $0xFFFFC000  }
0x84: {  	[spmem:s2] =	stream.indirect.scatter.add.f32 [tilespmem:s19], [sflag:$0x3], $0x80, s31, s17, $0xb8;
	[tilespmem:$0x1DC00] =	vst v63  }
0x85: {  	_ =	swait.ge [sflag:s15], $0x4000  }
0x86: {  	s28 =	simm.s32 $0x800;
	s25 =	simm.s32 $0x100;
	[sflag:s15] =	ssyncset.done $0x0  }
.LBB2_7:
0x87: {  	s29 =	sadd.s32 $0x80, s25  }
0x88: {  	[sflag:s15] =	ssyncadd.s32 $0xFFFFC000;
	s30 =	smov.u32 s28;
	s31 =	sadd.s32 $0x400, s28  }
0x89: {  	[tilespmem:s19], [sflag:$0x2] =	stream.indirect.gather [hbm4b:s5+s17], $0x80, s29, s17, $0xb8;
	[tilespmem:$0x1DC00] =	vst v63  }
0x8a: {  	p1 =	sne.s32 s28, $0x3800;
	_ =	swait.ge [sflag:s20], $0x4000  }
0x8b: {  	[sflag:s20] =	ssyncset.done $0x0  }
0x8c: {  	s28 =	sadd.s32 $0x1000, s25;
	[sflag:s20] =	ssyncadd.s32 $0xFFFFC000  }
0x8d: {  	[spmem:s2] =	stream.indirect.scatter.add.f32 [tilespmem:s18], [sflag:$0x3], $0x80, s28, s17, $0xb8;
	[tilespmem:$0x1DC00] =	vst v63  }
0x8e: {  	_ =	swait.ge [sflag:s15], $0x4000  }
0x8f: {  	[sflag:s15] =	ssyncset.done $0x0  }
0x90: {  	s28 =	sadd.s32 $0x100, s25;
	[sflag:s15] =	ssyncadd.s32 $0xFFFFC000  }
0x91: {  	[tilespmem:s18], [sflag:$0x1] =	stream.indirect.gather [hbm4b:s5+s17], $0x80, s28, s17, $0xb8;
	[tilespmem:$0x1DC00] =	vst v63  }
0x92: {  	_ =	swait.ge [sflag:s21], $0x4000  }
.Ltmp6:
0x93: {  	[sflag:s21] =	ssyncset.done $0x0;
	(pc) =	sbr.rel @p1 .LBB2_7-.Ltmp6, $4  }
0x94: {  	s25 =	sadd.s32 $0x1080, s25;
	[sflag:s21] =	ssyncadd.s32 $0xFFFFC000  }
0x95: {  	[spmem:s2] =	stream.indirect.scatter.add.f32 [tilespmem:s19], [sflag:$0x3], $0x80, s25, s17, $0xb8;
	[tilespmem:$0x1DC00] =	vst v63  }
0x96: {  	_ =	swait.ge [sflag:s15], $0x4000  }
0x97: {  	s28 =	smov.u32 s31;
	s25 =	sshra.s32 s30, $0x2;
	[sflag:s15] =	ssyncset.done $0x0  }
0x98: {  	s28 =	sadd.s32 $0x80, s25;
	[sflag:s15] =	ssyncadd.s32 $0xFFFFC000  }
0x99: {  	[tilespmem:s19], [sflag:$0x2] =	stream.indirect.gather [hbm4b:s5+s17], $0x80, s28, s17, $0xb8;
	[tilespmem:$0x1DC00] =	vst v63  }
0x9a: {  	_ =	swait.ge [sflag:s20], $0x4000  }
0x9b: {  	[sflag:s20] =	ssyncset.done $0x0  }
0x9c: {  	s29 =	sadd.s32 $0x1000, s25;
	[sflag:s20] =	ssyncadd.s32 $0xFFFFC000  }
0x9d: {  	[spmem:s2] =	stream.indirect.scatter.add.f32 [tilespmem:s18], [sflag:$0x3], $0x80, s29, s17, $0xb8;
	[tilespmem:$0x1DC00] =	vst v63  }
0x9e: {  	_ =	swait.ge [sflag:s15], $0x4000  }
0x9f: {  	[sflag:s15] =	ssyncset.done $0x0  }
0xa0: {  	s30 =	sadd.s32 $0x100, s25;
	[sflag:s15] =	ssyncadd.s32 $0xFFFFC000  }
0xa1: {  	[tilespmem:s18], [sflag:$0x1] =	stream.indirect.gather [hbm4b:s5+s17], $0x80, s30, s17, $0xb8;
	[tilespmem:$0x1DC00] =	vst v63  }
0xa2: {  	_ =	swait.ge [sflag:s21], $0x4000  }
0xa3: {  	[sflag:s21] =	ssyncset.done $0x0  }
0xa4: {  	s31 =	sadd.s32 $0x1080, s25;
	[sflag:s21] =	ssyncadd.s32 $0xFFFFC000  }
0xa5: {  	[spmem:s2] =	stream.indirect.scatter.add.f32 [tilespmem:s19], [sflag:$0x3], $0x80, s31, s17, $0xb8;
	[tilespmem:$0x1DC00] =	vst v63  }
0xa6: {  	_ =	swait.ge [sflag:s15], $0x4000  }
0xa7: {  	[sflag:s15] =	ssyncset.done $0x0  }
0xa8: {  	[sflag:s15] =	ssyncadd.s32 $0xFFFFC000  }
0xa9: {  	[tilespmem:s19], [sflag:$0x2] =	stream.indirect.gather [hbm4b:s5+s17], $0x80, s22, s17, $0xb8;
	[tilespmem:$0x1DC00] =	vst v63  }
0xaa: {  	_ =	swait.ge [sflag:s20], $0x4000  }
0xab: {  	[sflag:s20] =	ssyncset.done $0x0  }
0xac: {  	[sflag:s20] =	ssyncadd.s32 $0xFFFFC000  }
0xad: {  	[spmem:s2] =	stream.indirect.scatter.add.f32 [tilespmem:s18], [sflag:$0x3], $0x80, s23, s17, $0xb8;
	[tilespmem:$0x1DC00] =	vst v63  }
0xae: {  	_ =	swait.ge [sflag:s15], $0x4000  }
0xaf: {  	[sflag:s15] =	ssyncset.done $0x0  }
0xb0: {  	[sflag:s15] =	ssyncadd.s32 $0xFFFFC000  }
0xb1: {  	s26 =	sadd.s32 $0x1, s26;
	_ =	swait.ge [sflag:s21], $0x4000  }
0xb2: {  	p1 =	sne.s32 s26, $0x5;
	[sflag:s21] =	ssyncset.done $0x0  }
.Ltmp7:
0xb3: {  	[sflag:s21] =	ssyncadd.s32 $0xFFFFC000;
	(pc) =	sbr.rel @p1 .LBB2_6-.Ltmp7, $4  }
0xb4: {  	[spmem:s2] =	stream.indirect.scatter.add.f32 [tilespmem:s19], [sflag:$0x3], $0x80, s24, s17, $0xb8;
	[tilespmem:$0x1DC00] =	vst v63  }
0xb5: {  	_ =	swait.ge [sflag:s15], $0x4000  }
0xb6: {  	[sflag:s15] =	ssyncset.done $0x0  }
0xb7: {  	[sflag:s15] =	ssyncadd.s32 $0xFFFFC000  }
.Ltmp8:
0xb8: {  	(pc) =	sbr.rel .LBB2_10-.Ltmp8, $2  }
0xb9: {  	_ =	sdelay $0x2  }
0xba: {  	s25 =	smov.u32 s8  }
.LBB2_11:
0xbb: {  	_ =	sfence.sel $0x180000  }
0xbc: {  	[bflag:$0x0] =	sbarrier.arrive $0xFFFF  }
0xbd: {  	p0 =	sne.s32 s1, $0x0;
	_ =	strace $0x9000004A  }
0xbe: {  	s0 =	sadd.s32 @!p0 $0x100000, s0;
	[bflag:$0x2] =	sbarrier.arrive $0xFFFF  }
0xbf: {  	[sflag:s0] =	ssyncadd.tile.s32 @!p0 $0x1;
	_ =	shalt  }
.Lfunc_end2:
_tile_overlayer_lowered:
.L_overlay_start_2:
0xc0: {  	(tag) =	ssettag $0x2  }
0xc1: {  	s0 =	rddreg [dreg:$0x0];
	s2 =	stileid.u32  }
0xc2: {  	s1 =	rddreg [dreg:$0x1];
	p0 =	sne.s32 s2, $0x0  }
0xc3: {  	s3 =	rddreg [dreg:$0x2];
	[bflag:$0x3] =	sbarrier.arrive $0xFFFF;
	s2 =	simm.s32 @!p0 $0x1C03  }
0xc4: {  	[timem:s3], [sflag:s2] =	dma.local @!p0 [hbm:s0], s1  }
0xc5: {  	s0 =	simm.s32 @!p0 $0x3  }
0xc6: {  	_ =	swait.ge @!p0 [sflag:s0], s1  }
0xc7: {  	s1 =	ssub.s32 @!p0 $0x0, s1;
	[sflag:s0] =	ssyncset.done @!p0 $0x0  }
0xc8: {  	[sflag:s0] =	ssyncadd.s32 @!p0 s1  }
0xc9: {  	[bflag:$0x3] =	sbarrier.arrive $0xFFFF  }
0xca: {  	_ =	shalt  }

// kernel: kernel.22.cloned.1.call-start
scs
__scs_entry_jumppad:
0x0: {  	(pc) =	sbr.rel $0x88, $3  }
0x1: {  	(tag) =	ssettag $0x0;
	lr =	simm.s32 $0x1  }
0x2: {  	[smem:$0x3F7F] =	sst lr;
	_ =	strace $0xD0000000  }
0x3: {  	_ = 	snop  }
0x4: {  	_ = 	snop  }
0x5: {  	_ = 	snop  }
0x6: {  	_ = 	snop  }
0x7: {  	_ = 	snop  }
__scs_overlays_trampoline_lowered:
0x8: {  	[smem:$0x3F8E] =	sst s0  }
0x9: {  	[smem:$0x3F8F] =	sst s1  }
0xa: {  	[smem:$0x3F90] =	sst s2  }
0xb: {  	[smem:$0x3F91] =	sst s3  }
0xc: {  	[smem:$0x3F92] =	sst s4  }
0xd: {  	[smem:$0x3F93] =	sst s5  }
0xe: {  	[smem:$0x3F94] =	sst s6  }
0xf: {  	[smem:$0x3F95] =	sst s7  }
0x10: {  	[smem:$0x3F96] =	sst s8  }
0x11: {  	[smem:$0x3F97] =	sst s9;
	s0 =	simm.s32 @!p0 $0x0  }
0x12: {  	s1 =	sld [smem:$0x3F7D];
	s0 =	simm.s32 @p0 $0x1  }
0x13: {  	[smem:$0x3F98] =	sst s0;
	s0 =	simm.s32 @!p1 $0x0  }
0x14: {  	s2 =	sld [smem:$0x3F7C];
	s0 =	simm.s32 @p1 $0x1  }
0x15: {  	[smem:$0x3F99] =	sst s0;
	s0 =	simm.s32 @!p2 $0x0  }
0x16: {  	s3 =	sld [smem:$0x3FDB];
	s0 =	simm.s32 @p2 $0x1  }
0x17: {  	s4 =	simm.s32 $0x1BF5;
	[smem:$0x3F9B] =	sst s0  }
0x18: {  	s0 =	sld [smem:$0x3F7E];
	_ =	swait.ge [sflag:s4], $0x0  }
0x19: {  	s7 =	sld [smem:$0x3F7F]  }
0x1a: {  	s8 =	sadd.s32 $0xFFFFE003, lr  }
0x1b: {  	s9 =	sadd.s32 $0xFFFFFEF7, lr;
	s5 =	simm.s32 $0xFFFFFFFF;
	p2 =	slt.u32 s8, $0xFFFFF086  }
0x1c: {  	p1 =	slt.u32 s9, $0xF7A;
	s5 =	simm.s32 @!p2 $0x0  }
0x1d: {  	s5 =	simm.s32 @p1 $0x1;
	p0 =	seq.s32 s7, s2  }
0x1e: {  	s7 =	smul.u32 @!p0 $0xF7A, s2;
	p2 =	seq.s32 @!p0 s5, $0x0  }
0x1f: {  	s9 =	smul.u32 $0xF7A, s1;
	s8 =	simm.s32 @!p0 $0x1BF5;
	p2 =	por !p2, p0  }
0x20: {  	[sflag:s8] =	ssyncset.s32 @!p0 $0xFFFFF086;
	s6 =	sadd.s32 @!p0 s3, s7;
	s7 =	simm.s32 @!p0 $0x108  }
0x21: {  	s3 =	sadd.s32 s3, s9;
	s6 =	sadd.s32 @!p0 $0x88, s6;
	s7 =	simm.s32 @p2 $0x1082  }
0x22: {  	[simem:s7], [sflag:s8] =	dma.local @!p0 [hbm:s6], $0xF7A  }
0x23: {  	s9 =	sor.u32 $0xD0000000, s2;
	s6 =	simm.s32 $0x108;
	_ =	swait.ge @!p0 [sflag:s8], $0x0  }
0x24: {  	s3 =	sadd.s32 $0x88, s3;
	s6 =	simm.s32 @!p1 $0x1082;
	[sflag:s4] =	ssyncset.s32 $0xFFFFF086  }
0x25: {  	[simem:s6], [sflag:s4] =	dma.local [hbm:s3], $0xF7A  }
0x26: {  	[smem:$0x3F7F] =	sst s1;
	(tag) =	ssettag s2;
	_ =	strace s9  }
0x27: {  	s1 =	sld [smem:$0x3F8F]  }
0x28: {  	s2 =	sld [smem:$0x3F90]  }
0x29: {  	s4 =	sld [smem:$0x3F92]  }
0x2a: {  	p0 =	seq.s32 s5, $0x0;
	s5 =	sld [smem:$0x3F93]  }
0x2b: {  	s6 =	sld [smem:$0x3F94]  }
0x2c: {  	s7 =	sld [smem:$0x3F95]  }
0x2d: {  	s3 =	simm.s32 $0x108;
	s8 =	sld [smem:$0x3F96]  }
0x2e: {  	s3 =	simm.s32 @!p0 $0x1082;
	s9 =	sld [smem:$0x3F97]  }
0x2f: {  	lr =	sadd.s32 s0, s3;
	s0 =	sld [smem:$0x3F8E]  }
0x30: {  	s3 =	sld [smem:$0x3F91]  }
0x31: {  	[smem:$0x3F9A] =	sst s10  }
0x32: {  	s10 =	sld [smem:$0x3F98];
	_ =	sdelay $0x3  }
0x33: {  	p0 =	seq.s32 s10, $0x1;
	s10 =	sld [smem:$0x3F9A];
	_ =	sdelay $0x3  }
0x34: {  	[smem:$0x3F9A] =	sst s10  }
0x35: {  	s10 =	sld [smem:$0x3F99];
	_ =	sdelay $0x3  }
0x36: {  	p1 =	seq.s32 s10, $0x1;
	s10 =	sld [smem:$0x3F9A];
	_ =	sdelay $0x3  }
0x37: {  	[smem:$0x3F9A] =	sst s10  }
0x38: {  	s10 =	sld [smem:$0x3F9B]  }
0x39: {  	_ = 	snop;
	(pc) =	sbr.ind lr, $3  }
0x3a: {  	_ = 	snop  }
0x3b: {  	_ = 	snop  }
0x3c: {  	p2 =	seq.s32 s10, $0x1;
	s10 =	sld [smem:$0x3F9A]  }
0x3d: {  	_ =	shalt  }
0x3e: {  	_ =	shalt  }
0x3f: {  	_ =	shalt  }
0x40: {  	_ =	shalt  }
0x41: {  	_ =	shalt  }
0x42: {  	_ =	shalt  }
0x43: {  	_ =	shalt  }
0x44: {  	_ =	shalt  }
0x45: {  	_ =	shalt  }
0x46: {  	_ =	shalt  }
0x47: {  	_ =	shalt  }
0x48: {  	_ =	shalt  }
0x49: {  	_ =	shalt  }
0x4a: {  	_ =	shalt  }
0x4b: {  	_ =	shalt  }
0x4c: {  	_ =	shalt  }
0x4d: {  	_ =	shalt  }
0x4e: {  	_ =	shalt  }
0x4f: {  	_ =	shalt  }
0x50: {  	_ =	shalt  }
0x51: {  	_ =	shalt  }
0x52: {  	_ =	shalt  }
0x53: {  	_ =	shalt  }
0x54: {  	_ =	shalt  }
0x55: {  	_ =	shalt  }
0x56: {  	_ =	shalt  }
0x57: {  	_ =	shalt  }
0x58: {  	_ =	shalt  }
0x59: {  	_ =	shalt  }
0x5a: {  	_ =	shalt  }
0x5b: {  	_ =	shalt  }
0x5c: {  	_ =	shalt  }
0x5d: {  	_ =	shalt  }
0x5e: {  	_ =	shalt  }
0x5f: {  	_ =	shalt  }
0x60: {  	_ =	shalt  }
0x61: {  	_ =	shalt  }
0x62: {  	_ =	shalt  }
0x63: {  	_ =	shalt  }
0x64: {  	_ =	shalt  }
0x65: {  	_ =	shalt  }
0x66: {  	_ =	shalt  }
0x67: {  	_ =	shalt  }
0x68: {  	_ =	shalt  }
0x69: {  	_ =	shalt  }
0x6a: {  	_ =	shalt  }
0x6b: {  	_ =	shalt  }
0x6c: {  	_ =	shalt  }
0x6d: {  	_ =	shalt  }
0x6e: {  	_ =	shalt  }
0x6f: {  	_ =	shalt  }
0x70: {  	_ =	shalt  }
0x71: {  	_ =	shalt  }
0x72: {  	_ =	shalt  }
0x73: {  	_ =	shalt  }
0x74: {  	_ =	shalt  }
0x75: {  	_ =	shalt  }
0x76: {  	_ =	shalt  }
0x77: {  	_ =	shalt  }
0x78: {  	_ =	shalt  }
0x79: {  	_ =	shalt  }
0x7a: {  	_ =	shalt  }
0x7b: {  	_ =	shalt  }
0x7c: {  	_ =	shalt  }
0x7d: {  	_ =	shalt  }
0x7e: {  	_ =	shalt  }
0x7f: {  	_ =	shalt  }
0x80: {  	_ =	shalt  }
0x81: {  	_ =	shalt  }
0x82: {  	_ =	shalt  }
0x83: {  	_ =	shalt  }
0x84: {  	_ =	shalt  }
0x85: {  	_ =	shalt  }
0x86: {  	_ =	shalt  }
0x87: {  	_ =	shalt  }
.Lfunc_end0:
.L_simem_size_0:
called_computation.2_lowered:
.L_overlay_start_0:
0x88: {  	s2 =	sld [smem:$0x3FD9]  }
0x89: {  	s3 =	sld [smem:$0x3FFE];
	_ =	sdelay $0x1  }
0x8a: {  	s1 =	srdreg.scid  }
0x8b: {  	s0 =	sand.u32 $0x1, s1  }
0x8c: {  	s16 =	sshll.u32 s0, $0xA;
	s2 =	sadd.s32 s3, s2  }
0x8d: {  	s2 =	sadd.s32 s2, s16  }
0x8e: {  	[smem:$0x3FA6] =	sst s2  }
0x8f: {  	_ = 	snop  }
0x90: {  	(tm) =	ssettm $0x1  }
0x91: {  	s17 =	sld [smem:$0x3FFB];
	_ =	sdelay $0x3  }
0x92: {  	_ =	strace s17  }
0x93: {  	s2 =	sld [smem:$0x3FFC];
	_ =	sdelay $0x3  }
0x94: {  	_ =	strace s2  }
0x95: {  	s2 =	sld [smem:$0x3FFD];
	_ =	sdelay $0x3  }
0x96: {  	_ =	strace s2  }
0x97: {  	_ =	strace $0x8FFFFFFF  }
0x98: {  	s18 =	sld [smem:$0x3FDB];
	_ =	sdelay $0x1  }
0x99: {  	s19 =	simm.s32 $_scs_section_size  }
0x9a: {  	s4 =	simm.s32 $_size__tile_overlayer_lowered;
	s5 =	simm.s32 $_tile_overlayer_lowered  }
0x9b: {  	s22 =	simm.s32 $0x1BFF;
	s21 =	sshll.u32 s5, $0x1;
	s2 =	sadd.s32 s19, s18  }
0x9c: {  	s6 =	simm.s32 $0x0;
	s20 =	sshll.u32 s4, $0x1;
	s4 =	sadd.s32 s21, s2  }
0x9d: {  	[timem:s6], [sflag:s22] =	dma.local [hbm:s4], s20  }
0x9e: {  	_ =	swait.ge [sflag:s22], s20  }
0x9f: {  	s3 =	ssub.s32 $0x0, s20;
	[sflag:s22] =	ssyncset.done $0x0  }
0xa0: {  	[sflag:s22] =	ssyncadd.s32 s3;
	_ =	sdelay $0x1  }
0xa1: {  	s23 =	simm.s32 $0x1B8B  }
0xa2: {  	_ =	swait.ge [sflag:s23], $0x1  }
0xa3: {  	[sflag:s23] =	ssyncset.done $0x0  }
0xa4: {  	s25 =	simm.s32 $0x1B8E;
	s24 =	sld [smem:$0x3FFE];
	[sflag:s23] =	ssyncadd.s32 $0xFFFFFFFF  }
0xa5: {  	s26 =	simm.s32 $execute0_lowered;
	[smem:$0x3FD2] =	sst s25  }
0xa6: {  	s4 =	sshll.u32 s26, $0x1;
	_ =	strace $0x8000004C;
	[dreg:$0x1] =	wrdreg $0xFFFFFFFF  }
0xa7: {  	s28 =	simm.s32 $_size_execute0_lowered;
	s2 =	sadd.s32 s2, s4;
	[dreg:$0x0] =	wrdreg $0x0  }
0xa8: {  	s4 =	sshll.u32 s28, $0x1;
	[dreg:$0x2] =	wrdreg s2  }
0xa9: {  	[dreg:$0x3] =	wrdreg s4  }
0xaa: {  	[dreg:$0x4] =	wrdreg $0xC0  }
0xab: {  	_ =	task [dreg:s6], $0x5FFFF  }
0xac: {  	[dreg:$0x1] =	wrdreg $0xFFFFFFFF  }
0xad: {  	[dreg:$0x0] =	wrdreg $0x60  }
0xae: {  	[dreg:$0x2] =	wrdreg s24  }
0xaf: {  	[dreg:$0x3] =	wrdreg $0xA0000  }
0xb0: {  	[dreg:$0x4] =	wrdreg $0x9  }
0xb1: {  	_ =	task.clear_ibuf [dreg:s6], $0x5FFFF;
	_ =	strace $0x9000004C  }
0xb2: {  	s29 =	simm.s32 $0x9;
	_ =	strace $0x8000004E  }
0xb3: {  	_ =	swait.ge [sflag:s29], $0x1  }
0xb4: {  	[sflag:s29] =	ssyncadd.s32 $0xFFFFFFFF  }
0xb5: {  	_ =	strace $0x9000004E  }
0xb6: {  	_ =	sfence  }
0xb7: {  	s30 =	sld [smem:$0x0];
	_ =	sdelay $0x2  }
0xb8: {  	s31 =	sshll.u32 s1, $0xD;
	s1 =	sshrl.u32 s1, $0x2  }
0xb9: {  	s3 =	sand.u32 $0x4000, s31;
	s1 =	sadd.s32 s1, s30  }
0xba: {  	s0 =	sor.u32 s3, s0;
	s1 =	sshll.u32 s1, $0x11  }
0xbb: {  	s0 =	sor.u32 s1, s0  }
0xbc: {  	s0 =	sadd.s32 $0x8F2B, s0  }
0xbd: {  	[sflag:s0] =	ssyncadd.remote.s32 $0x1  }
0xbe: {  	_ =	sfence.sel $0xFFFF  }
0xbf: {  	[dreg:$0x0] =	wrdreg $0xFFFFFFFF;
	(pc) =	sbr.abs _section_cstart, $3  }
0xc0: {  	[dreg:$0x1] =	wrdreg $0xFFFFFFFF  }
0xc1: {  	_ =	task.clear_ibuf [dreg:s6], $0x2FFFF;
	_ =	strace $0x9FFFFFFF  }
0xc2: {  	(tm) =	ssettm $0x7FFFFFFF  }
0xc3: {  	_ =	shalt  }
tec
execute0_lowered:
.L_overlay_start_1:
0x0: {  	(tag) =	ssettag $0x1  }
0x1: {  	s8 =	rddreg [dreg:$0x0]  }
0x2: {  	s2 =	rddreg [dreg:$0x1]  }
0x3: {  	s0 =	rddreg [dreg:$0x2];
	s3 =	simm.s32 $0x0;
	s1 =	stileid.u32  }
0x4: {  	s7 =	srdreg.scid;
	s16 =	simm.s32 $0x1000;
	s17 =	simm.s32 $0x80  }
0x5: {  	s18 =	simm.s32 $0x2000;
	s19 =	simm.s32 $0x6000;
	s20 =	simm.s32 $0x1  }
0x6: {  	s21 =	simm.s32 $0x2;
	s22 =	simm.s32 $0xF80;
	s23 =	simm.s32 $0x1F00  }
0x7: {  	s24 =	simm.s32 $0x1F80;
	[smem:$0x7FF] =	sst s3;
	s6 =	smul.u32 $0xA00, s1  }
0x8: {  	s4 =	sadd.s32 $0x1E200, s8;
	s5 =	sadd.s32 $0x45400, s8;
	s14 =	sand.u32 $0x1, s7  }
0x9: {  	s10 =	smul.u32 $0x4F000, s1;
	s7 =	sadd.s32 $0x6C600, s8;
	s31 =	sshll.u32 s1, $0x6  }
0xa: {  	_ =	strace $0x8000004D;
	s9 =	ssub.s32 $0x2, s14;
	p0 =	sne.s32 s14, $0x0  }
.Ltmp0:
0xb: {  	s11 =	sadd.s32 s6, s8;
	s6 =	sadd.s32 $0xBA800, s8;
	(pc) =	sbr.rel .LBB2_1-.Ltmp0, $4  }
0xc: {  	s8 =	sadd.s32 $0xBD000, s8;
	s12 =	sshrl.u32 s9, $0x1;
	s30 =	sshrl.u32 s10, $0x2  }
0xd: {  	s13 =	ssub.s32 s9, s12;
	s15 =	sadd.s32 s30, s2;
	s9 =	sor.u32 $0x1C03, s31  }
0xe: {  	s10 =	sadd.s32 $0xA200, s11;
	s11 =	sadd.s32 $0x14200, s11;
	s12 =	smul.u32 $0x2780, s1  }
0xf: {  	s13 =	smax.u32 s13, $0x1;
	s14 =	sshrl.u32 s15, $0x3;
	s15 =	simm.s32 $0x3  }
.LBB2_10:
0x10: {  	s3 =	sadd.s32 $0x1, s3  }
0x11: {  	p1 =	sne.s32 s3, s13  }
.Ltmp1:
0x12: {  	s25 =	sadd.s32 s25, s12;
	[bflag:$0x0] =	sbarrier.arrive $0xFFFF;
	(pc) =	sbr.rel @!p1 .LBB2_11-.Ltmp1, $4  }
0x13: {  	[hbm:s25], [sflag:s9] =	dma.local [spmem:s14], $0x2780  }
0x14: {  	_ =	swait.ge [sflag:s15], $0x2780  }
0x15: {  	[sflag:s15] =	ssyncset.done $0x0  }
0x16: {  	[sflag:s15] =	ssyncadd.s32 $0xFFFFD880  }
.LBB2_1:
0x17: {  	[spmem:s14], [sflag:s9] =	dma.local [hbm:s6], $0x2780  }
.Ltmp2:
0x18: {  	_ =	swait.ge [sflag:s15], $0x2780;
	(pc) =	sbr.rel @p0 .LBB2_6-.Ltmp2, $4  }
0x19: {  	[sflag:s15] =	ssyncset.done $0x0  }
0x1a: {  	[sflag:s15] =	ssyncadd.s32 $0xFFFFD880  }
0x1b: {  	[bflag:$0x0] =	sbarrier.arrive $0xFFFF  }
0x1c: {  	s25 =	simm.s32 $0x0;
	s26 =	simm.s32 $0x0  }
.LBB2_2:
0x1d: {  	s26 =	sshll.u32 s25, $0x9  }
0x1e: {  	s29 =	simm.s32 $0x0;
	s28 =	sadd.s32 s26, s10  }
0x1f: {  	[tilespmem:s29], [sflag:$0x3] =	stream.linear.gather [hbm4b:s28+s29], $0x1000, $0x38;
	[tilespmem:$0x1DC00] =	vst v63  }
0x20: {  	_ =	swait.ge [sflag:s15], $0x1000  }
0x21: {  	[sflag:s15] =	ssyncset.done $0x0  }
0x22: {  	s26 =	sadd.s32 s26, s11;
	[sflag:s15] =	ssyncadd.s32 $0xFFFFF000  }
0x23: {  	[tilespmem:s16], [sflag:$0x3] =	stream.linear.gather [hbm4b:s26+s29], $0x1000, $0x38;
	[tilespmem:$0x1DC00] =	vst v63  }
0x24: {  	_ =	swait.ge [sflag:s15], $0x1000  }
0x25: {  	[sflag:s15] =	ssyncset.done $0x0  }
0x26: {  	[sflag:s15] =	ssyncadd.s32 $0xFFFFF000  }
0x27: {  	[tilespmem:s18], [sflag:$0x1] =	stream.indirect.gather [hbm4b:s4+s17], $0x80, s29, s17, $0xb8;
	[tilespmem:$0x1DC00] =	vst v63  }
0x28: {  	s31 =	simm.s32 $0x80  }
0x29: {  	[tilespmem:s19], [sflag:$0x2] =	stream.indirect.gather [hbm4b:s4+s17], $0x80, s31, s17, $0xb8;
	[tilespmem:$0x1DC00] =	vst v63  }
0x2a: {  	_ =	swait.ge [sflag:s20], $0x4000  }
0x2b: {  	[sflag:s20] =	ssyncset.done $0x0  }
0x2c: {  	s29 =	simm.s32 $0x1000;
	[sflag:s20] =	ssyncadd.s32 $0xFFFFC000  }
0x2d: {  	[spmem:s2] =	stream.indirect.scatter.add.f32 [tilespmem:s18], [sflag:$0x3], $0x80, s29, s17, $0xb8;
	[tilespmem:$0x1DC00] =	vst v63  }
0x2e: {  	_ =	swait.ge [sflag:s15], $0x4000  }
0x2f: {  	[sflag:s15] =	ssyncset.done $0x0  }
0x30: {  	s30 =	simm.s32 $0x100;
	[sflag:s15] =	ssyncadd.s32 $0xFFFFC000  }
0x31: {  	[tilespmem:s18], [sflag:$0x1] =	stream.indirect.gather [hbm4b:s4+s17], $0x80, s30, s17, $0xb8;
	[tilespmem:$0x1DC00] =	vst v63  }
0x32: {  	_ =	swait.ge [sflag:s21], $0x4000  }
0x33: {  	[sflag:s21] =	ssyncset.done $0x0  }
0x34: {  	s31 =	simm.s32 $0x1080;
	[sflag:s21] =	ssyncadd.s32 $0xFFFFC000  }
0x35: {  	[spmem:s2] =	stream.indirect.scatter.add.f32 [tilespmem:s19], [sflag:$0x3], $0x80, s31, s17, $0xb8;
	[tilespmem:$0x1DC00] =	vst v63  }
0x36: {  	_ =	swait.ge [sflag:s15], $0x4000  }
0x37: {  	s28 =	simm.s32 $0x800;
	s26 =	simm.s32 $0x100;
	[sflag:s15] =	ssyncset.done $0x0  }
.LBB2_3:
0x38: {  	s29 =	sadd.s32 $0x80, s26  }
0x39: {  	[sflag:s15] =	ssyncadd.s32 $0xFFFFC000;
	s30 =	smov.u32 s28;
	s31 =	sadd.s32 $0x400, s28  }
0x3a: {  	[tilespmem:s19], [sflag:$0x2] =	stream.indirect.gather [hbm4b:s4+s17], $0x80, s29, s17, $0xb8;
	[tilespmem:$0x1DC00] =	vst v63  }
0x3b: {  	p1 =	sne.s32 s28, $0x3800;
	_ =	swait.ge [sflag:s20], $0x4000  }
0x3c: {  	[sflag:s20] =	ssyncset.done $0x0  }
0x3d: {  	s28 =	sadd.s32 $0x1000, s26;
	[sflag:s20] =	ssyncadd.s32 $0xFFFFC000  }
0x3e: {  	[spmem:s2] =	stream.indirect.scatter.add.f32 [tilespmem:s18], [sflag:$0x3], $0x80, s28, s17, $0xb8;
	[tilespmem:$0x1DC00] =	vst v63  }
0x3f: {  	_ =	swait.ge [sflag:s15], $0x4000  }
0x40: {  	[sflag:s15] =	ssyncset.done $0x0  }
0x41: {  	s28 =	sadd.s32 $0x100, s26;
	[sflag:s15] =	ssyncadd.s32 $0xFFFFC000  }
0x42: {  	[tilespmem:s18], [sflag:$0x1] =	stream.indirect.gather [hbm4b:s4+s17], $0x80, s28, s17, $0xb8;
	[tilespmem:$0x1DC00] =	vst v63  }
0x43: {  	_ =	swait.ge [sflag:s21], $0x4000  }
.Ltmp3:
0x44: {  	[sflag:s21] =	ssyncset.done $0x0;
	(pc) =	sbr.rel @p1 .LBB2_3-.Ltmp3, $4  }
0x45: {  	s26 =	sadd.s32 $0x1080, s26;
	[sflag:s21] =	ssyncadd.s32 $0xFFFFC000  }
0x46: {  	[spmem:s2] =	stream.indirect.scatter.add.f32 [tilespmem:s19], [sflag:$0x3], $0x80, s26, s17, $0xb8;
	[tilespmem:$0x1DC00] =	vst v63  }
0x47: {  	_ =	swait.ge [sflag:s15], $0x4000  }
0x48: {  	s28 =	smov.u32 s31;
	s26 =	sshra.s32 s30, $0x2;
	[sflag:s15] =	ssyncset.done $0x0  }
0x49: {  	s28 =	sadd.s32 $0x80, s26;
	[sflag:s15] =	ssyncadd.s32 $0xFFFFC000  }
0x4a: {  	[tilespmem:s19], [sflag:$0x2] =	stream.indirect.gather [hbm4b:s4+s17], $0x80, s28, s17, $0xb8;
	[tilespmem:$0x1DC00] =	vst v63  }
0x4b: {  	_ =	swait.ge [sflag:s20], $0x4000  }
0x4c: {  	[sflag:s20] =	ssyncset.done $0x0  }
0x4d: {  	s29 =	sadd.s32 $0x1000, s26;
	[sflag:s20] =	ssyncadd.s32 $0xFFFFC000  }
0x4e: {  	[spmem:s2] =	stream.indirect.scatter.add.f32 [tilespmem:s18], [sflag:$0x3], $0x80, s29, s17, $0xb8;
	[tilespmem:$0x1DC00] =	vst v63  }
0x4f: {  	_ =	swait.ge [sflag:s15], $0x4000  }
0x50: {  	[sflag:s15] =	ssyncset.done $0x0  }
0x51: {  	s30 =	sadd.s32 $0x100, s26;
	[sflag:s15] =	ssyncadd.s32 $0xFFFFC000  }
0x52: {  	[tilespmem:s18], [sflag:$0x1] =	stream.indirect.gather [hbm4b:s4+s17], $0x80, s30, s17, $0xb8;
	[tilespmem:$0x1DC00] =	vst v63  }
0x53: {  	_ =	swait.ge [sflag:s21], $0x4000  }
0x54: {  	[sflag:s21] =	ssyncset.done $0x0  }
0x55: {  	s31 =	sadd.s32 $0x1080, s26;
	[sflag:s21] =	ssyncadd.s32 $0xFFFFC000  }
0x56: {  	[spmem:s2] =	stream.indirect.scatter.add.f32 [tilespmem:s19], [sflag:$0x3], $0x80, s31, s17, $0xb8;
	[tilespmem:$0x1DC00] =	vst v63  }
0x57: {  	_ =	swait.ge [sflag:s15], $0x4000  }
0x58: {  	[sflag:s15] =	ssyncset.done $0x0  }
0x59: {  	[sflag:s15] =	ssyncadd.s32 $0xFFFFC000  }
0x5a: {  	[tilespmem:s19], [sflag:$0x2] =	stream.indirect.gather [hbm4b:s4+s17], $0x80, s22, s17, $0xb8;
	[tilespmem:$0x1DC00] =	vst v63  }
0x5b: {  	_ =	swait.ge [sflag:s20], $0x4000  }
0x5c: {  	[sflag:s20] =	ssyncset.done $0x0  }
0x5d: {  	[sflag:s20] =	ssyncadd.s32 $0xFFFFC000  }
0x5e: {  	[spmem:s2] =	stream.indirect.scatter.add.f32 [tilespmem:s18], [sflag:$0x3], $0x80, s23, s17, $0xb8;
	[tilespmem:$0x1DC00] =	vst v63  }
0x5f: {  	_ =	swait.ge [sflag:s15], $0x4000  }
0x60: {  	[sflag:s15] =	ssyncset.done $0x0  }
0x61: {  	[sflag:s15] =	ssyncadd.s32 $0xFFFFC000  }
0x62: {  	s25 =	sadd.s32 $0x1, s25;
	_ =	swait.ge [sflag:s21], $0x4000  }
0x63: {  	p1 =	seq.s32 s25, $0x5;
	[sflag:s21] =	ssyncset.done $0x0  }
.Ltmp4:
0x64: {  	[sflag:s21] =	ssyncadd.s32 $0xFFFFC000;
	(pc) =	sbr.rel @!p1 .LBB2_2-.Ltmp4, $4  }
0x65: {  	[spmem:s2] =	stream.indirect.scatter.add.f32 [tilespmem:s19], [sflag:$0x3], $0x80, s24, s17, $0xb8;
	[tilespmem:$0x1DC00] =	vst v63  }
0x66: {  	_ =	swait.ge [sflag:s15], $0x4000  }
0x67: {  	[sflag:s15] =	ssyncset.done $0x0  }
0x68: {  	[sflag:s15] =	ssyncadd.s32 $0xFFFFC000  }
.Ltmp5:
0x69: {  	(pc) =	sbr.rel .LBB2_10-.Ltmp5, $2  }
0x6a: {  	_ =	sdelay $0x2  }
0x6b: {  	s25 =	smov.u32 s7  }
.LBB2_6:
0x6c: {  	s25 =	sshll.u32 s26, $0x9  }
0x6d: {  	s29 =	simm.s32 $0x0;
	s28 =	sadd.s32 s25, s10  }
0x6e: {  	[tilespmem:s29], [sflag:$0x3] =	stream.linear.gather [hbm4b:s28+s29], $0x1000, $0x38;
	[tilespmem:$0x1DC00] =	vst v63  }
0x6f: {  	_ =	swait.ge [sflag:s15], $0x1000  }
0x70: {  	[sflag:s15] =	ssyncset.done $0x0  }
0x71: {  	s25 =	sadd.s32 s25, s11;
	[sflag:s15] =	ssyncadd.s32 $0xFFFFF000  }
0x72: {  	[tilespmem:s16], [sflag:$0x3] =	stream.linear.gather [hbm4b:s25+s29], $0x1000, $0x38;
	[tilespmem:$0x1DC00] =	vst v63  }
0x73: {  	_ =	swait.ge [sflag:s15], $0x1000  }
0x74: {  	[sflag:s15] =	ssyncset.done $0x0  }
0x75: {  	[sflag:s15] =	ssyncadd.s32 $0xFFFFF000  }
0x76: {  	[tilespmem:s18], [sflag:$0x1] =	stream.indirect.gather [hbm4b:s5+s17], $0x80, s29, s17, $0xb8;
	[tilespmem:$0x1DC00] =	vst v63  }
0x77: {  	s31 =	simm.s32 $0x80  }
0x78: {  	[tilespmem:s19], [sflag:$0x2] =	stream.indirect.gather [hbm4b:s5+s17], $0x80, s31, s17, $0xb8;
	[tilespmem:$0x1DC00] =	vst v63  }
0x79: {  	_ =	swait.ge [sflag:s20], $0x4000  }
0x7a: {  	[sflag:s20] =	ssyncset.done $0x0  }
0x7b: {  	s29 =	simm.s32 $0x1000;
	[sflag:s20] =	ssyncadd.s32 $0xFFFFC000  }
0x7c: {  	[spmem:s2] =	stream.indirect.scatter.add.f32 [tilespmem:s18], [sflag:$0x3], $0x80, s29, s17, $0xb8;
	[tilespmem:$0x1DC00] =	vst v63  }
0x7d: {  	_ =	swait.ge [sflag:s15], $0x4000  }
0x7e: {  	[sflag:s15] =	ssyncset.done $0x0  }
0x7f: {  	s30 =	simm.s32 $0x100;
	[sflag:s15] =	ssyncadd.s32 $0xFFFFC000  }
0x80: {  	[tilespmem:s18], [sflag:$0x1] =	stream.indirect.gather [hbm4b:s5+s17], $0x80, s30, s17, $0xb8;
	[tilespmem:$0x1DC00] =	vst v63  }
0x81: {  	_ =	swait.ge [sflag:s21], $0x4000  }
0x82: {  	[sflag:s21] =	ssyncset.done $0x0  }
0x83: {  	s31 =	simm.s32 $0x1080;
	[sflag:s21] =	ssyncadd.s32 $0xFFFFC000  }
0x84: {  	[spmem:s2] =	stream.indirect.scatter.add.f32 [tilespmem:s19], [sflag:$0x3], $0x80, s31, s17, $0xb8;
	[tilespmem:$0x1DC00] =	vst v63  }
0x85: {  	_ =	swait.ge [sflag:s15], $0x4000  }
0x86: {  	s28 =	simm.s32 $0x800;
	s25 =	simm.s32 $0x100;
	[sflag:s15] =	ssyncset.done $0x0  }
.LBB2_7:
0x87: {  	s29 =	sadd.s32 $0x80, s25  }
0x88: {  	[sflag:s15] =	ssyncadd.s32 $0xFFFFC000;
	s30 =	smov.u32 s28;
	s31 =	sadd.s32 $0x400, s28  }
0x89: {  	[tilespmem:s19], [sflag:$0x2] =	stream.indirect.gather [hbm4b:s5+s17], $0x80, s29, s17, $0xb8;
	[tilespmem:$0x1DC00] =	vst v63  }
0x8a: {  	p1 =	sne.s32 s28, $0x3800;
	_ =	swait.ge [sflag:s20], $0x4000  }
0x8b: {  	[sflag:s20] =	ssyncset.done $0x0  }
0x8c: {  	s28 =	sadd.s32 $0x1000, s25;
	[sflag:s20] =	ssyncadd.s32 $0xFFFFC000  }
0x8d: {  	[spmem:s2] =	stream.indirect.scatter.add.f32 [tilespmem:s18], [sflag:$0x3], $0x80, s28, s17, $0xb8;
	[tilespmem:$0x1DC00] =	vst v63  }
0x8e: {  	_ =	swait.ge [sflag:s15], $0x4000  }
0x8f: {  	[sflag:s15] =	ssyncset.done $0x0  }
0x90: {  	s28 =	sadd.s32 $0x100, s25;
	[sflag:s15] =	ssyncadd.s32 $0xFFFFC000  }
0x91: {  	[tilespmem:s18], [sflag:$0x1] =	stream.indirect.gather [hbm4b:s5+s17], $0x80, s28, s17, $0xb8;
	[tilespmem:$0x1DC00] =	vst v63  }
0x92: {  	_ =	swait.ge [sflag:s21], $0x4000  }
.Ltmp6:
0x93: {  	[sflag:s21] =	ssyncset.done $0x0;
	(pc) =	sbr.rel @p1 .LBB2_7-.Ltmp6, $4  }
0x94: {  	s25 =	sadd.s32 $0x1080, s25;
	[sflag:s21] =	ssyncadd.s32 $0xFFFFC000  }
0x95: {  	[spmem:s2] =	stream.indirect.scatter.add.f32 [tilespmem:s19], [sflag:$0x3], $0x80, s25, s17, $0xb8;
	[tilespmem:$0x1DC00] =	vst v63  }
0x96: {  	_ =	swait.ge [sflag:s15], $0x4000  }
0x97: {  	s28 =	smov.u32 s31;
	s25 =	sshra.s32 s30, $0x2;
	[sflag:s15] =	ssyncset.done $0x0  }
0x98: {  	s28 =	sadd.s32 $0x80, s25;
	[sflag:s15] =	ssyncadd.s32 $0xFFFFC000  }
0x99: {  	[tilespmem:s19], [sflag:$0x2] =	stream.indirect.gather [hbm4b:s5+s17], $0x80, s28, s17, $0xb8;
	[tilespmem:$0x1DC00] =	vst v63  }
0x9a: {  	_ =	swait.ge [sflag:s20], $0x4000  }
0x9b: {  	[sflag:s20] =	ssyncset.done $0x0  }
0x9c: {  	s29 =	sadd.s32 $0x1000, s25;
	[sflag:s20] =	ssyncadd.s32 $0xFFFFC000  }
0x9d: {  	[spmem:s2] =	stream.indirect.scatter.add.f32 [tilespmem:s18], [sflag:$0x3], $0x80, s29, s17, $0xb8;
	[tilespmem:$0x1DC00] =	vst v63  }
0x9e: {  	_ =	swait.ge [sflag:s15], $0x4000  }
0x9f: {  	[sflag:s15] =	ssyncset.done $0x0  }
0xa0: {  	s30 =	sadd.s32 $0x100, s25;
	[sflag:s15] =	ssyncadd.s32 $0xFFFFC000  }
0xa1: {  	[tilespmem:s18], [sflag:$0x1] =	stream.indirect.gather [hbm4b:s5+s17], $0x80, s30, s17, $0xb8;
	[tilespmem:$0x1DC00] =	vst v63  }
0xa2: {  	_ =	swait.ge [sflag:s21], $0x4000  }
0xa3: {  	[sflag:s21] =	ssyncset.done $0x0  }
0xa4: {  	s31 =	sadd.s32 $0x1080, s25;
	[sflag:s21] =	ssyncadd.s32 $0xFFFFC000  }
0xa5: {  	[spmem:s2] =	stream.indirect.scatter.add.f32 [tilespmem:s19], [sflag:$0x3], $0x80, s31, s17, $0xb8;
	[tilespmem:$0x1DC00] =	vst v63  }
0xa6: {  	_ =	swait.ge [sflag:s15], $0x4000  }
0xa7: {  	[sflag:s15] =	ssyncset.done $0x0  }
0xa8: {  	[sflag:s15] =	ssyncadd.s32 $0xFFFFC000  }
0xa9: {  	[tilespmem:s19], [sflag:$0x2] =	stream.indirect.gather [hbm4b:s5+s17], $0x80, s22, s17, $0xb8;
	[tilespmem:$0x1DC00] =	vst v63  }
0xaa: {  	_ =	swait.ge [sflag:s20], $0x4000  }
0xab: {  	[sflag:s20] =	ssyncset.done $0x0  }
0xac: {  	[sflag:s20] =	ssyncadd.s32 $0xFFFFC000  }
0xad: {  	[spmem:s2] =	stream.indirect.scatter.add.f32 [tilespmem:s18], [sflag:$0x3], $0x80, s23, s17, $0xb8;
	[tilespmem:$0x1DC00] =	vst v63  }
0xae: {  	_ =	swait.ge [sflag:s15], $0x4000  }
0xaf: {  	[sflag:s15] =	ssyncset.done $0x0  }
0xb0: {  	[sflag:s15] =	ssyncadd.s32 $0xFFFFC000  }
0xb1: {  	s26 =	sadd.s32 $0x1, s26;
	_ =	swait.ge [sflag:s21], $0x4000  }
0xb2: {  	p1 =	sne.s32 s26, $0x5;
	[sflag:s21] =	ssyncset.done $0x0  }
.Ltmp7:
0xb3: {  	[sflag:s21] =	ssyncadd.s32 $0xFFFFC000;
	(pc) =	sbr.rel @p1 .LBB2_6-.Ltmp7, $4  }
0xb4: {  	[spmem:s2] =	stream.indirect.scatter.add.f32 [tilespmem:s19], [sflag:$0x3], $0x80, s24, s17, $0xb8;
	[tilespmem:$0x1DC00] =	vst v63  }
0xb5: {  	_ =	swait.ge [sflag:s15], $0x4000  }
0xb6: {  	[sflag:s15] =	ssyncset.done $0x0  }
0xb7: {  	[sflag:s15] =	ssyncadd.s32 $0xFFFFC000  }
.Ltmp8:
0xb8: {  	(pc) =	sbr.rel .LBB2_10-.Ltmp8, $2  }
0xb9: {  	_ =	sdelay $0x2  }
0xba: {  	s25 =	smov.u32 s8  }
.LBB2_11:
0xbb: {  	_ =	sfence.sel $0x180000  }
0xbc: {  	[bflag:$0x0] =	sbarrier.arrive $0xFFFF  }
0xbd: {  	p0 =	sne.s32 s1, $0x0;
	_ =	strace $0x9000004D  }
0xbe: {  	s0 =	sadd.s32 @!p0 $0x100000, s0;
	[bflag:$0x2] =	sbarrier.arrive $0xFFFF  }
0xbf: {  	[sflag:s0] =	ssyncadd.tile.s32 @!p0 $0x1;
	_ =	shalt  }
.Lfunc_end2:
_tile_overlayer_lowered:
.L_overlay_start_2:
0xc0: {  	(tag) =	ssettag $0x2  }
0xc1: {  	s0 =	rddreg [dreg:$0x0];
	s2 =	stileid.u32  }
0xc2: {  	s1 =	rddreg [dreg:$0x1];
	p0 =	sne.s32 s2, $0x0  }
0xc3: {  	s3 =	rddreg [dreg:$0x2];
	[bflag:$0x3] =	sbarrier.arrive $0xFFFF;
	s2 =	simm.s32 @!p0 $0x1C03  }
0xc4: {  	[timem:s3], [sflag:s2] =	dma.local @!p0 [hbm:s0], s1  }
0xc5: {  	s0 =	simm.s32 @!p0 $0x3  }
0xc6: {  	_ =	swait.ge @!p0 [sflag:s0], s1  }
0xc7: {  	s1 =	ssub.s32 @!p0 $0x0, s1;
	[sflag:s0] =	ssyncset.done @!p0 $0x0  }
0xc8: {  	[sflag:s0] =	ssyncadd.s32 @!p0 s1  }
0xc9: {  	[bflag:$0x3] =	sbarrier.arrive $0xFFFF  }
0xca: {  	_ =	shalt  }

</sc_bundles>
